<compile_context>
chip_gen: v7x
topology: tpu7x:2x2x1
jax: 0.10.2.dev20260603
libtpu: 0.0.44.dev20260713+nightly
codegen_flags: <defaults>
</compile_context>

<pallas_src>
import jax
import jax.numpy as jnp
from jax import lax
from jax.experimental import pallas as pl
from jax.experimental.pallas import tpu as pltpu
from jax.experimental.pallas import tpu_sc as plsc

N = 10000
E = 300000
D_IN = 128
H = 64
OUT = 32

NT = 16
CH = 128
NCH = 148
NB = 4
E_PAD = NT * NCH * CH
NP = 10240
RPT = NP // NT

_MESH = plsc.VectorSubcoreMesh(core_axis_name="c", subcore_axis_name="s")
_SC_PARAMS = pltpu.CompilerParams(use_tc_tiling_on_sc=False)


def _pipelined_scatter(sv, dv, table, acc, rows, gs, ss,
                       cac=None, ones_v=None, cs=None, n_chunks=NCH):
    nb = len(rows)
    W = nb // 2

    def gwait(j, k):
        pltpu.make_async_copy(table.at[sv.at[j]], rows[k], gs[k]).wait()

    def swait(k):
        pltpu.make_async_copy(rows[k], acc.at[dv.at[0]], ss[k]).wait()

    def cwait(k):
        pltpu.make_async_copy(ones_v, cac.at[dv.at[0]], cs[k]).wait()

    for k in range(W):
        pltpu.async_copy(table.at[sv.at[k]], rows[k], gs[k])

    def group(g, carry):
        j0 = g * nb
        for k in range(nb):
            j = j0 + k
            gwait(j, k)
            pltpu.async_copy(rows[k], acc.at[dv.at[j]], ss[k], add=True)
            if cac is not None:
                pltpu.async_copy(ones_v, cac.at[dv.at[j]], cs[k], add=True)
            kn = (k + W) % nb

            @pl.when(j + W < n_chunks)
            def _(j=j, kn=kn):
                @pl.when(j >= W)
                def _():
                    swait(kn)
                    if cac is not None:
                        cwait(kn)
                pltpu.async_copy(table.at[sv.at[j + W]], rows[kn], gs[kn])
        return carry

    lax.fori_loop(0, n_chunks // nb, group, 0)
    for k in range(nb):
        swait(k)
        if cac is not None:
            cwait(k)


def _seg_body_cnt(hu, hi, sui, dui, siu, diu, zrow, z16, ones16,
                  o_sui, o_siu, o_cui, o_ciu,
                  acc, cac, sv, dv, r0b, r1b, r2b, r3b, ones_v,
                  g0, g1, g2, g3, s0, s1, s2, s3, c0, c1, c2, c3):
    c = lax.axis_index("c")
    s = lax.axis_index("s")
    r0 = s * RPT
    rows = (r0b, r1b, r2b, r3b)
    gs = (g0, g1, g2, g3)
    ss = (s0, s1, s2, s3)
    cs = (c0, c1, c2, c3)
    pltpu.sync_copy(zrow, acc.at[pl.ds(r0, RPT)])
    pltpu.sync_copy(z16, cac.at[pl.ds(r0, RPT)])
    pltpu.sync_copy(ones16, ones_v)

    def work(src_hbm, dst_hbm, table, o_s, o_c):
        pltpu.sync_copy(src_hbm.at[s], sv)
        pltpu.sync_copy(dst_hbm.at[s], dv)
        plsc.subcore_barrier()
        _pipelined_scatter(sv, dv, table, acc, rows, gs, ss,
                           cac=cac, ones_v=ones_v, cs=cs)
        plsc.subcore_barrier()
        pltpu.sync_copy(acc.at[pl.ds(r0, RPT)], o_s.at[pl.ds(r0, RPT)])
        pltpu.sync_copy(cac.at[pl.ds(r0, RPT)], o_c.at[pl.ds(r0, RPT)])

    @pl.when(c == 0)
    def _():
        work(sui, dui, hu, o_sui, o_cui)

    @pl.when(c == 1)
    def _():
        work(siu, diu, hi, o_siu, o_ciu)


def _seg_body(hu, hi, sui, dui, siu, diu, zrow,
              o_sui, o_siu,
              acc, tab, sv, dv, r0b, r1b, r2b, r3b,
              g0, g1, g2, g3, s0, s1, s2, s3):
    c = lax.axis_index("c")
    s = lax.axis_index("s")
    r0 = s * RPT
    rows = (r0b, r1b, r2b, r3b)
    gs = (g0, g1, g2, g3)
    ss = (s0, s1, s2, s3)
    pltpu.sync_copy(zrow, acc.at[pl.ds(r0, RPT)])

    def work(src_hbm, dst_hbm, table_hbm, o_s):
        pltpu.sync_copy(table_hbm.at[pl.ds(r0, RPT)], tab.at[pl.ds(r0, RPT)])
        pltpu.sync_copy(src_hbm.at[s], sv)
        pltpu.sync_copy(dst_hbm.at[s], dv)
        plsc.subcore_barrier()
        _pipelined_scatter(sv, dv, tab, acc, rows, gs, ss)
        plsc.subcore_barrier()
        pltpu.sync_copy(acc.at[pl.ds(r0, RPT)], o_s.at[pl.ds(r0, RPT)])

    @pl.when(c == 0)
    def _():
        work(sui, dui, hu, o_sui)

    @pl.when(c == 1)
    def _():
        work(siu, diu, hi, o_siu)


def _seg_sum_cnt(hu, hi, sui, dui, siu, diu):
    zrow = jnp.zeros((RPT, H), jnp.float32)
    z16 = jnp.zeros((RPT, 16), jnp.float32)
    ones16 = jnp.ones((CH, 16), jnp.float32)
    f = pl.kernel(
        _seg_body_cnt,
        out_type=[
            jax.ShapeDtypeStruct((NP, H), jnp.float32),
            jax.ShapeDtypeStruct((NP, H), jnp.float32),
            jax.ShapeDtypeStruct((NP, 16), jnp.float32),
            jax.ShapeDtypeStruct((NP, 16), jnp.float32),
        ],
        mesh=_MESH,
        compiler_params=_SC_PARAMS,
        scratch_types=[
            pltpu.VMEM_SHARED((NP, H), jnp.float32),
            pltpu.VMEM_SHARED((NP, 16), jnp.float32),
            pltpu.VMEM((NCH, CH), jnp.int32),
            pltpu.VMEM((NCH, CH), jnp.int32),
        ] + [pltpu.VMEM((CH, H), jnp.float32)] * NB + [
            pltpu.VMEM((CH, 16), jnp.float32),
        ] + [pltpu.SemaphoreType.DMA] * (3 * NB),
    )
    return f(hu, hi, sui, dui, siu, diu, zrow, z16, ones16)


def _seg_sum(hu, hi, sui, dui, siu, diu, feat):
    zrow = jnp.zeros((RPT, feat), jnp.float32)
    f = pl.kernel(
        _seg_body,
        out_type=[
            jax.ShapeDtypeStruct((NP, feat), jnp.float32),
            jax.ShapeDtypeStruct((NP, feat), jnp.float32),
        ],
        mesh=_MESH,
        compiler_params=_SC_PARAMS,
        scratch_types=[
            pltpu.VMEM_SHARED((NP, feat), jnp.float32),
            pltpu.VMEM_SHARED((NP, feat), jnp.float32),
            pltpu.VMEM((NCH, CH), jnp.int32),
            pltpu.VMEM((NCH, CH), jnp.int32),
        ] + [pltpu.VMEM((CH, feat), jnp.float32)] * NB
          + [pltpu.SemaphoreType.DMA] * (2 * NB),
    )
    return f(hu, hi, sui, dui, siu, diu, zrow)



_BLK = 2000
_GRID = N // _BLK


def _proj_body(xu, xi, wu, wi, bu, bi, ou, oi):
    ou[...] = jnp.maximum(
        jnp.dot(xu[...], wu[...], preferred_element_type=jnp.float32)
        + bu[0:1, :], 0.0)
    oi[...] = jnp.maximum(
        jnp.dot(xi[...], wi[...], preferred_element_type=jnp.float32)
        + bi[0:1, :], 0.0)


def _proj(xu, xi, wu, bu, wi, bi):
    full = lambda shp: pl.BlockSpec(shp, lambda i: (0,) * len(shp))
    row = lambda shp: pl.BlockSpec(shp, lambda i: (i,) + (0,) * (len(shp) - 1))
    return pl.pallas_call(
        _proj_body,
        grid=(_GRID,),
        in_specs=[row((_BLK, D_IN)), row((_BLK, D_IN)),
                  full((D_IN, H)), full((D_IN, H)),
                  full((1, H)), full((1, H))],
        out_specs=[row((_BLK, H)), row((_BLK, H))],
        out_shape=[jax.ShapeDtypeStruct((N, H), jnp.float32),
                   jax.ShapeDtypeStruct((N, H), jnp.float32)],
    )(xu, xi, wu, wi, bu.reshape(1, H), bi.reshape(1, H))


_full = lambda shp: pl.BlockSpec(shp, lambda i: (0,) * len(shp))
_row = lambda shp: pl.BlockSpec(shp, lambda i: (i,) + (0,) * (len(shp) - 1))


def _ln_act(n, g, be, relu):
    m = jnp.mean(n, axis=-1, keepdims=True)
    v = jnp.mean((n - m) * (n - m), axis=-1, keepdims=True)
    y = (n - m) * lax.rsqrt(v + 1e-5) * g[0:1, :] + be[0:1, :]
    return jnp.maximum(y, 0.0) if relu else y


def _c1_side(sr, cr, hr, wl, wr, b, g, be, wn, o, op):
    cnt = cr[...][:, 0:1]
    mean = sr[...] / jnp.maximum(cnt, 1.0)
    n = (jnp.dot(mean, wl[...], preferred_element_type=jnp.float32)
         + jnp.dot(hr[...], wr[...], preferred_element_type=jnp.float32)
         + b[0:1, :])
    y = _ln_act(n, g, be, True)
    o[...] = y
    op[...] = jnp.dot(y, wn[...], preferred_element_type=jnp.float32)


def _combine1_body(s_a, c_a, h_a, wl_a, wr_a, b_a, g_a, be_a, wn_a,
                   s_b, c_b, h_b, wl_b, wr_b, b_b, g_b, be_b, wn_b,
                   o_a, op_a, o_b, op_b):
    _c1_side(s_a, c_a, h_a, wl_a, wr_a, b_a, g_a, be_a, wn_a, o_a, op_a)
    _c1_side(s_b, c_b, h_b, wl_b, wr_b, b_b, g_b, be_b, wn_b, o_b, op_b)


def _combine_l1(s_a, c_a, h_a, wl_a, wr_a, b_a, g_a, be_a, wn_a,
                s_b, c_b, h_b, wl_b, wr_b, b_b, g_b, be_b, wn_b):
    bc = lambda x: x.reshape(1, H)
    side = [_row((_BLK, H)), _row((_BLK, 16)), _row((_BLK, H)),
            _full((H, H)), _full((H, H)),
            _full((1, H)), _full((1, H)), _full((1, H)), _full((H, OUT))]
    return pl.pallas_call(
        _combine1_body,
        grid=(_GRID,),
        in_specs=side + side,
        out_specs=[_row((_BLK, H)), _row((_BLK, OUT)),
                   _row((_BLK, H)), _row((_BLK, OUT))],
        out_shape=[jax.ShapeDtypeStruct((N, H), jnp.float32),
                   jax.ShapeDtypeStruct((NP, OUT), jnp.float32),
                   jax.ShapeDtypeStruct((N, H), jnp.float32),
                   jax.ShapeDtypeStruct((NP, OUT), jnp.float32)],
    )(s_a, c_a, h_a, wl_a, wr_a, bc(b_a), bc(g_a), bc(be_a), wn_a,
      s_b, c_b, h_b, wl_b, wr_b, bc(b_b), bc(g_b), bc(be_b), wn_b)


def _c2_side(sr, cr, hr, wr, b, g, be, o):
    cnt = cr[...][:, 0:1]
    n = (sr[...] / jnp.maximum(cnt, 1.0)
         + jnp.dot(hr[...], wr[...], preferred_element_type=jnp.float32)
         + b[0:1, :])
    o[...] = _ln_act(n, g, be, False)


def _combine2_body(s_a, c_a, h_a, wr_a, b_a, g_a, be_a,
                   s_b, c_b, h_b, wr_b, b_b, g_b, be_b, o_a, o_b):
    _c2_side(s_a, c_a, h_a, wr_a, b_a, g_a, be_a, o_a)
    _c2_side(s_b, c_b, h_b, wr_b, b_b, g_b, be_b, o_b)


def _combine_l2(s_a, c_a, h_a, wr_a, b_a, g_a, be_a,
                s_b, c_b, h_b, wr_b, b_b, g_b, be_b):
    bc = lambda x: x.reshape(1, OUT)
    side = [_row((_BLK, OUT)), _row((_BLK, 16)), _row((_BLK, H)),
            _full((H, OUT)),
            _full((1, OUT)), _full((1, OUT)), _full((1, OUT))]
    return pl.pallas_call(
        _combine2_body,
        grid=(_GRID,),
        in_specs=side + side,
        out_specs=[_row((_BLK, OUT)), _row((_BLK, OUT))],
        out_shape=[jax.ShapeDtypeStruct((N, OUT), jnp.float32),
                   jax.ShapeDtypeStruct((N, OUT), jnp.float32)],
    )(s_a, c_a, h_a, wr_a, bc(b_a), bc(g_a), bc(be_a),
      s_b, c_b, h_b, wr_b, bc(b_b), bc(g_b), bc(be_b))


def _prep_edges(ei):
    pad = E_PAD - E
    src = jnp.concatenate([ei[0], jnp.zeros((pad,), jnp.int32)])
    dst = jnp.concatenate([ei[1], jnp.full((pad,), N, jnp.int32)])
    return src.reshape(NT, NCH, CH), dst.reshape(NT, NCH, CH)


def kernel(x_user, x_item, edge_index_ui, edge_index_iu, Win_u, bin_u, Win_i,
           bin_i, l1_Wl_ui, l1_Wr_ui, l1_b_ui, l1_Wl_iu, l1_Wr_iu, l1_b_iu,
           l1_ln_g_u, l1_ln_b_u, l1_ln_g_i, l1_ln_b_i, l2_Wl_ui, l2_Wr_ui,
           l2_b_ui, l2_Wl_iu, l2_Wr_iu, l2_b_iu, l2_ln_g_u, l2_ln_b_u,
           l2_ln_g_i, l2_ln_b_i):
    sui, dui = _prep_edges(edge_index_ui)
    siu, diu = _prep_edges(edge_index_iu)

    h_u, h_i = _proj(x_user, x_item, Win_u, bin_u, Win_i, bin_i)

    s_ui, s_iu, c_ui, c_iu = _seg_sum_cnt(h_u, h_i, sui, dui, siu, diu)
    h_i2, hp_i2, h_u2, hp_u2 = _combine_l1(
        s_ui, c_ui, h_i, l1_Wl_ui, l1_Wr_ui, l1_b_ui, l1_ln_g_i, l1_ln_b_i,
        l2_Wl_iu,
        s_iu, c_iu, h_u, l1_Wl_iu, l1_Wr_iu, l1_b_iu, l1_ln_g_u, l1_ln_b_u,
        l2_Wl_ui)

    s2_ui, s2_iu = _seg_sum(hp_u2, hp_i2, sui, dui, siu, diu, OUT)
    out_i, out_u = _combine_l2(
        s2_ui, c_ui, h_i2, l2_Wr_ui, l2_b_ui, l2_ln_g_i, l2_ln_b_i,
        s2_iu, c_iu, h_u2, l2_Wr_iu, l2_b_iu, l2_ln_g_u, l2_ln_b_u)

    return (out_u, out_i)

# --- scband reference (transcript-rebuilt; emitter-appended) ---
"""Pipeline reference for scband-rasaswadaya-gnn-26113401160011 (READ-ONLY COPY).

The authoritative reference and input builder live on the scoring server;
editing this copy changes nothing except your own understanding.
"""

import jax, jax.numpy as jnp
import numpy as np

N_U = 10000
N_I = 10000
E = 300000
D_IN = 128
H = 64
OUT = 32


def setup_inputs(seed: int = 0):
    key = jax.random.key(seed)
    ks = jax.random.split(key, 32)

    def w(i, shape, fan):
        return jax.random.normal(ks[i], shape, dtype=jnp.float32) / np.sqrt(fan)

    inp = {}
    inp['x_user'] = jax.random.normal(ks[0], (N_U, D_IN), dtype=jnp.float32)
    inp['x_item'] = jax.random.normal(ks[1], (N_I, D_IN), dtype=jnp.float32)
    inp['edge_index_ui'] = jnp.stack([jax.random.randint(ks[2], (E,), 0, N_U), jax.random.randint(ks[3], (E,), 0, N_I)]).astype(jnp.int32)
    inp['edge_index_iu'] = jnp.stack([jax.random.randint(ks[4], (E,), 0, N_I), jax.random.randint(ks[5], (E,), 0, N_U)]).astype(jnp.int32)
    inp['Win_u'] = w(6, (D_IN, H), D_IN)
    inp['bin_u'] = jnp.zeros((H,), jnp.float32)
    inp['Win_i'] = w(7, (D_IN, H), D_IN)
    inp['bin_i'] = jnp.zeros((H,), jnp.float32)
    inp['l1_Wl_ui'] = w(8, (H, H), H)
    inp['l1_Wr_ui'] = w(9, (H, H), H)
    inp['l1_b_ui'] = jnp.zeros((H,), jnp.float32)
    inp['l1_Wl_iu'] = w(10, (H, H), H)
    inp['l1_Wr_iu'] = w(11, (H, H), H)
    inp['l1_b_iu'] = jnp.zeros((H,), jnp.float32)
    inp['l1_ln_g_u'] = jnp.ones((H,), jnp.float32)
    inp['l1_ln_b_u'] = jnp.zeros((H,), jnp.float32)
    inp['l1_ln_g_i'] = jnp.ones((H,), jnp.float32)
    inp['l1_ln_b_i'] = jnp.zeros((H,), jnp.float32)
    inp['l2_Wl_ui'] = w(12, (H, OUT), H)
    inp['l2_Wr_ui'] = w(13, (H, OUT), H)
    inp['l2_b_ui'] = jnp.zeros((OUT,), jnp.float32)
    inp['l2_Wl_iu'] = w(14, (H, OUT), H)
    inp['l2_Wr_iu'] = w(15, (H, OUT), H)
    inp['l2_b_iu'] = jnp.zeros((OUT,), jnp.float32)
    inp['l2_ln_g_u'] = jnp.ones((OUT,), jnp.float32)
    inp['l2_ln_b_u'] = jnp.zeros((OUT,), jnp.float32)
    inp['l2_ln_g_i'] = jnp.ones((OUT,), jnp.float32)
    inp['l2_ln_b_i'] = jnp.zeros((OUT,), jnp.float32)
    return inp


def _sage(h_src, h_dst, ei, Wl, Wr, b, n_dst):
    # PyG SAGEConv(aggr='mean'): out = lin_l(mean_j x_j) + lin_r(x_dst)
    src = ei[0]
    dst = ei[1]
    msgs = jnp.take(h_src, src, axis=0)
    s = jax.ops.segment_sum(msgs, dst, num_segments=n_dst)
    cnt = jax.ops.segment_sum(jnp.ones((ei.shape[1],), dtype=h_src.dtype), dst, num_segments=n_dst)
    mean = s / jnp.clip(cnt, 1.0, None)[:, None]
    return mean @ Wl + b + h_dst @ Wr


def _ln(x, g, b):
    m = jnp.mean(x, axis=-1, keepdims=True)
    v = jnp.var(x, axis=-1, keepdims=True)
    return (x - m) / jnp.sqrt(v + 1e-5) * g + b


def reference(x_user, x_item, edge_index_ui, edge_index_iu, Win_u, bin_u, Win_i, bin_i, l1_Wl_ui, l1_Wr_ui, l1_b_ui, l1_Wl_iu, l1_Wr_iu, l1_b_iu, l1_ln_g_u, l1_ln_b_u, l1_ln_g_i, l1_ln_b_i, l2_Wl_ui, l2_Wr_ui, l2_b_ui, l2_Wl_iu, l2_Wr_iu, l2_b_iu, l2_ln_g_u, l2_ln_b_u, l2_ln_g_i, l2_ln_b_i):
    # input projection + relu
    h_u = jax.nn.relu(x_user @ Win_u + bin_u)
    h_i = jax.nn.relu(x_item @ Win_i + bin_i)
    # layer 1: HeteroConv(sum) over the two edge types (one per dst type)
    n_i = _sage(h_u, h_i, edge_index_ui, l1_Wl_ui, l1_Wr_ui, l1_b_ui, N_I)
    n_u = _sage(h_i, h_u, edge_index_iu, l1_Wl_iu, l1_Wr_iu, l1_b_iu, N_U)
    h_i = jax.nn.relu(_ln(n_i, l1_ln_g_i, l1_ln_b_i))
    h_u = jax.nn.relu(_ln(n_u, l1_ln_g_u, l1_ln_b_u))
    # dropout(0.3) is identity in eval mode
    # layer 2 (final): no relu/dropout, just LayerNorm
    o_i = _sage(h_u, h_i, edge_index_ui, l2_Wl_ui, l2_Wr_ui, l2_b_ui, N_I)
    o_u = _sage(h_i, h_u, edge_index_iu, l2_Wl_iu, l2_Wr_iu, l2_b_iu, N_U)
    out_u = _ln(o_u, l2_ln_g_u, l2_ln_b_u)
    out_i = _ln(o_i, l2_ln_g_i, l2_ln_b_i)
    return (out_u, out_i)

if __name__ == "__main__":
    import jax
    _d = setup_inputs()
    print(jax.jit(kernel)(*tuple(_d.values())))

</pallas_src>

<mosaic_0001>
#map = affine_map<(d0, d1) -> (0, 0)>
#map1 = affine_map<(d0, d1) -> (0, 0, 0)>
module attributes {stable_mosaic.version = 14 : i64} {
  func.func @_seg_body_cnt(%arg0: i32, %arg1: i32, %arg2: memref<10000x64xf32, #tpu.memory_space<hbm>>, %arg3: memref<10000x64xf32, #tpu.memory_space<hbm>>, %arg4: memref<16x148x128xi32, #tpu.memory_space<hbm>>, %arg5: memref<16x148x128xi32, #tpu.memory_space<hbm>>, %arg6: memref<16x148x128xi32, #tpu.memory_space<hbm>>, %arg7: memref<16x148x128xi32, #tpu.memory_space<hbm>>, %arg8: memref<640x64xf32, #tpu.memory_space<hbm>>, %arg9: memref<640x16xf32, #tpu.memory_space<hbm>>, %arg10: memref<128x16xf32, #tpu.memory_space<hbm>>, %arg11: memref<10240x64xf32, #tpu.memory_space<hbm>>, %arg12: memref<10240x64xf32, #tpu.memory_space<hbm>>, %arg13: memref<10240x16xf32, #tpu.memory_space<hbm>>, %arg14: memref<10240x16xf32, #tpu.memory_space<hbm>>, %arg15: memref<10240x64xf32, #tpu.memory_space<vmem_shared>>, %arg16: memref<10240x16xf32, #tpu.memory_space<vmem_shared>>, %arg17: memref<148x128xi32, #tpu.memory_space<vmem>>, %arg18: memref<148x128xi32, #tpu.memory_space<vmem>>, %arg19: memref<128x64xf32, #tpu.memory_space<vmem>>, %arg20: memref<128x64xf32, #tpu.memory_space<vmem>>, %arg21: memref<128x64xf32, #tpu.memory_space<vmem>>, %arg22: memref<128x64xf32, #tpu.memory_space<vmem>>, %arg23: memref<128x16xf32, #tpu.memory_space<vmem>>, %arg24: memref<!tpu.dma_semaphore, #tpu.memory_space<semaphore_mem>>, %arg25: memref<!tpu.dma_semaphore, #tpu.memory_space<semaphore_mem>>, %arg26: memref<!tpu.dma_semaphore, #tpu.memory_space<semaphore_mem>>, %arg27: memref<!tpu.dma_semaphore, #tpu.memory_space<semaphore_mem>>, %arg28: memref<!tpu.dma_semaphore, #tpu.memory_space<semaphore_mem>>, %arg29: memref<!tpu.dma_semaphore, #tpu.memory_space<semaphore_mem>>, %arg30: memref<!tpu.dma_semaphore, #tpu.memory_space<semaphore_mem>>, %arg31: memref<!tpu.dma_semaphore, #tpu.memory_space<semaphore_mem>>, %arg32: memref<!tpu.dma_semaphore, #tpu.memory_space<semaphore_mem>>, %arg33: memref<!tpu.dma_semaphore, #tpu.memory_space<semaphore_mem>>, %arg34: memref<!tpu.dma_semaphore, #tpu.memory_space<semaphore_mem>>, %arg35: memref<!tpu.dma_semaphore, #tpu.memory_space<semaphore_mem>>) attributes {dimension_semantics = [#tpu.dimension_semantics<core_parallel>, #tpu.dimension_semantics<subcore_parallel>], iteration_bounds = array<i64: 2, 16>, scalar_prefetch = 0 : i64, scratch_operands = 21 : i64, tpu.core_type = #tpu.core_type<sc_vector_subcore>, window_params = [{transform_indices = #map}, {transform_indices = #map}, {transform_indices = #map1}, {transform_indices = #map1}, {transform_indices = #map1}, {transform_indices = #map1}, {transform_indices = #map}, {transform_indices = #map}, {transform_indices = #map}, {transform_indices = #map}, {transform_indices = #map}, {transform_indices = #map}, {transform_indices = #map}]} {
    %mul3A = arith.constant 640 : i32
    %mul3A_0 = arith.muli %arg1, %mul3A : i32
    "tpu.region"() ({
      %run_scoped3A = tpu.sem_alloc : memref<!tpu.dma_semaphore, #tpu.memory_space<semaphore_mem>>
      %dma_start3A = arith.constant 0 : i32
      %dma_start3A_8 = tpu.memref_slice %arg15[%mul3A_0, %dma_start3A] : memref<10240x64xf32, #tpu.memory_space<vmem_shared>> -> memref<640x64xf32, #tpu.memory_space<vmem_shared>>
      tpu.enqueue_dma source(%arg8 : memref<640x64xf32, #tpu.memory_space<hbm>>) target(%dma_start3A_8 : memref<640x64xf32, #tpu.memory_space<vmem_shared>>) target_semaphore(%run_scoped3A : memref<!tpu.dma_semaphore, #tpu.memory_space<semaphore_mem>>)
      %dma_wait3A = arith.constant 0 : i32
      %dma_wait3A_9 = tpu.memref_slice %arg15[%mul3A_0, %dma_wait3A] : memref<10240x64xf32, #tpu.memory_space<vmem_shared>> -> memref<640x64xf32, #tpu.memory_space<vmem_shared>>
      tpu.wait_dma2 semaphore(%run_scoped3A : memref<!tpu.dma_semaphore, #tpu.memory_space<semaphore_mem>>) src(%arg8 : memref<640x64xf32, #tpu.memory_space<hbm>>) dst(%dma_wait3A_9 : memref<640x64xf32, #tpu.memory_space<vmem_shared>>)
      tpu.yield
    }) : () -> ()
    "tpu.region"() ({
      %run_scoped3A = tpu.sem_alloc : memref<!tpu.dma_semaphore, #tpu.memory_space<semaphore_mem>>
      %dma_start3A = arith.constant 0 : i32
      %dma_start3A_8 = tpu.memref_slice %arg16[%mul3A_0, %dma_start3A] : memref<10240x16xf32, #tpu.memory_space<vmem_shared>> -> memref<640x16xf32, #tpu.memory_space<vmem_shared>>
      tpu.enqueue_dma source(%arg9 : memref<640x16xf32, #tpu.memory_space<hbm>>) target(%dma_start3A_8 : memref<640x16xf32, #tpu.memory_space<vmem_shared>>) target_semaphore(%run_scoped3A : memref<!tpu.dma_semaphore, #tpu.memory_space<semaphore_mem>>)
      %dma_wait3A = arith.constant 0 : i32
      %dma_wait3A_9 = tpu.memref_slice %arg16[%mul3A_0, %dma_wait3A] : memref<10240x16xf32, #tpu.memory_space<vmem_shared>> -> memref<640x16xf32, #tpu.memory_space<vmem_shared>>
      tpu.wait_dma2 semaphore(%run_scoped3A : memref<!tpu.dma_semaphore, #tpu.memory_space<semaphore_mem>>) src(%arg9 : memref<640x16xf32, #tpu.memory_space<hbm>>) dst(%dma_wait3A_9 : memref<640x16xf32, #tpu.memory_space<vmem_shared>>)
      tpu.yield
    }) : () -> ()
    "tpu.region"() ({
      %run_scoped3A = tpu.sem_alloc : memref<!tpu.dma_semaphore, #tpu.memory_space<semaphore_mem>>
      tpu.enqueue_dma source(%arg10 : memref<128x16xf32, #tpu.memory_space<hbm>>) target(%arg23 : memref<128x16xf32, #tpu.memory_space<vmem>>) target_semaphore(%run_scoped3A : memref<!tpu.dma_semaphore, #tpu.memory_space<semaphore_mem>>)
      tpu.wait_dma2 semaphore(%run_scoped3A : memref<!tpu.dma_semaphore, #tpu.memory_space<semaphore_mem>>) src(%arg10 : memref<128x16xf32, #tpu.memory_space<hbm>>) dst(%arg23 : memref<128x16xf32, #tpu.memory_space<vmem>>)
      tpu.yield
    }) : () -> ()
    %eq3A = arith.constant 0 : i32
    %eq3A_1 = arith.cmpi eq, %arg0, %eq3A : i32
    %convert_element_type3A = arith.extui %eq3A_1 : i1 to i32
    %cond3A = arith.constant 0 : i32
    %cond3A_2 = arith.cmpi ne, %convert_element_type3A, %cond3A : i32
    scf.if %cond3A_2 {
      "tpu.region"() ({
        %run_scoped3A = tpu.sem_alloc : memref<!tpu.dma_semaphore, #tpu.memory_space<semaphore_mem>>
        %dma_start3A_82 = arith.constant 0 : i32
        %dma_start3A_83 = arith.constant 0 : i32
        %dma_start3A_84 = tpu.memref_slice %arg4[%arg1, %dma_start3A_82, %dma_start3A_83] : memref<16x148x128xi32, #tpu.memory_space<hbm>> -> memref<1x148x128xi32, #tpu.memory_space<hbm>>
        %dma_start3A_85 = tpu.memref_squeeze %dma_start3A_84 : memref<1x148x128xi32, #tpu.memory_space<hbm>> -> memref<148x128xi32, #tpu.memory_space<hbm>>
        %dma_start3A_86 = arith.constant 0 : i32
        %dma_start3A_87 = arith.constant 0 : i32
        %dma_start3A_88 = tpu.memref_slice %arg4[%arg1, %dma_start3A_86, %dma_start3A_87] : memref<16x148x128xi32, #tpu.memory_space<hbm>> -> memref<1x148x128xi32, #tpu.memory_space<hbm>>
        %dma_start3A_89 = tpu.memref_squeeze %dma_start3A_88 : memref<1x148x128xi32, #tpu.memory_space<hbm>> -> memref<148x128xi32, #tpu.memory_space<hbm>>
        tpu.enqueue_dma source(%dma_start3A_89 : memref<148x128xi32, #tpu.memory_space<hbm>>) target(%arg17 : memref<148x128xi32, #tpu.memory_space<vmem>>) target_semaphore(%run_scoped3A : memref<!tpu.dma_semaphore, #tpu.memory_space<semaphore_mem>>)
        %dma_wait3A_90 = arith.constant 0 : i32
        %dma_wait3A_91 = arith.constant 0 : i32
        %dma_wait3A_92 = tpu.memref_slice %arg4[%arg1, %dma_wait3A_90, %dma_wait3A_91] : memref<16x148x128xi32, #tpu.memory_space<hbm>> -> memref<1x148x128xi32, #tpu.memory_space<hbm>>
        %dma_wait3A_93 = tpu.memref_squeeze %dma_wait3A_92 : memref<1x148x128xi32, #tpu.memory_space<hbm>> -> memref<148x128xi32, #tpu.memory_space<hbm>>
        %dma_wait3A_94 = arith.constant 0 : i32
        %dma_wait3A_95 = arith.constant 0 : i32
        %dma_wait3A_96 = tpu.memref_slice %arg4[%arg1, %dma_wait3A_94, %dma_wait3A_95] : memref<16x148x128xi32, #tpu.memory_space<hbm>> -> memref<1x148x128xi32, #tpu.memory_space<hbm>>
        %dma_wait3A_97 = tpu.memref_squeeze %dma_wait3A_96 : memref<1x148x128xi32, #tpu.memory_space<hbm>> -> memref<148x128xi32, #tpu.memory_space<hbm>>
        tpu.wait_dma2 semaphore(%run_scoped3A : memref<!tpu.dma_semaphore, #tpu.memory_space<semaphore_mem>>) src(%dma_wait3A_97 : memref<148x128xi32, #tpu.memory_space<hbm>>) dst(%arg17 : memref<148x128xi32, #tpu.memory_space<vmem>>)
        tpu.yield
      }) : () -> ()
      "tpu.region"() ({
        %run_scoped3A = tpu.sem_alloc : memref<!tpu.dma_semaphore, #tpu.memory_space<semaphore_mem>>
        %dma_start3A_82 = arith.constant 0 : i32
        %dma_start3A_83 = arith.constant 0 : i32
        %dma_start3A_84 = tpu.memref_slice %arg5[%arg1, %dma_start3A_82, %dma_start3A_83] : memref<16x148x128xi32, #tpu.memory_space<hbm>> -> memref<1x148x128xi32, #tpu.memory_space<hbm>>
        %dma_start3A_85 = tpu.memref_squeeze %dma_start3A_84 : memref<1x148x128xi32, #tpu.memory_space<hbm>> -> memref<148x128xi32, #tpu.memory_space<hbm>>
        %dma_start3A_86 = arith.constant 0 : i32
        %dma_start3A_87 = arith.constant 0 : i32
        %dma_start3A_88 = tpu.memref_slice %arg5[%arg1, %dma_start3A_86, %dma_start3A_87] : memref<16x148x128xi32, #tpu.memory_space<hbm>> -> memref<1x148x128xi32, #tpu.memory_space<hbm>>
        %dma_start3A_89 = tpu.memref_squeeze %dma_start3A_88 : memref<1x148x128xi32, #tpu.memory_space<hbm>> -> memref<148x128xi32, #tpu.memory_space<hbm>>
        tpu.enqueue_dma source(%dma_start3A_89 : memref<148x128xi32, #tpu.memory_space<hbm>>) target(%arg18 : memref<148x128xi32, #tpu.memory_space<vmem>>) target_semaphore(%run_scoped3A : memref<!tpu.dma_semaphore, #tpu.memory_space<semaphore_mem>>)
        %dma_wait3A_90 = arith.constant 0 : i32
        %dma_wait3A_91 = arith.constant 0 : i32
        %dma_wait3A_92 = tpu.memref_slice %arg5[%arg1, %dma_wait3A_90, %dma_wait3A_91] : memref<16x148x128xi32, #tpu.memory_space<hbm>> -> memref<1x148x128xi32, #tpu.memory_space<hbm>>
        %dma_wait3A_93 = tpu.memref_squeeze %dma_wait3A_92 : memref<1x148x128xi32, #tpu.memory_space<hbm>> -> memref<148x128xi32, #tpu.memory_space<hbm>>
        %dma_wait3A_94 = arith.constant 0 : i32
        %dma_wait3A_95 = arith.constant 0 : i32
        %dma_wait3A_96 = tpu.memref_slice %arg5[%arg1, %dma_wait3A_94, %dma_wait3A_95] : memref<16x148x128xi32, #tpu.memory_space<hbm>> -> memref<1x148x128xi32, #tpu.memory_space<hbm>>
        %dma_wait3A_97 = tpu.memref_squeeze %dma_wait3A_96 : memref<1x148x128xi32, #tpu.memory_space<hbm>> -> memref<148x128xi32, #tpu.memory_space<hbm>>
        tpu.wait_dma2 semaphore(%run_scoped3A : memref<!tpu.dma_semaphore, #tpu.memory_space<semaphore_mem>>) src(%dma_wait3A_97 : memref<148x128xi32, #tpu.memory_space<hbm>>) dst(%arg18 : memref<148x128xi32, #tpu.memory_space<vmem>>)
        tpu.yield
      }) : () -> ()
      %barrier3A = arith.constant 0 : index
      tpu.barrier barrier_id(%barrier3A)
      %dma_start3A = arith.constant 0 : i32
      %dma_start3A_8 = arith.constant 0 : i32
      %dma_start3A_9 = tpu.memref_slice %arg17[%dma_start3A, %dma_start3A_8] : memref<148x128xi32, #tpu.memory_space<vmem>> -> memref<1x128xi32, #tpu.memory_space<vmem>>
      %dma_start3A_10 = tpu.memref_squeeze %dma_start3A_9 : memref<1x128xi32, #tpu.memory_space<vmem>> -> memref<128xi32, #tpu.memory_space<vmem>>
      %dma_start3A_11 = arith.constant 0 : i32
      %dma_start3A_12 = arith.constant 0 : i32
      %dma_start3A_13 = tpu.memref_slice %arg2[%dma_start3A_11, %dma_start3A_12] : memref<10000x64xf32, #tpu.memory_space<hbm>> -> memref<10000x64xf32, #tpu.memory_space<hbm>>
      tpu.enqueue_indirect_dma source(%dma_start3A_13 : memref<10000x64xf32, #tpu.memory_space<hbm>>) target(%arg19 : memref<128x64xf32, #tpu.memory_space<vmem>>) offsets(%dma_start3A_10 : memref<128xi32, #tpu.memory_space<vmem>>) semaphore(%arg24 : memref<!tpu.dma_semaphore, #tpu.memory_space<semaphore_mem>>)
      %dma_start3A_14 = arith.constant 1 : i32
      %dma_start3A_15 = arith.constant 0 : i32
      %dma_start3A_16 = tpu.memref_slice %arg17[%dma_start3A_14, %dma_start3A_15] : memref<148x128xi32, #tpu.memory_space<vmem>> -> memref<1x128xi32, #tpu.memory_space<vmem>>
      %dma_start3A_17 = tpu.memref_squeeze %dma_start3A_16 : memref<1x128xi32, #tpu.memory_space<vmem>> -> memref<128xi32, #tpu.memory_space<vmem>>
      %dma_start3A_18 = arith.constant 0 : i32
      %dma_start3A_19 = arith.constant 0 : i32
      %dma_start3A_20 = tpu.memref_slice %arg2[%dma_start3A_18, %dma_start3A_19] : memref<10000x64xf32, #tpu.memory_space<hbm>> -> memref<10000x64xf32, #tpu.memory_space<hbm>>
      tpu.enqueue_indirect_dma source(%dma_start3A_20 : memref<10000x64xf32, #tpu.memory_space<hbm>>) target(%arg20 : memref<128x64xf32, #tpu.memory_space<vmem>>) offsets(%dma_start3A_17 : memref<128xi32, #tpu.memory_space<vmem>>) semaphore(%arg25 : memref<!tpu.dma_semaphore, #tpu.memory_space<semaphore_mem>>)
      %scan3A = arith.constant 0 : i32
      %scan3A_21 = arith.constant 0 : i32
      %scan3A_22 = arith.constant 37 : i32
      %scan3A_23 = arith.addi %scan3A_21, %scan3A_22 : i32
      %scan3A_24 = arith.constant 1 : i32
      scf.for %scan3A_82 = %scan3A_21 to %scan3A_23 step %scan3A_24  : i32 {
        %mul3A_83 = arith.constant 4 : i32
        %mul3A_84 = arith.muli %scan3A_82, %mul3A_83 : i32
        %add3A = arith.constant 0 : i32
        %add3A_85 = arith.addi %mul3A_84, %add3A : i32
        %dma_wait3A_86 = arith.constant 0 : i32
        %dma_wait3A_87 = tpu.memref_slice %arg17[%add3A_85, %dma_wait3A_86] : memref<148x128xi32, #tpu.memory_space<vmem>> -> memref<1x128xi32, #tpu.memory_space<vmem>>
        %dma_wait3A_88 = tpu.memref_squeeze %dma_wait3A_87 : memref<1x128xi32, #tpu.memory_space<vmem>> -> memref<128xi32, #tpu.memory_space<vmem>>
        %dma_wait3A_89 = arith.constant 0 : i32
        %dma_wait3A_90 = arith.constant 0 : i32
        %dma_wait3A_91 = tpu.memref_slice %arg2[%dma_wait3A_89, %dma_wait3A_90] : memref<10000x64xf32, #tpu.memory_space<hbm>> -> memref<10000x64xf32, #tpu.memory_space<hbm>>
        tpu.wait_indirect_dma semaphore(%arg24 : memref<!tpu.dma_semaphore, #tpu.memory_space<semaphore_mem>>) src(%dma_wait3A_91 : memref<10000x64xf32, #tpu.memory_space<hbm>>) dst(%arg19 : memref<128x64xf32, #tpu.memory_space<vmem>>)
        %dma_start3A_92 = arith.constant 0 : i32
        %dma_start3A_93 = tpu.memref_slice %arg18[%add3A_85, %dma_start3A_92] : memref<148x128xi32, #tpu.memory_space<vmem>> -> memref<1x128xi32, #tpu.memory_space<vmem>>
        %dma_start3A_94 = tpu.memref_squeeze %dma_start3A_93 : memref<1x128xi32, #tpu.memory_space<vmem>> -> memref<128xi32, #tpu.memory_space<vmem>>
        %dma_start3A_95 = arith.constant 0 : i32
        %dma_start3A_96 = arith.constant 0 : i32
        %dma_start3A_97 = tpu.memref_slice %arg15[%dma_start3A_95, %dma_start3A_96] : memref<10240x64xf32, #tpu.memory_space<vmem_shared>> -> memref<10240x64xf32, #tpu.memory_space<vmem_shared>>
        tpu.enqueue_indirect_dma source(%arg19 : memref<128x64xf32, #tpu.memory_space<vmem>>) target(%dma_start3A_97 : memref<10240x64xf32, #tpu.memory_space<vmem_shared>>) offsets(%dma_start3A_94 : memref<128xi32, #tpu.memory_space<vmem>>) semaphore(%arg28 : memref<!tpu.dma_semaphore, #tpu.memory_space<semaphore_mem>>) {add = true}
        %dma_start3A_98 = arith.constant 0 : i32
        %dma_start3A_99 = tpu.memref_slice %arg18[%add3A_85, %dma_start3A_98] : memref<148x128xi32, #tpu.memory_space<vmem>> -> memref<1x128xi32, #tpu.memory_space<vmem>>
        %dma_start3A_100 = tpu.memref_squeeze %dma_start3A_99 : memref<1x128xi32, #tpu.memory_space<vmem>> -> memref<128xi32, #tpu.memory_space<vmem>>
        %dma_start3A_101 = arith.constant 0 : i32
        %dma_start3A_102 = arith.constant 0 : i32
        %dma_start3A_103 = tpu.memref_slice %arg16[%dma_start3A_101, %dma_start3A_102] : memref<10240x16xf32, #tpu.memory_space<vmem_shared>> -> memref<10240x16xf32, #tpu.memory_space<vmem_shared>>
        tpu.enqueue_indirect_dma source(%arg23 : memref<128x16xf32, #tpu.memory_space<vmem>>) target(%dma_start3A_103 : memref<10240x16xf32, #tpu.memory_space<vmem_shared>>) offsets(%dma_start3A_100 : memref<128xi32, #tpu.memory_space<vmem>>) semaphore(%arg32 : memref<!tpu.dma_semaphore, #tpu.memory_space<semaphore_mem>>) {add = true}
        %add3A_104 = arith.constant 2 : i32
        %add3A_105 = arith.addi %add3A_85, %add3A_104 : i32
        %lt3A = arith.constant 148 : i32
        %lt3A_106 = arith.cmpi slt, %add3A_105, %lt3A : i32
        %convert_element_type3A_107 = arith.extui %lt3A_106 : i1 to i32
        %cond3A_108 = arith.constant 0 : i32
        %cond3A_109 = arith.cmpi ne, %convert_element_type3A_107, %cond3A_108 : i32
        scf.if %cond3A_109 {
          %ge3A = arith.constant 2 : i32
          %ge3A_191 = arith.cmpi sge, %add3A_85, %ge3A : i32
          %convert_element_type3A_192 = arith.extui %ge3A_191 : i1 to i32
          %cond3A_193 = arith.constant 0 : i32
          %cond3A_194 = arith.cmpi ne, %convert_element_type3A_192, %cond3A_193 : i32
          scf.if %cond3A_194 {
            %dma_wait3A_203 = arith.constant 0 : i32
            %dma_wait3A_204 = arith.constant 0 : i32
            %dma_wait3A_205 = tpu.memref_slice %arg18[%dma_wait3A_203, %dma_wait3A_204] : memref<148x128xi32, #tpu.memory_space<vmem>> -> memref<1x128xi32, #tpu.memory_space<vmem>>
            %dma_wait3A_206 = tpu.memref_squeeze %dma_wait3A_205 : memref<1x128xi32, #tpu.memory_space<vmem>> -> memref<128xi32, #tpu.memory_space<vmem>>
            %dma_wait3A_207 = arith.constant 0 : i32
            %dma_wait3A_208 = arith.constant 0 : i32
            %dma_wait3A_209 = tpu.memref_slice %arg15[%dma_wait3A_207, %dma_wait3A_208] : memref<10240x64xf32, #tpu.memory_space<vmem_shared>> -> memref<10240x64xf32, #tpu.memory_space<vmem_shared>>
            tpu.wait_indirect_dma semaphore(%arg30 : memref<!tpu.dma_semaphore, #tpu.memory_space<semaphore_mem>>) src(%arg21 : memref<128x64xf32, #tpu.memory_space<vmem>>) dst(%dma_wait3A_209 : memref<10240x64xf32, #tpu.memory_space<vmem_shared>>)
            %dma_wait3A_210 = arith.constant 0 : i32
            %dma_wait3A_211 = arith.constant 0 : i32
            %dma_wait3A_212 = tpu.memref_slice %arg18[%dma_wait3A_210, %dma_wait3A_211] : memref<148x128xi32, #tpu.memory_space<vmem>> -> memref<1x128xi32, #tpu.memory_space<vmem>>
            %dma_wait3A_213 = tpu.memref_squeeze %dma_wait3A_212 : memref<1x128xi32, #tpu.memory_space<vmem>> -> memref<128xi32, #tpu.memory_space<vmem>>
            %dma_wait3A_214 = arith.constant 0 : i32
            %dma_wait3A_215 = arith.constant 0 : i32
            %dma_wait3A_216 = tpu.memref_slice %arg16[%dma_wait3A_214, %dma_wait3A_215] : memref<10240x16xf32, #tpu.memory_space<vmem_shared>> -> memref<10240x16xf32, #tpu.memory_space<vmem_shared>>
            tpu.wait_indirect_dma semaphore(%arg34 : memref<!tpu.dma_semaphore, #tpu.memory_space<semaphore_mem>>) src(%arg23 : memref<128x16xf32, #tpu.memory_space<vmem>>) dst(%dma_wait3A_216 : memref<10240x16xf32, #tpu.memory_space<vmem_shared>>)
          } else {
          }
          %add3A_195 = arith.constant 2 : i32
          %add3A_196 = arith.addi %add3A_85, %add3A_195 : i32
          %dma_start3A_197 = arith.constant 0 : i32
          %dma_start3A_198 = tpu.memref_slice %arg17[%add3A_196, %dma_start3A_197] : memref<148x128xi32, #tpu.memory_space<vmem>> -> memref<1x128xi32, #tpu.memory_space<vmem>>
          %dma_start3A_199 = tpu.memref_squeeze %dma_start3A_198 : memref<1x128xi32, #tpu.memory_space<vmem>> -> memref<128xi32, #tpu.memory_space<vmem>>
          %dma_start3A_200 = arith.constant 0 : i32
          %dma_start3A_201 = arith.constant 0 : i32
          %dma_start3A_202 = tpu.memref_slice %arg2[%dma_start3A_200, %dma_start3A_201] : memref<10000x64xf32, #tpu.memory_space<hbm>> -> memref<10000x64xf32, #tpu.memory_space<hbm>>
          tpu.enqueue_indirect_dma source(%dma_start3A_202 : memref<10000x64xf32, #tpu.memory_space<hbm>>) target(%arg21 : memref<128x64xf32, #tpu.memory_space<vmem>>) offsets(%dma_start3A_199 : memref<128xi32, #tpu.memory_space<vmem>>) semaphore(%arg26 : memref<!tpu.dma_semaphore, #tpu.memory_space<semaphore_mem>>)
        } else {
        }
        %add3A_110 = arith.constant 1 : i32
        %add3A_111 = arith.addi %mul3A_84, %add3A_110 : i32
        %dma_wait3A_112 = arith.constant 0 : i32
        %dma_wait3A_113 = tpu.memref_slice %arg17[%add3A_111, %dma_wait3A_112] : memref<148x128xi32, #tpu.memory_space<vmem>> -> memref<1x128xi32, #tpu.memory_space<vmem>>
        %dma_wait3A_114 = tpu.memref_squeeze %dma_wait3A_113 : memref<1x128xi32, #tpu.memory_space<vmem>> -> memref<128xi32, #tpu.memory_space<vmem>>
        %dma_wait3A_115 = arith.constant 0 : i32
        %dma_wait3A_116 = arith.constant 0 : i32
        %dma_wait3A_117 = tpu.memref_slice %arg2[%dma_wait3A_115, %dma_wait3A_116] : memref<10000x64xf32, #tpu.memory_space<hbm>> -> memref<10000x64xf32, #tpu.memory_space<hbm>>
        tpu.wait_indirect_dma semaphore(%arg25 : memref<!tpu.dma_semaphore, #tpu.memory_space<semaphore_mem>>) src(%dma_wait3A_117 : memref<10000x64xf32, #tpu.memory_space<hbm>>) dst(%arg20 : memref<128x64xf32, #tpu.memory_space<vmem>>)
        %dma_start3A_118 = arith.constant 0 : i32
        %dma_start3A_119 = tpu.memref_slice %arg18[%add3A_111, %dma_start3A_118] : memref<148x128xi32, #tpu.memory_space<vmem>> -> memref<1x128xi32, #tpu.memory_space<vmem>>
        %dma_start3A_120 = tpu.memref_squeeze %dma_start3A_119 : memref<1x128xi32, #tpu.memory_space<vmem>> -> memref<128xi32, #tpu.memory_space<vmem>>
        %dma_start3A_121 = arith.constant 0 : i32
        %dma_start3A_122 = arith.constant 0 : i32
        %dma_start3A_123 = tpu.memref_slice %arg15[%dma_start3A_121, %dma_start3A_122] : memref<10240x64xf32, #tpu.memory_space<vmem_shared>> -> memref<10240x64xf32, #tpu.memory_space<vmem_shared>>
        tpu.enqueue_indirect_dma source(%arg20 : memref<128x64xf32, #tpu.memory_space<vmem>>) target(%dma_start3A_123 : memref<10240x64xf32, #tpu.memory_space<vmem_shared>>) offsets(%dma_start3A_120 : memref<128xi32, #tpu.memory_space<vmem>>) semaphore(%arg29 : memref<!tpu.dma_semaphore, #tpu.memory_space<semaphore_mem>>) {add = true}
        %dma_start3A_124 = arith.constant 0 : i32
        %dma_start3A_125 = tpu.memref_slice %arg18[%add3A_111, %dma_start3A_124] : memref<148x128xi32, #tpu.memory_space<vmem>> -> memref<1x128xi32, #tpu.memory_space<vmem>>
        %dma_start3A_126 = tpu.memref_squeeze %dma_start3A_125 : memref<1x128xi32, #tpu.memory_space<vmem>> -> memref<128xi32, #tpu.memory_space<vmem>>
        %dma_start3A_127 = arith.constant 0 : i32
        %dma_start3A_128 = arith.constant 0 : i32
        %dma_start3A_129 = tpu.memref_slice %arg16[%dma_start3A_127, %dma_start3A_128] : memref<10240x16xf32, #tpu.memory_space<vmem_shared>> -> memref<10240x16xf32, #tpu.memory_space<vmem_shared>>
        tpu.enqueue_indirect_dma source(%arg23 : memref<128x16xf32, #tpu.memory_space<vmem>>) target(%dma_start3A_129 : memref<10240x16xf32, #tpu.memory_space<vmem_shared>>) offsets(%dma_start3A_126 : memref<128xi32, #tpu.memory_space<vmem>>) semaphore(%arg33 : memref<!tpu.dma_semaphore, #tpu.memory_space<semaphore_mem>>) {add = true}
        %add3A_130 = arith.constant 2 : i32
        %add3A_131 = arith.addi %add3A_111, %add3A_130 : i32
        %lt3A_132 = arith.constant 148 : i32
        %lt3A_133 = arith.cmpi slt, %add3A_131, %lt3A_132 : i32
        %convert_element_type3A_134 = arith.extui %lt3A_133 : i1 to i32
        %cond3A_135 = arith.constant 0 : i32
        %cond3A_136 = arith.cmpi ne, %convert_element_type3A_134, %cond3A_135 : i32
        scf.if %cond3A_136 {
          %ge3A = arith.constant 2 : i32
          %ge3A_191 = arith.cmpi sge, %add3A_111, %ge3A : i32
          %convert_element_type3A_192 = arith.extui %ge3A_191 : i1 to i32
          %cond3A_193 = arith.constant 0 : i32
          %cond3A_194 = arith.cmpi ne, %convert_element_type3A_192, %cond3A_193 : i32
          scf.if %cond3A_194 {
            %dma_wait3A_203 = arith.constant 0 : i32
            %dma_wait3A_204 = arith.constant 0 : i32
            %dma_wait3A_205 = tpu.memref_slice %arg18[%dma_wait3A_203, %dma_wait3A_204] : memref<148x128xi32, #tpu.memory_space<vmem>> -> memref<1x128xi32, #tpu.memory_space<vmem>>
            %dma_wait3A_206 = tpu.memref_squeeze %dma_wait3A_205 : memref<1x128xi32, #tpu.memory_space<vmem>> -> memref<128xi32, #tpu.memory_space<vmem>>
            %dma_wait3A_207 = arith.constant 0 : i32
            %dma_wait3A_208 = arith.constant 0 : i32
            %dma_wait3A_209 = tpu.memref_slice %arg15[%dma_wait3A_207, %dma_wait3A_208] : memref<10240x64xf32, #tpu.memory_space<vmem_shared>> -> memref<10240x64xf32, #tpu.memory_space<vmem_shared>>
            tpu.wait_indirect_dma semaphore(%arg31 : memref<!tpu.dma_semaphore, #tpu.memory_space<semaphore_mem>>) src(%arg22 : memref<128x64xf32, #tpu.memory_space<vmem>>) dst(%dma_wait3A_209 : memref<10240x64xf32, #tpu.memory_space<vmem_shared>>)
            %dma_wait3A_210 = arith.constant 0 : i32
            %dma_wait3A_211 = arith.constant 0 : i32
            %dma_wait3A_212 = tpu.memref_slice %arg18[%dma_wait3A_210, %dma_wait3A_211] : memref<148x128xi32, #tpu.memory_space<vmem>> -> memref<1x128xi32, #tpu.memory_space<vmem>>
            %dma_wait3A_213 = tpu.memref_squeeze %dma_wait3A_212 : memref<1x128xi32, #tpu.memory_space<vmem>> -> memref<128xi32, #tpu.memory_space<vmem>>
            %dma_wait3A_214 = arith.constant 0 : i32
            %dma_wait3A_215 = arith.constant 0 : i32
            %dma_wait3A_216 = tpu.memref_slice %arg16[%dma_wait3A_214, %dma_wait3A_215] : memref<10240x16xf32, #tpu.memory_space<vmem_shared>> -> memref<10240x16xf32, #tpu.memory_space<vmem_shared>>
            tpu.wait_indirect_dma semaphore(%arg35 : memref<!tpu.dma_semaphore, #tpu.memory_space<semaphore_mem>>) src(%arg23 : memref<128x16xf32, #tpu.memory_space<vmem>>) dst(%dma_wait3A_216 : memref<10240x16xf32, #tpu.memory_space<vmem_shared>>)
          } else {
          }
          %add3A_195 = arith.constant 2 : i32
          %add3A_196 = arith.addi %add3A_111, %add3A_195 : i32
          %dma_start3A_197 = arith.constant 0 : i32
          %dma_start3A_198 = tpu.memref_slice %arg17[%add3A_196, %dma_start3A_197] : memref<148x128xi32, #tpu.memory_space<vmem>> -> memref<1x128xi32, #tpu.memory_space<vmem>>
          %dma_start3A_199 = tpu.memref_squeeze %dma_start3A_198 : memref<1x128xi32, #tpu.memory_space<vmem>> -> memref<128xi32, #tpu.memory_space<vmem>>
          %dma_start3A_200 = arith.constant 0 : i32
          %dma_start3A_201 = arith.constant 0 : i32
          %dma_start3A_202 = tpu.memref_slice %arg2[%dma_start3A_200, %dma_start3A_201] : memref<10000x64xf32, #tpu.memory_space<hbm>> -> memref<10000x64xf32, #tpu.memory_space<hbm>>
          tpu.enqueue_indirect_dma source(%dma_start3A_202 : memref<10000x64xf32, #tpu.memory_space<hbm>>) target(%arg22 : memref<128x64xf32, #tpu.memory_space<vmem>>) offsets(%dma_start3A_199 : memref<128xi32, #tpu.memory_space<vmem>>) semaphore(%arg27 : memref<!tpu.dma_semaphore, #tpu.memory_space<semaphore_mem>>)
        } else {
        }
        %add3A_137 = arith.constant 2 : i32
        %add3A_138 = arith.addi %mul3A_84, %add3A_137 : i32
        %dma_wait3A_139 = arith.constant 0 : i32
        %dma_wait3A_140 = tpu.memref_slice %arg17[%add3A_138, %dma_wait3A_139] : memref<148x128xi32, #tpu.memory_space<vmem>> -> memref<1x128xi32, #tpu.memory_space<vmem>>
        %dma_wait3A_141 = tpu.memref_squeeze %dma_wait3A_140 : memref<1x128xi32, #tpu.memory_space<vmem>> -> memref<128xi32, #tpu.memory_space<vmem>>
        %dma_wait3A_142 = arith.constant 0 : i32
        %dma_wait3A_143 = arith.constant 0 : i32
        %dma_wait3A_144 = tpu.memref_slice %arg2[%dma_wait3A_142, %dma_wait3A_143] : memref<10000x64xf32, #tpu.memory_space<hbm>> -> memref<10000x64xf32, #tpu.memory_space<hbm>>
        tpu.wait_indirect_dma semaphore(%arg26 : memref<!tpu.dma_semaphore, #tpu.memory_space<semaphore_mem>>) src(%dma_wait3A_144 : memref<10000x64xf32, #tpu.memory_space<hbm>>) dst(%arg21 : memref<128x64xf32, #tpu.memory_space<vmem>>)
        %dma_start3A_145 = arith.constant 0 : i32
        %dma_start3A_146 = tpu.memref_slice %arg18[%add3A_138, %dma_start3A_145] : memref<148x128xi32, #tpu.memory_space<vmem>> -> memref<1x128xi32, #tpu.memory_space<vmem>>
        %dma_start3A_147 = tpu.memref_squeeze %dma_start3A_146 : memref<1x128xi32, #tpu.memory_space<vmem>> -> memref<128xi32, #tpu.memory_space<vmem>>
        %dma_start3A_148 = arith.constant 0 : i32
        %dma_start3A_149 = arith.constant 0 : i32
        %dma_start3A_150 = tpu.memref_slice %arg15[%dma_start3A_148, %dma_start3A_149] : memref<10240x64xf32, #tpu.memory_space<vmem_shared>> -> memref<10240x64xf32, #tpu.memory_space<vmem_shared>>
        tpu.enqueue_indirect_dma source(%arg21 : memref<128x64xf32, #tpu.memory_space<vmem>>) target(%dma_start3A_150 : memref<10240x64xf32, #tpu.memory_space<vmem_shared>>) offsets(%dma_start3A_147 : memref<128xi32, #tpu.memory_space<vmem>>) semaphore(%arg30 : memref<!tpu.dma_semaphore, #tpu.memory_space<semaphore_mem>>) {add = true}
        %dma_start3A_151 = arith.constant 0 : i32
        %dma_start3A_152 = tpu.memref_slice %arg18[%add3A_138, %dma_start3A_151] : memref<148x128xi32, #tpu.memory_space<vmem>> -> memref<1x128xi32, #tpu.memory_space<vmem>>
        %dma_start3A_153 = tpu.memref_squeeze %dma_start3A_152 : memref<1x128xi32, #tpu.memory_space<vmem>> -> memref<128xi32, #tpu.memory_space<vmem>>
        %dma_start3A_154 = arith.constant 0 : i32
        %dma_start3A_155 = arith.constant 0 : i32
        %dma_start3A_156 = tpu.memref_slice %arg16[%dma_start3A_154, %dma_start3A_155] : memref<10240x16xf32, #tpu.memory_space<vmem_shared>> -> memref<10240x16xf32, #tpu.memory_space<vmem_shared>>
        tpu.enqueue_indirect_dma source(%arg23 : memref<128x16xf32, #tpu.memory_space<vmem>>) target(%dma_start3A_156 : memref<10240x16xf32, #tpu.memory_space<vmem_shared>>) offsets(%dma_start3A_153 : memref<128xi32, #tpu.memory_space<vmem>>) semaphore(%arg34 : memref<!tpu.dma_semaphore, #tpu.memory_space<semaphore_mem>>) {add = true}
        %add3A_157 = arith.constant 2 : i32
        %add3A_158 = arith.addi %add3A_138, %add3A_157 : i32
        %lt3A_159 = arith.constant 148 : i32
        %lt3A_160 = arith.cmpi slt, %add3A_158, %lt3A_159 : i32
        %convert_element_type3A_161 = arith.extui %lt3A_160 : i1 to i32
        %cond3A_162 = arith.constant 0 : i32
        %cond3A_163 = arith.cmpi ne, %convert_element_type3A_161, %cond3A_162 : i32
        scf.if %cond3A_163 {
          %ge3A = arith.constant 2 : i32
          %ge3A_191 = arith.cmpi sge, %add3A_138, %ge3A : i32
          %convert_element_type3A_192 = arith.extui %ge3A_191 : i1 to i32
          %cond3A_193 = arith.constant 0 : i32
          %cond3A_194 = arith.cmpi ne, %convert_element_type3A_192, %cond3A_193 : i32
          scf.if %cond3A_194 {
            %dma_wait3A_203 = arith.constant 0 : i32
            %dma_wait3A_204 = arith.constant 0 : i32
            %dma_wait3A_205 = tpu.memref_slice %arg18[%dma_wait3A_203, %dma_wait3A_204] : memref<148x128xi32, #tpu.memory_space<vmem>> -> memref<1x128xi32, #tpu.memory_space<vmem>>
            %dma_wait3A_206 = tpu.memref_squeeze %dma_wait3A_205 : memref<1x128xi32, #tpu.memory_space<vmem>> -> memref<128xi32, #tpu.memory_space<vmem>>
            %dma_wait3A_207 = arith.constant 0 : i32
            %dma_wait3A_208 = arith.constant 0 : i32
            %dma_wait3A_209 = tpu.memref_slice %arg15[%dma_wait3A_207, %dma_wait3A_208] : memref<10240x64xf32, #tpu.memory_space<vmem_shared>> -> memref<10240x64xf32, #tpu.memory_space<vmem_shared>>
            tpu.wait_indirect_dma semaphore(%arg28 : memref<!tpu.dma_semaphore, #tpu.memory_space<semaphore_mem>>) src(%arg19 : memref<128x64xf32, #tpu.memory_space<vmem>>) dst(%dma_wait3A_209 : memref<10240x64xf32, #tpu.memory_space<vmem_shared>>)
            %dma_wait3A_210 = arith.constant 0 : i32
            %dma_wait3A_211 = arith.constant 0 : i32
            %dma_wait3A_212 = tpu.memref_slice %arg18[%dma_wait3A_210, %dma_wait3A_211] : memref<148x128xi32, #tpu.memory_space<vmem>> -> memref<1x128xi32, #tpu.memory_space<vmem>>
            %dma_wait3A_213 = tpu.memref_squeeze %dma_wait3A_212 : memref<1x128xi32, #tpu.memory_space<vmem>> -> memref<128xi32, #tpu.memory_space<vmem>>
            %dma_wait3A_214 = arith.constant 0 : i32
            %dma_wait3A_215 = arith.constant 0 : i32
            %dma_wait3A_216 = tpu.memref_slice %arg16[%dma_wait3A_214, %dma_wait3A_215] : memref<10240x16xf32, #tpu.memory_space<vmem_shared>> -> memref<10240x16xf32, #tpu.memory_space<vmem_shared>>
            tpu.wait_indirect_dma semaphore(%arg32 : memref<!tpu.dma_semaphore, #tpu.memory_space<semaphore_mem>>) src(%arg23 : memref<128x16xf32, #tpu.memory_space<vmem>>) dst(%dma_wait3A_216 : memref<10240x16xf32, #tpu.memory_space<vmem_shared>>)
          } else {
          }
          %add3A_195 = arith.constant 2 : i32
          %add3A_196 = arith.addi %add3A_138, %add3A_195 : i32
          %dma_start3A_197 = arith.constant 0 : i32
          %dma_start3A_198 = tpu.memref_slice %arg17[%add3A_196, %dma_start3A_197] : memref<148x128xi32, #tpu.memory_space<vmem>> -> memref<1x128xi32, #tpu.memory_space<vmem>>
          %dma_start3A_199 = tpu.memref_squeeze %dma_start3A_198 : memref<1x128xi32, #tpu.memory_space<vmem>> -> memref<128xi32, #tpu.memory_space<vmem>>
          %dma_start3A_200 = arith.constant 0 : i32
          %dma_start3A_201 = arith.constant 0 : i32
          %dma_start3A_202 = tpu.memref_slice %arg2[%dma_start3A_200, %dma_start3A_201] : memref<10000x64xf32, #tpu.memory_space<hbm>> -> memref<10000x64xf32, #tpu.memory_space<hbm>>
          tpu.enqueue_indirect_dma source(%dma_start3A_202 : memref<10000x64xf32, #tpu.memory_space<hbm>>) target(%arg19 : memref<128x64xf32, #tpu.memory_space<vmem>>) offsets(%dma_start3A_199 : memref<128xi32, #tpu.memory_space<vmem>>) semaphore(%arg24 : memref<!tpu.dma_semaphore, #tpu.memory_space<semaphore_mem>>)
        } else {
        }
        %add3A_164 = arith.constant 3 : i32
        %add3A_165 = arith.addi %mul3A_84, %add3A_164 : i32
        %dma_wait3A_166 = arith.constant 0 : i32
        %dma_wait3A_167 = tpu.memref_slice %arg17[%add3A_165, %dma_wait3A_166] : memref<148x128xi32, #tpu.memory_space<vmem>> -> memref<1x128xi32, #tpu.memory_space<vmem>>
        %dma_wait3A_168 = tpu.memref_squeeze %dma_wait3A_167 : memref<1x128xi32, #tpu.memory_space<vmem>> -> memref<128xi32, #tpu.memory_space<vmem>>
        %dma_wait3A_169 = arith.constant 0 : i32
        %dma_wait3A_170 = arith.constant 0 : i32
        %dma_wait3A_171 = tpu.memref_slice %arg2[%dma_wait3A_169, %dma_wait3A_170] : memref<10000x64xf32, #tpu.memory_space<hbm>> -> memref<10000x64xf32, #tpu.memory_space<hbm>>
        tpu.wait_indirect_dma semaphore(%arg27 : memref<!tpu.dma_semaphore, #tpu.memory_space<semaphore_mem>>) src(%dma_wait3A_171 : memref<10000x64xf32, #tpu.memory_space<hbm>>) dst(%arg22 : memref<128x64xf32, #tpu.memory_space<vmem>>)
        %dma_start3A_172 = arith.constant 0 : i32
        %dma_start3A_173 = tpu.memref_slice %arg18[%add3A_165, %dma_start3A_172] : memref<148x128xi32, #tpu.memory_space<vmem>> -> memref<1x128xi32, #tpu.memory_space<vmem>>
        %dma_start3A_174 = tpu.memref_squeeze %dma_start3A_173 : memref<1x128xi32, #tpu.memory_space<vmem>> -> memref<128xi32, #tpu.memory_space<vmem>>
        %dma_start3A_175 = arith.constant 0 : i32
        %dma_start3A_176 = arith.constant 0 : i32
        %dma_start3A_177 = tpu.memref_slice %arg15[%dma_start3A_175, %dma_start3A_176] : memref<10240x64xf32, #tpu.memory_space<vmem_shared>> -> memref<10240x64xf32, #tpu.memory_space<vmem_shared>>
        tpu.enqueue_indirect_dma source(%arg22 : memref<128x64xf32, #tpu.memory_space<vmem>>) target(%dma_start3A_177 : memref<10240x64xf32, #tpu.memory_space<vmem_shared>>) offsets(%dma_start3A_174 : memref<128xi32, #tpu.memory_space<vmem>>) semaphore(%arg31 : memref<!tpu.dma_semaphore, #tpu.memory_space<semaphore_mem>>) {add = true}
        %dma_start3A_178 = arith.constant 0 : i32
        %dma_start3A_179 = tpu.memref_slice %arg18[%add3A_165, %dma_start3A_178] : memref<148x128xi32, #tpu.memory_space<vmem>> -> memref<1x128xi32, #tpu.memory_space<vmem>>
        %dma_start3A_180 = tpu.memref_squeeze %dma_start3A_179 : memref<1x128xi32, #tpu.memory_space<vmem>> -> memref<128xi32, #tpu.memory_space<vmem>>
        %dma_start3A_181 = arith.constant 0 : i32
        %dma_start3A_182 = arith.constant 0 : i32
        %dma_start3A_183 = tpu.memref_slice %arg16[%dma_start3A_181, %dma_start3A_182] : memref<10240x16xf32, #tpu.memory_space<vmem_shared>> -> memref<10240x16xf32, #tpu.memory_space<vmem_shared>>
        tpu.enqueue_indirect_dma source(%arg23 : memref<128x16xf32, #tpu.memory_space<vmem>>) target(%dma_start3A_183 : memref<10240x16xf32, #tpu.memory_space<vmem_shared>>) offsets(%dma_start3A_180 : memref<128xi32, #tpu.memory_space<vmem>>) semaphore(%arg35 : memref<!tpu.dma_semaphore, #tpu.memory_space<semaphore_mem>>) {add = true}
        %add3A_184 = arith.constant 2 : i32
        %add3A_185 = arith.addi %add3A_165, %add3A_184 : i32
        %lt3A_186 = arith.constant 148 : i32
        %lt3A_187 = arith.cmpi slt, %add3A_185, %lt3A_186 : i32
        %convert_element_type3A_188 = arith.extui %lt3A_187 : i1 to i32
        %cond3A_189 = arith.constant 0 : i32
        %cond3A_190 = arith.cmpi ne, %convert_element_type3A_188, %cond3A_189 : i32
        scf.if %cond3A_190 {
          %ge3A = arith.constant 2 : i32
          %ge3A_191 = arith.cmpi sge, %add3A_165, %ge3A : i32
          %convert_element_type3A_192 = arith.extui %ge3A_191 : i1 to i32
          %cond3A_193 = arith.constant 0 : i32
          %cond3A_194 = arith.cmpi ne, %convert_element_type3A_192, %cond3A_193 : i32
          scf.if %cond3A_194 {
            %dma_wait3A_203 = arith.constant 0 : i32
            %dma_wait3A_204 = arith.constant 0 : i32
            %dma_wait3A_205 = tpu.memref_slice %arg18[%dma_wait3A_203, %dma_wait3A_204] : memref<148x128xi32, #tpu.memory_space<vmem>> -> memref<1x128xi32, #tpu.memory_space<vmem>>
            %dma_wait3A_206 = tpu.memref_squeeze %dma_wait3A_205 : memref<1x128xi32, #tpu.memory_space<vmem>> -> memref<128xi32, #tpu.memory_space<vmem>>
            %dma_wait3A_207 = arith.constant 0 : i32
            %dma_wait3A_208 = arith.constant 0 : i32
            %dma_wait3A_209 = tpu.memref_slice %arg15[%dma_wait3A_207, %dma_wait3A_208] : memref<10240x64xf32, #tpu.memory_space<vmem_shared>> -> memref<10240x64xf32, #tpu.memory_space<vmem_shared>>
            tpu.wait_indirect_dma semaphore(%arg29 : memref<!tpu.dma_semaphore, #tpu.memory_space<semaphore_mem>>) src(%arg20 : memref<128x64xf32, #tpu.memory_space<vmem>>) dst(%dma_wait3A_209 : memref<10240x64xf32, #tpu.memory_space<vmem_shared>>)
            %dma_wait3A_210 = arith.constant 0 : i32
            %dma_wait3A_211 = arith.constant 0 : i32
            %dma_wait3A_212 = tpu.memref_slice %arg18[%dma_wait3A_210, %dma_wait3A_211] : memref<148x128xi32, #tpu.memory_space<vmem>> -> memref<1x128xi32, #tpu.memory_space<vmem>>
            %dma_wait3A_213 = tpu.memref_squeeze %dma_wait3A_212 : memref<1x128xi32, #tpu.memory_space<vmem>> -> memref<128xi32, #tpu.memory_space<vmem>>
            %dma_wait3A_214 = arith.constant 0 : i32
            %dma_wait3A_215 = arith.constant 0 : i32
            %dma_wait3A_216 = tpu.memref_slice %arg16[%dma_wait3A_214, %dma_wait3A_215] : memref<10240x16xf32, #tpu.memory_space<vmem_shared>> -> memref<10240x16xf32, #tpu.memory_space<vmem_shared>>
            tpu.wait_indirect_dma semaphore(%arg33 : memref<!tpu.dma_semaphore, #tpu.memory_space<semaphore_mem>>) src(%arg23 : memref<128x16xf32, #tpu.memory_space<vmem>>) dst(%dma_wait3A_216 : memref<10240x16xf32, #tpu.memory_space<vmem_shared>>)
          } else {
          }
          %add3A_195 = arith.constant 2 : i32
          %add3A_196 = arith.addi %add3A_165, %add3A_195 : i32
          %dma_start3A_197 = arith.constant 0 : i32
          %dma_start3A_198 = tpu.memref_slice %arg17[%add3A_196, %dma_start3A_197] : memref<148x128xi32, #tpu.memory_space<vmem>> -> memref<1x128xi32, #tpu.memory_space<vmem>>
          %dma_start3A_199 = tpu.memref_squeeze %dma_start3A_198 : memref<1x128xi32, #tpu.memory_space<vmem>> -> memref<128xi32, #tpu.memory_space<vmem>>
          %dma_start3A_200 = arith.constant 0 : i32
          %dma_start3A_201 = arith.constant 0 : i32
          %dma_start3A_202 = tpu.memref_slice %arg2[%dma_start3A_200, %dma_start3A_201] : memref<10000x64xf32, #tpu.memory_space<hbm>> -> memref<10000x64xf32, #tpu.memory_space<hbm>>
          tpu.enqueue_indirect_dma source(%dma_start3A_202 : memref<10000x64xf32, #tpu.memory_space<hbm>>) target(%arg20 : memref<128x64xf32, #tpu.memory_space<vmem>>) offsets(%dma_start3A_199 : memref<128xi32, #tpu.memory_space<vmem>>) semaphore(%arg25 : memref<!tpu.dma_semaphore, #tpu.memory_space<semaphore_mem>>)
        } else {
        }
      }
      %scan3A_25 = arith.constant 37 : i32
      %dma_wait3A = arith.constant 0 : i32
      %dma_wait3A_26 = arith.constant 0 : i32
      %dma_wait3A_27 = tpu.memref_slice %arg18[%dma_wait3A, %dma_wait3A_26] : memref<148x128xi32, #tpu.memory_space<vmem>> -> memref<1x128xi32, #tpu.memory_space<vmem>>
      %dma_wait3A_28 = tpu.memref_squeeze %dma_wait3A_27 : memref<1x128xi32, #tpu.memory_space<vmem>> -> memref<128xi32, #tpu.memory_space<vmem>>
      %dma_wait3A_29 = arith.constant 0 : i32
      %dma_wait3A_30 = arith.constant 0 : i32
      %dma_wait3A_31 = tpu.memref_slice %arg15[%dma_wait3A_29, %dma_wait3A_30] : memref<10240x64xf32, #tpu.memory_space<vmem_shared>> -> memref<10240x64xf32, #tpu.memory_space<vmem_shared>>
      tpu.wait_indirect_dma semaphore(%arg28 : memref<!tpu.dma_semaphore, #tpu.memory_space<semaphore_mem>>) src(%arg19 : memref<128x64xf32, #tpu.memory_space<vmem>>) dst(%dma_wait3A_31 : memref<10240x64xf32, #tpu.memory_space<vmem_shared>>)
      %dma_wait3A_32 = arith.constant 0 : i32
      %dma_wait3A_33 = arith.constant 0 : i32
      %dma_wait3A_34 = tpu.memref_slice %arg18[%dma_wait3A_32, %dma_wait3A_33] : memref<148x128xi32, #tpu.memory_space<vmem>> -> memref<1x128xi32, #tpu.memory_space<vmem>>
      %dma_wait3A_35 = tpu.memref_squeeze %dma_wait3A_34 : memref<1x128xi32, #tpu.memory_space<vmem>> -> memref<128xi32, #tpu.memory_space<vmem>>
      %dma_wait3A_36 = arith.constant 0 : i32
      %dma_wait3A_37 = arith.constant 0 : i32
      %dma_wait3A_38 = tpu.memref_slice %arg16[%dma_wait3A_36, %dma_wait3A_37] : memref<10240x16xf32, #tpu.memory_space<vmem_shared>> -> memref<10240x16xf32, #tpu.memory_space<vmem_shared>>
      tpu.wait_indirect_dma semaphore(%arg32 : memref<!tpu.dma_semaphore, #tpu.memory_space<semaphore_mem>>) src(%arg23 : memref<128x16xf32, #tpu.memory_space<vmem>>) dst(%dma_wait3A_38 : memref<10240x16xf32, #tpu.memory_space<vmem_shared>>)
      %dma_wait3A_39 = arith.constant 0 : i32
      %dma_wait3A_40 = arith.constant 0 : i32
      %dma_wait3A_41 = tpu.memref_slice %arg18[%dma_wait3A_39, %dma_wait3A_40] : memref<148x128xi32, #tpu.memory_space<vmem>> -> memref<1x128xi32, #tpu.memory_space<vmem>>
      %dma_wait3A_42 = tpu.memref_squeeze %dma_wait3A_41 : memref<1x128xi32, #tpu.memory_space<vmem>> -> memref<128xi32, #tpu.memory_space<vmem>>
      %dma_wait3A_43 = arith.constant 0 : i32
      %dma_wait3A_44 = arith.constant 0 : i32
      %dma_wait3A_45 = tpu.memref_slice %arg15[%dma_wait3A_43, %dma_wait3A_44] : memref<10240x64xf32, #tpu.memory_space<vmem_shared>> -> memref<10240x64xf32, #tpu.memory_space<vmem_shared>>
      tpu.wait_indirect_dma semaphore(%arg29 : memref<!tpu.dma_semaphore, #tpu.memory_space<semaphore_mem>>) src(%arg20 : memref<128x64xf32, #tpu.memory_space<vmem>>) dst(%dma_wait3A_45 : memref<10240x64xf32, #tpu.memory_space<vmem_shared>>)
      %dma_wait3A_46 = arith.constant 0 : i32
      %dma_wait3A_47 = arith.constant 0 : i32
      %dma_wait3A_48 = tpu.memref_slice %arg18[%dma_wait3A_46, %dma_wait3A_47] : memref<148x128xi32, #tpu.memory_space<vmem>> -> memref<1x128xi32, #tpu.memory_space<vmem>>
      %dma_wait3A_49 = tpu.memref_squeeze %dma_wait3A_48 : memref<1x128xi32, #tpu.memory_space<vmem>> -> memref<128xi32, #tpu.memory_space<vmem>>
      %dma_wait3A_50 = arith.constant 0 : i32
      %dma_wait3A_51 = arith.constant 0 : i32
      %dma_wait3A_52 = tpu.memref_slice %arg16[%dma_wait3A_50, %dma_wait3A_51] : memref<10240x16xf32, #tpu.memory_space<vmem_shared>> -> memref<10240x16xf32, #tpu.memory_space<vmem_shared>>
      tpu.wait_indirect_dma semaphore(%arg33 : memref<!tpu.dma_semaphore, #tpu.memory_space<semaphore_mem>>) src(%arg23 : memref<128x16xf32, #tpu.memory_space<vmem>>) dst(%dma_wait3A_52 : memref<10240x16xf32, #tpu.memory_space<vmem_shared>>)
      %dma_wait3A_53 = arith.constant 0 : i32
      %dma_wait3A_54 = arith.constant 0 : i32
      %dma_wait3A_55 = tpu.memref_slice %arg18[%dma_wait3A_53, %dma_wait3A_54] : memref<148x128xi32, #tpu.memory_space<vmem>> -> memref<1x128xi32, #tpu.memory_space<vmem>>
      %dma_wait3A_56 = tpu.memref_squeeze %dma_wait3A_55 : memref<1x128xi32, #tpu.memory_space<vmem>> -> memref<128xi32, #tpu.memory_space<vmem>>
      %dma_wait3A_57 = arith.constant 0 : i32
      %dma_wait3A_58 = arith.constant 0 : i32
      %dma_wait3A_59 = tpu.memref_slice %arg15[%dma_wait3A_57, %dma_wait3A_58] : memref<10240x64xf32, #tpu.memory_space<vmem_shared>> -> memref<10240x64xf32, #tpu.memory_space<vmem_shared>>
      tpu.wait_indirect_dma semaphore(%arg30 : memref<!tpu.dma_semaphore, #tpu.memory_space<semaphore_mem>>) src(%arg21 : memref<128x64xf32, #tpu.memory_space<vmem>>) dst(%dma_wait3A_59 : memref<10240x64xf32, #tpu.memory_space<vmem_shared>>)
      %dma_wait3A_60 = arith.constant 0 : i32
      %dma_wait3A_61 = arith.constant 0 : i32
      %dma_wait3A_62 = tpu.memref_slice %arg18[%dma_wait3A_60, %dma_wait3A_61] : memref<148x128xi32, #tpu.memory_space<vmem>> -> memref<1x128xi32, #tpu.memory_space<vmem>>
      %dma_wait3A_63 = tpu.memref_squeeze %dma_wait3A_62 : memref<1x128xi32, #tpu.memory_space<vmem>> -> memref<128xi32, #tpu.memory_space<vmem>>
      %dma_wait3A_64 = arith.constant 0 : i32
      %dma_wait3A_65 = arith.constant 0 : i32
      %dma_wait3A_66 = tpu.memref_slice %arg16[%dma_wait3A_64, %dma_wait3A_65] : memref<10240x16xf32, #tpu.memory_space<vmem_shared>> -> memref<10240x16xf32, #tpu.memory_space<vmem_shared>>
      tpu.wait_indirect_dma semaphore(%arg34 : memref<!tpu.dma_semaphore, #tpu.memory_space<semaphore_mem>>) src(%arg23 : memref<128x16xf32, #tpu.memory_space<vmem>>) dst(%dma_wait3A_66 : memref<10240x16xf32, #tpu.memory_space<vmem_shared>>)
      %dma_wait3A_67 = arith.constant 0 : i32
      %dma_wait3A_68 = arith.constant 0 : i32
      %dma_wait3A_69 = tpu.memref_slice %arg18[%dma_wait3A_67, %dma_wait3A_68] : memref<148x128xi32, #tpu.memory_space<vmem>> -> memref<1x128xi32, #tpu.memory_space<vmem>>
      %dma_wait3A_70 = tpu.memref_squeeze %dma_wait3A_69 : memref<1x128xi32, #tpu.memory_space<vmem>> -> memref<128xi32, #tpu.memory_space<vmem>>
      %dma_wait3A_71 = arith.constant 0 : i32
      %dma_wait3A_72 = arith.constant 0 : i32
      %dma_wait3A_73 = tpu.memref_slice %arg15[%dma_wait3A_71, %dma_wait3A_72] : memref<10240x64xf32, #tpu.memory_space<vmem_shared>> -> memref<10240x64xf32, #tpu.memory_space<vmem_shared>>
      tpu.wait_indirect_dma semaphore(%arg31 : memref<!tpu.dma_semaphore, #tpu.memory_space<semaphore_mem>>) src(%arg22 : memref<128x64xf32, #tpu.memory_space<vmem>>) dst(%dma_wait3A_73 : memref<10240x64xf32, #tpu.memory_space<vmem_shared>>)
      %dma_wait3A_74 = arith.constant 0 : i32
      %dma_wait3A_75 = arith.constant 0 : i32
      %dma_wait3A_76 = tpu.memref_slice %arg18[%dma_wait3A_74, %dma_wait3A_75] : memref<148x128xi32, #tpu.memory_space<vmem>> -> memref<1x128xi32, #tpu.memory_space<vmem>>
      %dma_wait3A_77 = tpu.memref_squeeze %dma_wait3A_76 : memref<1x128xi32, #tpu.memory_space<vmem>> -> memref<128xi32, #tpu.memory_space<vmem>>
      %dma_wait3A_78 = arith.constant 0 : i32
      %dma_wait3A_79 = arith.constant 0 : i32
      %dma_wait3A_80 = tpu.memref_slice %arg16[%dma_wait3A_78, %dma_wait3A_79] : memref<10240x16xf32, #tpu.memory_space<vmem_shared>> -> memref<10240x16xf32, #tpu.memory_space<vmem_shared>>
      tpu.wait_indirect_dma semaphore(%arg35 : memref<!tpu.dma_semaphore, #tpu.memory_space<semaphore_mem>>) src(%arg23 : memref<128x16xf32, #tpu.memory_space<vmem>>) dst(%dma_wait3A_80 : memref<10240x16xf32, #tpu.memory_space<vmem_shared>>)
      %barrier3A_81 = arith.constant 0 : index
      tpu.barrier barrier_id(%barrier3A_81)
      "tpu.region"() ({
        %run_scoped3A = tpu.sem_alloc : memref<!tpu.dma_semaphore, #tpu.memory_space<semaphore_mem>>
        %dma_start3A_82 = arith.constant 0 : i32
        %dma_start3A_83 = tpu.memref_slice %arg11[%mul3A_0, %dma_start3A_82] : memref<10240x64xf32, #tpu.memory_space<hbm>> -> memref<640x64xf32, #tpu.memory_space<hbm>>
        %dma_start3A_84 = arith.constant 0 : i32
        %dma_start3A_85 = tpu.memref_slice %arg15[%mul3A_0, %dma_start3A_84] : memref<10240x64xf32, #tpu.memory_space<vmem_shared>> -> memref<640x64xf32, #tpu.memory_space<vmem_shared>>
        tpu.enqueue_dma source(%dma_start3A_85 : memref<640x64xf32, #tpu.memory_space<vmem_shared>>) target(%dma_start3A_83 : memref<640x64xf32, #tpu.memory_space<hbm>>) target_semaphore(%run_scoped3A : memref<!tpu.dma_semaphore, #tpu.memory_space<semaphore_mem>>)
        %dma_wait3A_86 = arith.constant 0 : i32
        %dma_wait3A_87 = tpu.memref_slice %arg11[%mul3A_0, %dma_wait3A_86] : memref<10240x64xf32, #tpu.memory_space<hbm>> -> memref<640x64xf32, #tpu.memory_space<hbm>>
        %dma_wait3A_88 = arith.constant 0 : i32
        %dma_wait3A_89 = tpu.memref_slice %arg15[%mul3A_0, %dma_wait3A_88] : memref<10240x64xf32, #tpu.memory_space<vmem_shared>> -> memref<640x64xf32, #tpu.memory_space<vmem_shared>>
        tpu.wait_dma2 semaphore(%run_scoped3A : memref<!tpu.dma_semaphore, #tpu.memory_space<semaphore_mem>>) src(%dma_wait3A_89 : memref<640x64xf32, #tpu.memory_space<vmem_shared>>) dst(%dma_wait3A_87 : memref<640x64xf32, #tpu.memory_space<hbm>>)
        tpu.yield
      }) : () -> ()
      "tpu.region"() ({
        %run_scoped3A = tpu.sem_alloc : memref<!tpu.dma_semaphore, #tpu.memory_space<semaphore_mem>>
        %dma_start3A_82 = arith.constant 0 : i32
        %dma_start3A_83 = tpu.memref_slice %arg13[%mul3A_0, %dma_start3A_82] : memref<10240x16xf32, #tpu.memory_space<hbm>> -> memref<640x16xf32, #tpu.memory_space<hbm>>
        %dma_start3A_84 = arith.constant 0 : i32
        %dma_start3A_85 = tpu.memref_slice %arg16[%mul3A_0, %dma_start3A_84] : memref<10240x16xf32, #tpu.memory_space<vmem_shared>> -> memref<640x16xf32, #tpu.memory_space<vmem_shared>>
        tpu.enqueue_dma source(%dma_start3A_85 : memref<640x16xf32, #tpu.memory_space<vmem_shared>>) target(%dma_start3A_83 : memref<640x16xf32, #tpu.memory_space<hbm>>) target_semaphore(%run_scoped3A : memref<!tpu.dma_semaphore, #tpu.memory_space<semaphore_mem>>)
        %dma_wait3A_86 = arith.constant 0 : i32
        %dma_wait3A_87 = tpu.memref_slice %arg13[%mul3A_0, %dma_wait3A_86] : memref<10240x16xf32, #tpu.memory_space<hbm>> -> memref<640x16xf32, #tpu.memory_space<hbm>>
        %dma_wait3A_88 = arith.constant 0 : i32
        %dma_wait3A_89 = tpu.memref_slice %arg16[%mul3A_0, %dma_wait3A_88] : memref<10240x16xf32, #tpu.memory_space<vmem_shared>> -> memref<640x16xf32, #tpu.memory_space<vmem_shared>>
        tpu.wait_dma2 semaphore(%run_scoped3A : memref<!tpu.dma_semaphore, #tpu.memory_space<semaphore_mem>>) src(%dma_wait3A_89 : memref<640x16xf32, #tpu.memory_space<vmem_shared>>) dst(%dma_wait3A_87 : memref<640x16xf32, #tpu.memory_space<hbm>>)
        tpu.yield
      }) : () -> ()
    } else {
    }
    %eq3A_3 = arith.constant 1 : i32
    %eq3A_4 = arith.cmpi eq, %arg0, %eq3A_3 : i32
    %convert_element_type3A_5 = arith.extui %eq3A_4 : i1 to i32
    %cond3A_6 = arith.constant 0 : i32
    %cond3A_7 = arith.cmpi ne, %convert_element_type3A_5, %cond3A_6 : i32
    scf.if %cond3A_7 {
      "tpu.region"() ({
        %run_scoped3A = tpu.sem_alloc : memref<!tpu.dma_semaphore, #tpu.memory_space<semaphore_mem>>
        %dma_start3A_82 = arith.constant 0 : i32
        %dma_start3A_83 = arith.constant 0 : i32
        %dma_start3A_84 = tpu.memref_slice %arg6[%arg1, %dma_start3A_82, %dma_start3A_83] : memref<16x148x128xi32, #tpu.memory_space<hbm>> -> memref<1x148x128xi32, #tpu.memory_space<hbm>>
        %dma_start3A_85 = tpu.memref_squeeze %dma_start3A_84 : memref<1x148x128xi32, #tpu.memory_space<hbm>> -> memref<148x128xi32, #tpu.memory_space<hbm>>
        %dma_start3A_86 = arith.constant 0 : i32
        %dma_start3A_87 = arith.constant 0 : i32
        %dma_start3A_88 = tpu.memref_slice %arg6[%arg1, %dma_start3A_86, %dma_start3A_87] : memref<16x148x128xi32, #tpu.memory_space<hbm>> -> memref<1x148x128xi32, #tpu.memory_space<hbm>>
        %dma_start3A_89 = tpu.memref_squeeze %dma_start3A_88 : memref<1x148x128xi32, #tpu.memory_space<hbm>> -> memref<148x128xi32, #tpu.memory_space<hbm>>
        tpu.enqueue_dma source(%dma_start3A_89 : memref<148x128xi32, #tpu.memory_space<hbm>>) target(%arg17 : memref<148x128xi32, #tpu.memory_space<vmem>>) target_semaphore(%run_scoped3A : memref<!tpu.dma_semaphore, #tpu.memory_space<semaphore_mem>>)
        %dma_wait3A_90 = arith.constant 0 : i32
        %dma_wait3A_91 = arith.constant 0 : i32
        %dma_wait3A_92 = tpu.memref_slice %arg6[%arg1, %dma_wait3A_90, %dma_wait3A_91] : memref<16x148x128xi32, #tpu.memory_space<hbm>> -> memref<1x148x128xi32, #tpu.memory_space<hbm>>
        %dma_wait3A_93 = tpu.memref_squeeze %dma_wait3A_92 : memref<1x148x128xi32, #tpu.memory_space<hbm>> -> memref<148x128xi32, #tpu.memory_space<hbm>>
        %dma_wait3A_94 = arith.constant 0 : i32
        %dma_wait3A_95 = arith.constant 0 : i32
        %dma_wait3A_96 = tpu.memref_slice %arg6[%arg1, %dma_wait3A_94, %dma_wait3A_95] : memref<16x148x128xi32, #tpu.memory_space<hbm>> -> memref<1x148x128xi32, #tpu.memory_space<hbm>>
        %dma_wait3A_97 = tpu.memref_squeeze %dma_wait3A_96 : memref<1x148x128xi32, #tpu.memory_space<hbm>> -> memref<148x128xi32, #tpu.memory_space<hbm>>
        tpu.wait_dma2 semaphore(%run_scoped3A : memref<!tpu.dma_semaphore, #tpu.memory_space<semaphore_mem>>) src(%dma_wait3A_97 : memref<148x128xi32, #tpu.memory_space<hbm>>) dst(%arg17 : memref<148x128xi32, #tpu.memory_space<vmem>>)
        tpu.yield
      }) : () -> ()
      "tpu.region"() ({
        %run_scoped3A = tpu.sem_alloc : memref<!tpu.dma_semaphore, #tpu.memory_space<semaphore_mem>>
        %dma_start3A_82 = arith.constant 0 : i32
        %dma_start3A_83 = arith.constant 0 : i32
        %dma_start3A_84 = tpu.memref_slice %arg7[%arg1, %dma_start3A_82, %dma_start3A_83] : memref<16x148x128xi32, #tpu.memory_space<hbm>> -> memref<1x148x128xi32, #tpu.memory_space<hbm>>
        %dma_start3A_85 = tpu.memref_squeeze %dma_start3A_84 : memref<1x148x128xi32, #tpu.memory_space<hbm>> -> memref<148x128xi32, #tpu.memory_space<hbm>>
        %dma_start3A_86 = arith.constant 0 : i32
        %dma_start3A_87 = arith.constant 0 : i32
        %dma_start3A_88 = tpu.memref_slice %arg7[%arg1, %dma_start3A_86, %dma_start3A_87] : memref<16x148x128xi32, #tpu.memory_space<hbm>> -> memref<1x148x128xi32, #tpu.memory_space<hbm>>
        %dma_start3A_89 = tpu.memref_squeeze %dma_start3A_88 : memref<1x148x128xi32, #tpu.memory_space<hbm>> -> memref<148x128xi32, #tpu.memory_space<hbm>>
        tpu.enqueue_dma source(%dma_start3A_89 : memref<148x128xi32, #tpu.memory_space<hbm>>) target(%arg18 : memref<148x128xi32, #tpu.memory_space<vmem>>) target_semaphore(%run_scoped3A : memref<!tpu.dma_semaphore, #tpu.memory_space<semaphore_mem>>)
        %dma_wait3A_90 = arith.constant 0 : i32
        %dma_wait3A_91 = arith.constant 0 : i32
        %dma_wait3A_92 = tpu.memref_slice %arg7[%arg1, %dma_wait3A_90, %dma_wait3A_91] : memref<16x148x128xi32, #tpu.memory_space<hbm>> -> memref<1x148x128xi32, #tpu.memory_space<hbm>>
        %dma_wait3A_93 = tpu.memref_squeeze %dma_wait3A_92 : memref<1x148x128xi32, #tpu.memory_space<hbm>> -> memref<148x128xi32, #tpu.memory_space<hbm>>
        %dma_wait3A_94 = arith.constant 0 : i32
        %dma_wait3A_95 = arith.constant 0 : i32
        %dma_wait3A_96 = tpu.memref_slice %arg7[%arg1, %dma_wait3A_94, %dma_wait3A_95] : memref<16x148x128xi32, #tpu.memory_space<hbm>> -> memref<1x148x128xi32, #tpu.memory_space<hbm>>
        %dma_wait3A_97 = tpu.memref_squeeze %dma_wait3A_96 : memref<1x148x128xi32, #tpu.memory_space<hbm>> -> memref<148x128xi32, #tpu.memory_space<hbm>>
        tpu.wait_dma2 semaphore(%run_scoped3A : memref<!tpu.dma_semaphore, #tpu.memory_space<semaphore_mem>>) src(%dma_wait3A_97 : memref<148x128xi32, #tpu.memory_space<hbm>>) dst(%arg18 : memref<148x128xi32, #tpu.memory_space<vmem>>)
        tpu.yield
      }) : () -> ()
      %barrier3A = arith.constant 0 : index
      tpu.barrier barrier_id(%barrier3A)
      %dma_start3A = arith.constant 0 : i32
      %dma_start3A_8 = arith.constant 0 : i32
      %dma_start3A_9 = tpu.memref_slice %arg17[%dma_start3A, %dma_start3A_8] : memref<148x128xi32, #tpu.memory_space<vmem>> -> memref<1x128xi32, #tpu.memory_space<vmem>>
      %dma_start3A_10 = tpu.memref_squeeze %dma_start3A_9 : memref<1x128xi32, #tpu.memory_space<vmem>> -> memref<128xi32, #tpu.memory_space<vmem>>
      %dma_start3A_11 = arith.constant 0 : i32
      %dma_start3A_12 = arith.constant 0 : i32
      %dma_start3A_13 = tpu.memref_slice %arg3[%dma_start3A_11, %dma_start3A_12] : memref<10000x64xf32, #tpu.memory_space<hbm>> -> memref<10000x64xf32, #tpu.memory_space<hbm>>
      tpu.enqueue_indirect_dma source(%dma_start3A_13 : memref<10000x64xf32, #tpu.memory_space<hbm>>) target(%arg19 : memref<128x64xf32, #tpu.memory_space<vmem>>) offsets(%dma_start3A_10 : memref<128xi32, #tpu.memory_space<vmem>>) semaphore(%arg24 : memref<!tpu.dma_semaphore, #tpu.memory_space<semaphore_mem>>)
      %dma_start3A_14 = arith.constant 1 : i32
      %dma_start3A_15 = arith.constant 0 : i32
      %dma_start3A_16 = tpu.memref_slice %arg17[%dma_start3A_14, %dma_start3A_15] : memref<148x128xi32, #tpu.memory_space<vmem>> -> memref<1x128xi32, #tpu.memory_space<vmem>>
      %dma_start3A_17 = tpu.memref_squeeze %dma_start3A_16 : memref<1x128xi32, #tpu.memory_space<vmem>> -> memref<128xi32, #tpu.memory_space<vmem>>
      %dma_start3A_18 = arith.constant 0 : i32
      %dma_start3A_19 = arith.constant 0 : i32
      %dma_start3A_20 = tpu.memref_slice %arg3[%dma_start3A_18, %dma_start3A_19] : memref<10000x64xf32, #tpu.memory_space<hbm>> -> memref<10000x64xf32, #tpu.memory_space<hbm>>
      tpu.enqueue_indirect_dma source(%dma_start3A_20 : memref<10000x64xf32, #tpu.memory_space<hbm>>) target(%arg20 : memref<128x64xf32, #tpu.memory_space<vmem>>) offsets(%dma_start3A_17 : memref<128xi32, #tpu.memory_space<vmem>>) semaphore(%arg25 : memref<!tpu.dma_semaphore, #tpu.memory_space<semaphore_mem>>)
      %scan3A = arith.constant 0 : i32
      %scan3A_21 = arith.constant 0 : i32
      %scan3A_22 = arith.constant 37 : i32
      %scan3A_23 = arith.addi %scan3A_21, %scan3A_22 : i32
      %scan3A_24 = arith.constant 1 : i32
      scf.for %scan3A_82 = %scan3A_21 to %scan3A_23 step %scan3A_24  : i32 {
        %mul3A_83 = arith.constant 4 : i32
        %mul3A_84 = arith.muli %scan3A_82, %mul3A_83 : i32
        %add3A = arith.constant 0 : i32
        %add3A_85 = arith.addi %mul3A_84, %add3A : i32
        %dma_wait3A_86 = arith.constant 0 : i32
        %dma_wait3A_87 = tpu.memref_slice %arg17[%add3A_85, %dma_wait3A_86] : memref<148x128xi32, #tpu.memory_space<vmem>> -> memref<1x128xi32, #tpu.memory_space<vmem>>
        %dma_wait3A_88 = tpu.memref_squeeze %dma_wait3A_87 : memref<1x128xi32, #tpu.memory_space<vmem>> -> memref<128xi32, #tpu.memory_space<vmem>>
        %dma_wait3A_89 = arith.constant 0 : i32
        %dma_wait3A_90 = arith.constant 0 : i32
        %dma_wait3A_91 = tpu.memref_slice %arg3[%dma_wait3A_89, %dma_wait3A_90] : memref<10000x64xf32, #tpu.memory_space<hbm>> -> memref<10000x64xf32, #tpu.memory_space<hbm>>
        tpu.wait_indirect_dma semaphore(%arg24 : memref<!tpu.dma_semaphore, #tpu.memory_space<semaphore_mem>>) src(%dma_wait3A_91 : memref<10000x64xf32, #tpu.memory_space<hbm>>) dst(%arg19 : memref<128x64xf32, #tpu.memory_space<vmem>>)
        %dma_start3A_92 = arith.constant 0 : i32
        %dma_start3A_93 = tpu.memref_slice %arg18[%add3A_85, %dma_start3A_92] : memref<148x128xi32, #tpu.memory_space<vmem>> -> memref<1x128xi32, #tpu.memory_space<vmem>>
        %dma_start3A_94 = tpu.memref_squeeze %dma_start3A_93 : memref<1x128xi32, #tpu.memory_space<vmem>> -> memref<128xi32, #tpu.memory_space<vmem>>
        %dma_start3A_95 = arith.constant 0 : i32
        %dma_start3A_96 = arith.constant 0 : i32
        %dma_start3A_97 = tpu.memref_slice %arg15[%dma_start3A_95, %dma_start3A_96] : memref<10240x64xf32, #tpu.memory_space<vmem_shared>> -> memref<10240x64xf32, #tpu.memory_space<vmem_shared>>
        tpu.enqueue_indirect_dma source(%arg19 : memref<128x64xf32, #tpu.memory_space<vmem>>) target(%dma_start3A_97 : memref<10240x64xf32, #tpu.memory_space<vmem_shared>>) offsets(%dma_start3A_94 : memref<128xi32, #tpu.memory_space<vmem>>) semaphore(%arg28 : memref<!tpu.dma_semaphore, #tpu.memory_space<semaphore_mem>>) {add = true}
        %dma_start3A_98 = arith.constant 0 : i32
        %dma_start3A_99 = tpu.memref_slice %arg18[%add3A_85, %dma_start3A_98] : memref<148x128xi32, #tpu.memory_space<vmem>> -> memref<1x128xi32, #tpu.memory_space<vmem>>
        %dma_start3A_100 = tpu.memref_squeeze %dma_start3A_99 : memref<1x128xi32, #tpu.memory_space<vmem>> -> memref<128xi32, #tpu.memory_space<vmem>>
        %dma_start3A_101 = arith.constant 0 : i32
        %dma_start3A_102 = arith.constant 0 : i32
        %dma_start3A_103 = tpu.memref_slice %arg16[%dma_start3A_101, %dma_start3A_102] : memref<10240x16xf32, #tpu.memory_space<vmem_shared>> -> memref<10240x16xf32, #tpu.memory_space<vmem_shared>>
        tpu.enqueue_indirect_dma source(%arg23 : memref<128x16xf32, #tpu.memory_space<vmem>>) target(%dma_start3A_103 : memref<10240x16xf32, #tpu.memory_space<vmem_shared>>) offsets(%dma_start3A_100 : memref<128xi32, #tpu.memory_space<vmem>>) semaphore(%arg32 : memref<!tpu.dma_semaphore, #tpu.memory_space<semaphore_mem>>) {add = true}
        %add3A_104 = arith.constant 2 : i32
        %add3A_105 = arith.addi %add3A_85, %add3A_104 : i32
        %lt3A = arith.constant 148 : i32
        %lt3A_106 = arith.cmpi slt, %add3A_105, %lt3A : i32
        %convert_element_type3A_107 = arith.extui %lt3A_106 : i1 to i32
        %cond3A_108 = arith.constant 0 : i32
        %cond3A_109 = arith.cmpi ne, %convert_element_type3A_107, %cond3A_108 : i32
        scf.if %cond3A_109 {
          %ge3A = arith.constant 2 : i32
          %ge3A_191 = arith.cmpi sge, %add3A_85, %ge3A : i32
          %convert_element_type3A_192 = arith.extui %ge3A_191 : i1 to i32
          %cond3A_193 = arith.constant 0 : i32
          %cond3A_194 = arith.cmpi ne, %convert_element_type3A_192, %cond3A_193 : i32
          scf.if %cond3A_194 {
            %dma_wait3A_203 = arith.constant 0 : i32
            %dma_wait3A_204 = arith.constant 0 : i32
            %dma_wait3A_205 = tpu.memref_slice %arg18[%dma_wait3A_203, %dma_wait3A_204] : memref<148x128xi32, #tpu.memory_space<vmem>> -> memref<1x128xi32, #tpu.memory_space<vmem>>
            %dma_wait3A_206 = tpu.memref_squeeze %dma_wait3A_205 : memref<1x128xi32, #tpu.memory_space<vmem>> -> memref<128xi32, #tpu.memory_space<vmem>>
            %dma_wait3A_207 = arith.constant 0 : i32
            %dma_wait3A_208 = arith.constant 0 : i32
            %dma_wait3A_209 = tpu.memref_slice %arg15[%dma_wait3A_207, %dma_wait3A_208] : memref<10240x64xf32, #tpu.memory_space<vmem_shared>> -> memref<10240x64xf32, #tpu.memory_space<vmem_shared>>
            tpu.wait_indirect_dma semaphore(%arg30 : memref<!tpu.dma_semaphore, #tpu.memory_space<semaphore_mem>>) src(%arg21 : memref<128x64xf32, #tpu.memory_space<vmem>>) dst(%dma_wait3A_209 : memref<10240x64xf32, #tpu.memory_space<vmem_shared>>)
            %dma_wait3A_210 = arith.constant 0 : i32
            %dma_wait3A_211 = arith.constant 0 : i32
            %dma_wait3A_212 = tpu.memref_slice %arg18[%dma_wait3A_210, %dma_wait3A_211] : memref<148x128xi32, #tpu.memory_space<vmem>> -> memref<1x128xi32, #tpu.memory_space<vmem>>
            %dma_wait3A_213 = tpu.memref_squeeze %dma_wait3A_212 : memref<1x128xi32, #tpu.memory_space<vmem>> -> memref<128xi32, #tpu.memory_space<vmem>>
            %dma_wait3A_214 = arith.constant 0 : i32
            %dma_wait3A_215 = arith.constant 0 : i32
            %dma_wait3A_216 = tpu.memref_slice %arg16[%dma_wait3A_214, %dma_wait3A_215] : memref<10240x16xf32, #tpu.memory_space<vmem_shared>> -> memref<10240x16xf32, #tpu.memory_space<vmem_shared>>
            tpu.wait_indirect_dma semaphore(%arg34 : memref<!tpu.dma_semaphore, #tpu.memory_space<semaphore_mem>>) src(%arg23 : memref<128x16xf32, #tpu.memory_space<vmem>>) dst(%dma_wait3A_216 : memref<10240x16xf32, #tpu.memory_space<vmem_shared>>)
          } else {
          }
          %add3A_195 = arith.constant 2 : i32
          %add3A_196 = arith.addi %add3A_85, %add3A_195 : i32
          %dma_start3A_197 = arith.constant 0 : i32
          %dma_start3A_198 = tpu.memref_slice %arg17[%add3A_196, %dma_start3A_197] : memref<148x128xi32, #tpu.memory_space<vmem>> -> memref<1x128xi32, #tpu.memory_space<vmem>>
          %dma_start3A_199 = tpu.memref_squeeze %dma_start3A_198 : memref<1x128xi32, #tpu.memory_space<vmem>> -> memref<128xi32, #tpu.memory_space<vmem>>
          %dma_start3A_200 = arith.constant 0 : i32
          %dma_start3A_201 = arith.constant 0 : i32
          %dma_start3A_202 = tpu.memref_slice %arg3[%dma_start3A_200, %dma_start3A_201] : memref<10000x64xf32, #tpu.memory_space<hbm>> -> memref<10000x64xf32, #tpu.memory_space<hbm>>
          tpu.enqueue_indirect_dma source(%dma_start3A_202 : memref<10000x64xf32, #tpu.memory_space<hbm>>) target(%arg21 : memref<128x64xf32, #tpu.memory_space<vmem>>) offsets(%dma_start3A_199 : memref<128xi32, #tpu.memory_space<vmem>>) semaphore(%arg26 : memref<!tpu.dma_semaphore, #tpu.memory_space<semaphore_mem>>)
        } else {
        }
        %add3A_110 = arith.constant 1 : i32
        %add3A_111 = arith.addi %mul3A_84, %add3A_110 : i32
        %dma_wait3A_112 = arith.constant 0 : i32
        %dma_wait3A_113 = tpu.memref_slice %arg17[%add3A_111, %dma_wait3A_112] : memref<148x128xi32, #tpu.memory_space<vmem>> -> memref<1x128xi32, #tpu.memory_space<vmem>>
        %dma_wait3A_114 = tpu.memref_squeeze %dma_wait3A_113 : memref<1x128xi32, #tpu.memory_space<vmem>> -> memref<128xi32, #tpu.memory_space<vmem>>
        %dma_wait3A_115 = arith.constant 0 : i32
        %dma_wait3A_116 = arith.constant 0 : i32
        %dma_wait3A_117 = tpu.memref_slice %arg3[%dma_wait3A_115, %dma_wait3A_116] : memref<10000x64xf32, #tpu.memory_space<hbm>> -> memref<10000x64xf32, #tpu.memory_space<hbm>>
        tpu.wait_indirect_dma semaphore(%arg25 : memref<!tpu.dma_semaphore, #tpu.memory_space<semaphore_mem>>) src(%dma_wait3A_117 : memref<10000x64xf32, #tpu.memory_space<hbm>>) dst(%arg20 : memref<128x64xf32, #tpu.memory_space<vmem>>)
        %dma_start3A_118 = arith.constant 0 : i32
        %dma_start3A_119 = tpu.memref_slice %arg18[%add3A_111, %dma_start3A_118] : memref<148x128xi32, #tpu.memory_space<vmem>> -> memref<1x128xi32, #tpu.memory_space<vmem>>
        %dma_start3A_120 = tpu.memref_squeeze %dma_start3A_119 : memref<1x128xi32, #tpu.memory_space<vmem>> -> memref<128xi32, #tpu.memory_space<vmem>>
        %dma_start3A_121 = arith.constant 0 : i32
        %dma_start3A_122 = arith.constant 0 : i32
        %dma_start3A_123 = tpu.memref_slice %arg15[%dma_start3A_121, %dma_start3A_122] : memref<10240x64xf32, #tpu.memory_space<vmem_shared>> -> memref<10240x64xf32, #tpu.memory_space<vmem_shared>>
        tpu.enqueue_indirect_dma source(%arg20 : memref<128x64xf32, #tpu.memory_space<vmem>>) target(%dma_start3A_123 : memref<10240x64xf32, #tpu.memory_space<vmem_shared>>) offsets(%dma_start3A_120 : memref<128xi32, #tpu.memory_space<vmem>>) semaphore(%arg29 : memref<!tpu.dma_semaphore, #tpu.memory_space<semaphore_mem>>) {add = true}
        %dma_start3A_124 = arith.constant 0 : i32
        %dma_start3A_125 = tpu.memref_slice %arg18[%add3A_111, %dma_start3A_124] : memref<148x128xi32, #tpu.memory_space<vmem>> -> memref<1x128xi32, #tpu.memory_space<vmem>>
        %dma_start3A_126 = tpu.memref_squeeze %dma_start3A_125 : memref<1x128xi32, #tpu.memory_space<vmem>> -> memref<128xi32, #tpu.memory_space<vmem>>
        %dma_start3A_127 = arith.constant 0 : i32
        %dma_start3A_128 = arith.constant 0 : i32
        %dma_start3A_129 = tpu.memref_slice %arg16[%dma_start3A_127, %dma_start3A_128] : memref<10240x16xf32, #tpu.memory_space<vmem_shared>> -> memref<10240x16xf32, #tpu.memory_space<vmem_shared>>
        tpu.enqueue_indirect_dma source(%arg23 : memref<128x16xf32, #tpu.memory_space<vmem>>) target(%dma_start3A_129 : memref<10240x16xf32, #tpu.memory_space<vmem_shared>>) offsets(%dma_start3A_126 : memref<128xi32, #tpu.memory_space<vmem>>) semaphore(%arg33 : memref<!tpu.dma_semaphore, #tpu.memory_space<semaphore_mem>>) {add = true}
        %add3A_130 = arith.constant 2 : i32
        %add3A_131 = arith.addi %add3A_111, %add3A_130 : i32
        %lt3A_132 = arith.constant 148 : i32
        %lt3A_133 = arith.cmpi slt, %add3A_131, %lt3A_132 : i32
        %convert_element_type3A_134 = arith.extui %lt3A_133 : i1 to i32
        %cond3A_135 = arith.constant 0 : i32
        %cond3A_136 = arith.cmpi ne, %convert_element_type3A_134, %cond3A_135 : i32
        scf.if %cond3A_136 {
          %ge3A = arith.constant 2 : i32
          %ge3A_191 = arith.cmpi sge, %add3A_111, %ge3A : i32
          %convert_element_type3A_192 = arith.extui %ge3A_191 : i1 to i32
          %cond3A_193 = arith.constant 0 : i32
          %cond3A_194 = arith.cmpi ne, %convert_element_type3A_192, %cond3A_193 : i32
          scf.if %cond3A_194 {
            %dma_wait3A_203 = arith.constant 0 : i32
            %dma_wait3A_204 = arith.constant 0 : i32
            %dma_wait3A_205 = tpu.memref_slice %arg18[%dma_wait3A_203, %dma_wait3A_204] : memref<148x128xi32, #tpu.memory_space<vmem>> -> memref<1x128xi32, #tpu.memory_space<vmem>>
            %dma_wait3A_206 = tpu.memref_squeeze %dma_wait3A_205 : memref<1x128xi32, #tpu.memory_space<vmem>> -> memref<128xi32, #tpu.memory_space<vmem>>
            %dma_wait3A_207 = arith.constant 0 : i32
            %dma_wait3A_208 = arith.constant 0 : i32
            %dma_wait3A_209 = tpu.memref_slice %arg15[%dma_wait3A_207, %dma_wait3A_208] : memref<10240x64xf32, #tpu.memory_space<vmem_shared>> -> memref<10240x64xf32, #tpu.memory_space<vmem_shared>>
            tpu.wait_indirect_dma semaphore(%arg31 : memref<!tpu.dma_semaphore, #tpu.memory_space<semaphore_mem>>) src(%arg22 : memref<128x64xf32, #tpu.memory_space<vmem>>) dst(%dma_wait3A_209 : memref<10240x64xf32, #tpu.memory_space<vmem_shared>>)
            %dma_wait3A_210 = arith.constant 0 : i32
            %dma_wait3A_211 = arith.constant 0 : i32
            %dma_wait3A_212 = tpu.memref_slice %arg18[%dma_wait3A_210, %dma_wait3A_211] : memref<148x128xi32, #tpu.memory_space<vmem>> -> memref<1x128xi32, #tpu.memory_space<vmem>>
            %dma_wait3A_213 = tpu.memref_squeeze %dma_wait3A_212 : memref<1x128xi32, #tpu.memory_space<vmem>> -> memref<128xi32, #tpu.memory_space<vmem>>
            %dma_wait3A_214 = arith.constant 0 : i32
            %dma_wait3A_215 = arith.constant 0 : i32
            %dma_wait3A_216 = tpu.memref_slice %arg16[%dma_wait3A_214, %dma_wait3A_215] : memref<10240x16xf32, #tpu.memory_space<vmem_shared>> -> memref<10240x16xf32, #tpu.memory_space<vmem_shared>>
            tpu.wait_indirect_dma semaphore(%arg35 : memref<!tpu.dma_semaphore, #tpu.memory_space<semaphore_mem>>) src(%arg23 : memref<128x16xf32, #tpu.memory_space<vmem>>) dst(%dma_wait3A_216 : memref<10240x16xf32, #tpu.memory_space<vmem_shared>>)
          } else {
          }
          %add3A_195 = arith.constant 2 : i32
          %add3A_196 = arith.addi %add3A_111, %add3A_195 : i32
          %dma_start3A_197 = arith.constant 0 : i32
          %dma_start3A_198 = tpu.memref_slice %arg17[%add3A_196, %dma_start3A_197] : memref<148x128xi32, #tpu.memory_space<vmem>> -> memref<1x128xi32, #tpu.memory_space<vmem>>
          %dma_start3A_199 = tpu.memref_squeeze %dma_start3A_198 : memref<1x128xi32, #tpu.memory_space<vmem>> -> memref<128xi32, #tpu.memory_space<vmem>>
          %dma_start3A_200 = arith.constant 0 : i32
          %dma_start3A_201 = arith.constant 0 : i32
          %dma_start3A_202 = tpu.memref_slice %arg3[%dma_start3A_200, %dma_start3A_201] : memref<10000x64xf32, #tpu.memory_space<hbm>> -> memref<10000x64xf32, #tpu.memory_space<hbm>>
          tpu.enqueue_indirect_dma source(%dma_start3A_202 : memref<10000x64xf32, #tpu.memory_space<hbm>>) target(%arg22 : memref<128x64xf32, #tpu.memory_space<vmem>>) offsets(%dma_start3A_199 : memref<128xi32, #tpu.memory_space<vmem>>) semaphore(%arg27 : memref<!tpu.dma_semaphore, #tpu.memory_space<semaphore_mem>>)
        } else {
        }
        %add3A_137 = arith.constant 2 : i32
        %add3A_138 = arith.addi %mul3A_84, %add3A_137 : i32
        %dma_wait3A_139 = arith.constant 0 : i32
        %dma_wait3A_140 = tpu.memref_slice %arg17[%add3A_138, %dma_wait3A_139] : memref<148x128xi32, #tpu.memory_space<vmem>> -> memref<1x128xi32, #tpu.memory_space<vmem>>
        %dma_wait3A_141 = tpu.memref_squeeze %dma_wait3A_140 : memref<1x128xi32, #tpu.memory_space<vmem>> -> memref<128xi32, #tpu.memory_space<vmem>>
        %dma_wait3A_142 = arith.constant 0 : i32
        %dma_wait3A_143 = arith.constant 0 : i32
        %dma_wait3A_144 = tpu.memref_slice %arg3[%dma_wait3A_142, %dma_wait3A_143] : memref<10000x64xf32, #tpu.memory_space<hbm>> -> memref<10000x64xf32, #tpu.memory_space<hbm>>
        tpu.wait_indirect_dma semaphore(%arg26 : memref<!tpu.dma_semaphore, #tpu.memory_space<semaphore_mem>>) src(%dma_wait3A_144 : memref<10000x64xf32, #tpu.memory_space<hbm>>) dst(%arg21 : memref<128x64xf32, #tpu.memory_space<vmem>>)
        %dma_start3A_145 = arith.constant 0 : i32
        %dma_start3A_146 = tpu.memref_slice %arg18[%add3A_138, %dma_start3A_145] : memref<148x128xi32, #tpu.memory_space<vmem>> -> memref<1x128xi32, #tpu.memory_space<vmem>>
        %dma_start3A_147 = tpu.memref_squeeze %dma_start3A_146 : memref<1x128xi32, #tpu.memory_space<vmem>> -> memref<128xi32, #tpu.memory_space<vmem>>
        %dma_start3A_148 = arith.constant 0 : i32
        %dma_start3A_149 = arith.constant 0 : i32
        %dma_start3A_150 = tpu.memref_slice %arg15[%dma_start3A_148, %dma_start3A_149] : memref<10240x64xf32, #tpu.memory_space<vmem_shared>> -> memref<10240x64xf32, #tpu.memory_space<vmem_shared>>
        tpu.enqueue_indirect_dma source(%arg21 : memref<128x64xf32, #tpu.memory_space<vmem>>) target(%dma_start3A_150 : memref<10240x64xf32, #tpu.memory_space<vmem_shared>>) offsets(%dma_start3A_147 : memref<128xi32, #tpu.memory_space<vmem>>) semaphore(%arg30 : memref<!tpu.dma_semaphore, #tpu.memory_space<semaphore_mem>>) {add = true}
        %dma_start3A_151 = arith.constant 0 : i32
        %dma_start3A_152 = tpu.memref_slice %arg18[%add3A_138, %dma_start3A_151] : memref<148x128xi32, #tpu.memory_space<vmem>> -> memref<1x128xi32, #tpu.memory_space<vmem>>
        %dma_start3A_153 = tpu.memref_squeeze %dma_start3A_152 : memref<1x128xi32, #tpu.memory_space<vmem>> -> memref<128xi32, #tpu.memory_space<vmem>>
        %dma_start3A_154 = arith.constant 0 : i32
        %dma_start3A_155 = arith.constant 0 : i32
        %dma_start3A_156 = tpu.memref_slice %arg16[%dma_start3A_154, %dma_start3A_155] : memref<10240x16xf32, #tpu.memory_space<vmem_shared>> -> memref<10240x16xf32, #tpu.memory_space<vmem_shared>>
        tpu.enqueue_indirect_dma source(%arg23 : memref<128x16xf32, #tpu.memory_space<vmem>>) target(%dma_start3A_156 : memref<10240x16xf32, #tpu.memory_space<vmem_shared>>) offsets(%dma_start3A_153 : memref<128xi32, #tpu.memory_space<vmem>>) semaphore(%arg34 : memref<!tpu.dma_semaphore, #tpu.memory_space<semaphore_mem>>) {add = true}
        %add3A_157 = arith.constant 2 : i32
        %add3A_158 = arith.addi %add3A_138, %add3A_157 : i32
        %lt3A_159 = arith.constant 148 : i32
        %lt3A_160 = arith.cmpi slt, %add3A_158, %lt3A_159 : i32
        %convert_element_type3A_161 = arith.extui %lt3A_160 : i1 to i32
        %cond3A_162 = arith.constant 0 : i32
        %cond3A_163 = arith.cmpi ne, %convert_element_type3A_161, %cond3A_162 : i32
        scf.if %cond3A_163 {
          %ge3A = arith.constant 2 : i32
          %ge3A_191 = arith.cmpi sge, %add3A_138, %ge3A : i32
          %convert_element_type3A_192 = arith.extui %ge3A_191 : i1 to i32
          %cond3A_193 = arith.constant 0 : i32
          %cond3A_194 = arith.cmpi ne, %convert_element_type3A_192, %cond3A_193 : i32
          scf.if %cond3A_194 {
            %dma_wait3A_203 = arith.constant 0 : i32
            %dma_wait3A_204 = arith.constant 0 : i32
            %dma_wait3A_205 = tpu.memref_slice %arg18[%dma_wait3A_203, %dma_wait3A_204] : memref<148x128xi32, #tpu.memory_space<vmem>> -> memref<1x128xi32, #tpu.memory_space<vmem>>
            %dma_wait3A_206 = tpu.memref_squeeze %dma_wait3A_205 : memref<1x128xi32, #tpu.memory_space<vmem>> -> memref<128xi32, #tpu.memory_space<vmem>>
            %dma_wait3A_207 = arith.constant 0 : i32
            %dma_wait3A_208 = arith.constant 0 : i32
            %dma_wait3A_209 = tpu.memref_slice %arg15[%dma_wait3A_207, %dma_wait3A_208] : memref<10240x64xf32, #tpu.memory_space<vmem_shared>> -> memref<10240x64xf32, #tpu.memory_space<vmem_shared>>
            tpu.wait_indirect_dma semaphore(%arg28 : memref<!tpu.dma_semaphore, #tpu.memory_space<semaphore_mem>>) src(%arg19 : memref<128x64xf32, #tpu.memory_space<vmem>>) dst(%dma_wait3A_209 : memref<10240x64xf32, #tpu.memory_space<vmem_shared>>)
            %dma_wait3A_210 = arith.constant 0 : i32
            %dma_wait3A_211 = arith.constant 0 : i32
            %dma_wait3A_212 = tpu.memref_slice %arg18[%dma_wait3A_210, %dma_wait3A_211] : memref<148x128xi32, #tpu.memory_space<vmem>> -> memref<1x128xi32, #tpu.memory_space<vmem>>
            %dma_wait3A_213 = tpu.memref_squeeze %dma_wait3A_212 : memref<1x128xi32, #tpu.memory_space<vmem>> -> memref<128xi32, #tpu.memory_space<vmem>>
            %dma_wait3A_214 = arith.constant 0 : i32
            %dma_wait3A_215 = arith.constant 0 : i32
            %dma_wait3A_216 = tpu.memref_slice %arg16[%dma_wait3A_214, %dma_wait3A_215] : memref<10240x16xf32, #tpu.memory_space<vmem_shared>> -> memref<10240x16xf32, #tpu.memory_space<vmem_shared>>
            tpu.wait_indirect_dma semaphore(%arg32 : memref<!tpu.dma_semaphore, #tpu.memory_space<semaphore_mem>>) src(%arg23 : memref<128x16xf32, #tpu.memory_space<vmem>>) dst(%dma_wait3A_216 : memref<10240x16xf32, #tpu.memory_space<vmem_shared>>)
          } else {
          }
          %add3A_195 = arith.constant 2 : i32
          %add3A_196 = arith.addi %add3A_138, %add3A_195 : i32
          %dma_start3A_197 = arith.constant 0 : i32
          %dma_start3A_198 = tpu.memref_slice %arg17[%add3A_196, %dma_start3A_197] : memref<148x128xi32, #tpu.memory_space<vmem>> -> memref<1x128xi32, #tpu.memory_space<vmem>>
          %dma_start3A_199 = tpu.memref_squeeze %dma_start3A_198 : memref<1x128xi32, #tpu.memory_space<vmem>> -> memref<128xi32, #tpu.memory_space<vmem>>
          %dma_start3A_200 = arith.constant 0 : i32
          %dma_start3A_201 = arith.constant 0 : i32
          %dma_start3A_202 = tpu.memref_slice %arg3[%dma_start3A_200, %dma_start3A_201] : memref<10000x64xf32, #tpu.memory_space<hbm>> -> memref<10000x64xf32, #tpu.memory_space<hbm>>
          tpu.enqueue_indirect_dma source(%dma_start3A_202 : memref<10000x64xf32, #tpu.memory_space<hbm>>) target(%arg19 : memref<128x64xf32, #tpu.memory_space<vmem>>) offsets(%dma_start3A_199 : memref<128xi32, #tpu.memory_space<vmem>>) semaphore(%arg24 : memref<!tpu.dma_semaphore, #tpu.memory_space<semaphore_mem>>)
        } else {
        }
        %add3A_164 = arith.constant 3 : i32
        %add3A_165 = arith.addi %mul3A_84, %add3A_164 : i32
        %dma_wait3A_166 = arith.constant 0 : i32
        %dma_wait3A_167 = tpu.memref_slice %arg17[%add3A_165, %dma_wait3A_166] : memref<148x128xi32, #tpu.memory_space<vmem>> -> memref<1x128xi32, #tpu.memory_space<vmem>>
        %dma_wait3A_168 = tpu.memref_squeeze %dma_wait3A_167 : memref<1x128xi32, #tpu.memory_space<vmem>> -> memref<128xi32, #tpu.memory_space<vmem>>
        %dma_wait3A_169 = arith.constant 0 : i32
        %dma_wait3A_170 = arith.constant 0 : i32
        %dma_wait3A_171 = tpu.memref_slice %arg3[%dma_wait3A_169, %dma_wait3A_170] : memref<10000x64xf32, #tpu.memory_space<hbm>> -> memref<10000x64xf32, #tpu.memory_space<hbm>>
        tpu.wait_indirect_dma semaphore(%arg27 : memref<!tpu.dma_semaphore, #tpu.memory_space<semaphore_mem>>) src(%dma_wait3A_171 : memref<10000x64xf32, #tpu.memory_space<hbm>>) dst(%arg22 : memref<128x64xf32, #tpu.memory_space<vmem>>)
        %dma_start3A_172 = arith.constant 0 : i32
        %dma_start3A_173 = tpu.memref_slice %arg18[%add3A_165, %dma_start3A_172] : memref<148x128xi32, #tpu.memory_space<vmem>> -> memref<1x128xi32, #tpu.memory_space<vmem>>
        %dma_start3A_174 = tpu.memref_squeeze %dma_start3A_173 : memref<1x128xi32, #tpu.memory_space<vmem>> -> memref<128xi32, #tpu.memory_space<vmem>>
        %dma_start3A_175 = arith.constant 0 : i32
        %dma_start3A_176 = arith.constant 0 : i32
        %dma_start3A_177 = tpu.memref_slice %arg15[%dma_start3A_175, %dma_start3A_176] : memref<10240x64xf32, #tpu.memory_space<vmem_shared>> -> memref<10240x64xf32, #tpu.memory_space<vmem_shared>>
        tpu.enqueue_indirect_dma source(%arg22 : memref<128x64xf32, #tpu.memory_space<vmem>>) target(%dma_start3A_177 : memref<10240x64xf32, #tpu.memory_space<vmem_shared>>) offsets(%dma_start3A_174 : memref<128xi32, #tpu.memory_space<vmem>>) semaphore(%arg31 : memref<!tpu.dma_semaphore, #tpu.memory_space<semaphore_mem>>) {add = true}
        %dma_start3A_178 = arith.constant 0 : i32
        %dma_start3A_179 = tpu.memref_slice %arg18[%add3A_165, %dma_start3A_178] : memref<148x128xi32, #tpu.memory_space<vmem>> -> memref<1x128xi32, #tpu.memory_space<vmem>>
        %dma_start3A_180 = tpu.memref_squeeze %dma_start3A_179 : memref<1x128xi32, #tpu.memory_space<vmem>> -> memref<128xi32, #tpu.memory_space<vmem>>
        %dma_start3A_181 = arith.constant 0 : i32
        %dma_start3A_182 = arith.constant 0 : i32
        %dma_start3A_183 = tpu.memref_slice %arg16[%dma_start3A_181, %dma_start3A_182] : memref<10240x16xf32, #tpu.memory_space<vmem_shared>> -> memref<10240x16xf32, #tpu.memory_space<vmem_shared>>
        tpu.enqueue_indirect_dma source(%arg23 : memref<128x16xf32, #tpu.memory_space<vmem>>) target(%dma_start3A_183 : memref<10240x16xf32, #tpu.memory_space<vmem_shared>>) offsets(%dma_start3A_180 : memref<128xi32, #tpu.memory_space<vmem>>) semaphore(%arg35 : memref<!tpu.dma_semaphore, #tpu.memory_space<semaphore_mem>>) {add = true}
        %add3A_184 = arith.constant 2 : i32
        %add3A_185 = arith.addi %add3A_165, %add3A_184 : i32
        %lt3A_186 = arith.constant 148 : i32
        %lt3A_187 = arith.cmpi slt, %add3A_185, %lt3A_186 : i32
        %convert_element_type3A_188 = arith.extui %lt3A_187 : i1 to i32
        %cond3A_189 = arith.constant 0 : i32
        %cond3A_190 = arith.cmpi ne, %convert_element_type3A_188, %cond3A_189 : i32
        scf.if %cond3A_190 {
          %ge3A = arith.constant 2 : i32
          %ge3A_191 = arith.cmpi sge, %add3A_165, %ge3A : i32
          %convert_element_type3A_192 = arith.extui %ge3A_191 : i1 to i32
          %cond3A_193 = arith.constant 0 : i32
          %cond3A_194 = arith.cmpi ne, %convert_element_type3A_192, %cond3A_193 : i32
          scf.if %cond3A_194 {
            %dma_wait3A_203 = arith.constant 0 : i32
            %dma_wait3A_204 = arith.constant 0 : i32
            %dma_wait3A_205 = tpu.memref_slice %arg18[%dma_wait3A_203, %dma_wait3A_204] : memref<148x128xi32, #tpu.memory_space<vmem>> -> memref<1x128xi32, #tpu.memory_space<vmem>>
            %dma_wait3A_206 = tpu.memref_squeeze %dma_wait3A_205 : memref<1x128xi32, #tpu.memory_space<vmem>> -> memref<128xi32, #tpu.memory_space<vmem>>
            %dma_wait3A_207 = arith.constant 0 : i32
            %dma_wait3A_208 = arith.constant 0 : i32
            %dma_wait3A_209 = tpu.memref_slice %arg15[%dma_wait3A_207, %dma_wait3A_208] : memref<10240x64xf32, #tpu.memory_space<vmem_shared>> -> memref<10240x64xf32, #tpu.memory_space<vmem_shared>>
            tpu.wait_indirect_dma semaphore(%arg29 : memref<!tpu.dma_semaphore, #tpu.memory_space<semaphore_mem>>) src(%arg20 : memref<128x64xf32, #tpu.memory_space<vmem>>) dst(%dma_wait3A_209 : memref<10240x64xf32, #tpu.memory_space<vmem_shared>>)
            %dma_wait3A_210 = arith.constant 0 : i32
            %dma_wait3A_211 = arith.constant 0 : i32
            %dma_wait3A_212 = tpu.memref_slice %arg18[%dma_wait3A_210, %dma_wait3A_211] : memref<148x128xi32, #tpu.memory_space<vmem>> -> memref<1x128xi32, #tpu.memory_space<vmem>>
            %dma_wait3A_213 = tpu.memref_squeeze %dma_wait3A_212 : memref<1x128xi32, #tpu.memory_space<vmem>> -> memref<128xi32, #tpu.memory_space<vmem>>
            %dma_wait3A_214 = arith.constant 0 : i32
            %dma_wait3A_215 = arith.constant 0 : i32
            %dma_wait3A_216 = tpu.memref_slice %arg16[%dma_wait3A_214, %dma_wait3A_215] : memref<10240x16xf32, #tpu.memory_space<vmem_shared>> -> memref<10240x16xf32, #tpu.memory_space<vmem_shared>>
            tpu.wait_indirect_dma semaphore(%arg33 : memref<!tpu.dma_semaphore, #tpu.memory_space<semaphore_mem>>) src(%arg23 : memref<128x16xf32, #tpu.memory_space<vmem>>) dst(%dma_wait3A_216 : memref<10240x16xf32, #tpu.memory_space<vmem_shared>>)
          } else {
          }
          %add3A_195 = arith.constant 2 : i32
          %add3A_196 = arith.addi %add3A_165, %add3A_195 : i32
          %dma_start3A_197 = arith.constant 0 : i32
          %dma_start3A_198 = tpu.memref_slice %arg17[%add3A_196, %dma_start3A_197] : memref<148x128xi32, #tpu.memory_space<vmem>> -> memref<1x128xi32, #tpu.memory_space<vmem>>
          %dma_start3A_199 = tpu.memref_squeeze %dma_start3A_198 : memref<1x128xi32, #tpu.memory_space<vmem>> -> memref<128xi32, #tpu.memory_space<vmem>>
          %dma_start3A_200 = arith.constant 0 : i32
          %dma_start3A_201 = arith.constant 0 : i32
          %dma_start3A_202 = tpu.memref_slice %arg3[%dma_start3A_200, %dma_start3A_201] : memref<10000x64xf32, #tpu.memory_space<hbm>> -> memref<10000x64xf32, #tpu.memory_space<hbm>>
          tpu.enqueue_indirect_dma source(%dma_start3A_202 : memref<10000x64xf32, #tpu.memory_space<hbm>>) target(%arg20 : memref<128x64xf32, #tpu.memory_space<vmem>>) offsets(%dma_start3A_199 : memref<128xi32, #tpu.memory_space<vmem>>) semaphore(%arg25 : memref<!tpu.dma_semaphore, #tpu.memory_space<semaphore_mem>>)
        } else {
        }
      }
      %scan3A_25 = arith.constant 37 : i32
      %dma_wait3A = arith.constant 0 : i32
      %dma_wait3A_26 = arith.constant 0 : i32
      %dma_wait3A_27 = tpu.memref_slice %arg18[%dma_wait3A, %dma_wait3A_26] : memref<148x128xi32, #tpu.memory_space<vmem>> -> memref<1x128xi32, #tpu.memory_space<vmem>>
      %dma_wait3A_28 = tpu.memref_squeeze %dma_wait3A_27 : memref<1x128xi32, #tpu.memory_space<vmem>> -> memref<128xi32, #tpu.memory_space<vmem>>
      %dma_wait3A_29 = arith.constant 0 : i32
      %dma_wait3A_30 = arith.constant 0 : i32
      %dma_wait3A_31 = tpu.memref_slice %arg15[%dma_wait3A_29, %dma_wait3A_30] : memref<10240x64xf32, #tpu.memory_space<vmem_shared>> -> memref<10240x64xf32, #tpu.memory_space<vmem_shared>>
      tpu.wait_indirect_dma semaphore(%arg28 : memref<!tpu.dma_semaphore, #tpu.memory_space<semaphore_mem>>) src(%arg19 : memref<128x64xf32, #tpu.memory_space<vmem>>) dst(%dma_wait3A_31 : memref<10240x64xf32, #tpu.memory_space<vmem_shared>>)
      %dma_wait3A_32 = arith.constant 0 : i32
      %dma_wait3A_33 = arith.constant 0 : i32
      %dma_wait3A_34 = tpu.memref_slice %arg18[%dma_wait3A_32, %dma_wait3A_33] : memref<148x128xi32, #tpu.memory_space<vmem>> -> memref<1x128xi32, #tpu.memory_space<vmem>>
      %dma_wait3A_35 = tpu.memref_squeeze %dma_wait3A_34 : memref<1x128xi32, #tpu.memory_space<vmem>> -> memref<128xi32, #tpu.memory_space<vmem>>
      %dma_wait3A_36 = arith.constant 0 : i32
      %dma_wait3A_37 = arith.constant 0 : i32
      %dma_wait3A_38 = tpu.memref_slice %arg16[%dma_wait3A_36, %dma_wait3A_37] : memref<10240x16xf32, #tpu.memory_space<vmem_shared>> -> memref<10240x16xf32, #tpu.memory_space<vmem_shared>>
      tpu.wait_indirect_dma semaphore(%arg32 : memref<!tpu.dma_semaphore, #tpu.memory_space<semaphore_mem>>) src(%arg23 : memref<128x16xf32, #tpu.memory_space<vmem>>) dst(%dma_wait3A_38 : memref<10240x16xf32, #tpu.memory_space<vmem_shared>>)
      %dma_wait3A_39 = arith.constant 0 : i32
      %dma_wait3A_40 = arith.constant 0 : i32
      %dma_wait3A_41 = tpu.memref_slice %arg18[%dma_wait3A_39, %dma_wait3A_40] : memref<148x128xi32, #tpu.memory_space<vmem>> -> memref<1x128xi32, #tpu.memory_space<vmem>>
      %dma_wait3A_42 = tpu.memref_squeeze %dma_wait3A_41 : memref<1x128xi32, #tpu.memory_space<vmem>> -> memref<128xi32, #tpu.memory_space<vmem>>
      %dma_wait3A_43 = arith.constant 0 : i32
      %dma_wait3A_44 = arith.constant 0 : i32
      %dma_wait3A_45 = tpu.memref_slice %arg15[%dma_wait3A_43, %dma_wait3A_44] : memref<10240x64xf32, #tpu.memory_space<vmem_shared>> -> memref<10240x64xf32, #tpu.memory_space<vmem_shared>>
      tpu.wait_indirect_dma semaphore(%arg29 : memref<!tpu.dma_semaphore, #tpu.memory_space<semaphore_mem>>) src(%arg20 : memref<128x64xf32, #tpu.memory_space<vmem>>) dst(%dma_wait3A_45 : memref<10240x64xf32, #tpu.memory_space<vmem_shared>>)
      %dma_wait3A_46 = arith.constant 0 : i32
      %dma_wait3A_47 = arith.constant 0 : i32
      %dma_wait3A_48 = tpu.memref_slice %arg18[%dma_wait3A_46, %dma_wait3A_47] : memref<148x128xi32, #tpu.memory_space<vmem>> -> memref<1x128xi32, #tpu.memory_space<vmem>>
      %dma_wait3A_49 = tpu.memref_squeeze %dma_wait3A_48 : memref<1x128xi32, #tpu.memory_space<vmem>> -> memref<128xi32, #tpu.memory_space<vmem>>
      %dma_wait3A_50 = arith.constant 0 : i32
      %dma_wait3A_51 = arith.constant 0 : i32
      %dma_wait3A_52 = tpu.memref_slice %arg16[%dma_wait3A_50, %dma_wait3A_51] : memref<10240x16xf32, #tpu.memory_space<vmem_shared>> -> memref<10240x16xf32, #tpu.memory_space<vmem_shared>>
      tpu.wait_indirect_dma semaphore(%arg33 : memref<!tpu.dma_semaphore, #tpu.memory_space<semaphore_mem>>) src(%arg23 : memref<128x16xf32, #tpu.memory_space<vmem>>) dst(%dma_wait3A_52 : memref<10240x16xf32, #tpu.memory_space<vmem_shared>>)
      %dma_wait3A_53 = arith.constant 0 : i32
      %dma_wait3A_54 = arith.constant 0 : i32
      %dma_wait3A_55 = tpu.memref_slice %arg18[%dma_wait3A_53, %dma_wait3A_54] : memref<148x128xi32, #tpu.memory_space<vmem>> -> memref<1x128xi32, #tpu.memory_space<vmem>>
      %dma_wait3A_56 = tpu.memref_squeeze %dma_wait3A_55 : memref<1x128xi32, #tpu.memory_space<vmem>> -> memref<128xi32, #tpu.memory_space<vmem>>
      %dma_wait3A_57 = arith.constant 0 : i32
      %dma_wait3A_58 = arith.constant 0 : i32
      %dma_wait3A_59 = tpu.memref_slice %arg15[%dma_wait3A_57, %dma_wait3A_58] : memref<10240x64xf32, #tpu.memory_space<vmem_shared>> -> memref<10240x64xf32, #tpu.memory_space<vmem_shared>>
      tpu.wait_indirect_dma semaphore(%arg30 : memref<!tpu.dma_semaphore, #tpu.memory_space<semaphore_mem>>) src(%arg21 : memref<128x64xf32, #tpu.memory_space<vmem>>) dst(%dma_wait3A_59 : memref<10240x64xf32, #tpu.memory_space<vmem_shared>>)
      %dma_wait3A_60 = arith.constant 0 : i32
      %dma_wait3A_61 = arith.constant 0 : i32
      %dma_wait3A_62 = tpu.memref_slice %arg18[%dma_wait3A_60, %dma_wait3A_61] : memref<148x128xi32, #tpu.memory_space<vmem>> -> memref<1x128xi32, #tpu.memory_space<vmem>>
      %dma_wait3A_63 = tpu.memref_squeeze %dma_wait3A_62 : memref<1x128xi32, #tpu.memory_space<vmem>> -> memref<128xi32, #tpu.memory_space<vmem>>
      %dma_wait3A_64 = arith.constant 0 : i32
      %dma_wait3A_65 = arith.constant 0 : i32
      %dma_wait3A_66 = tpu.memref_slice %arg16[%dma_wait3A_64, %dma_wait3A_65] : memref<10240x16xf32, #tpu.memory_space<vmem_shared>> -> memref<10240x16xf32, #tpu.memory_space<vmem_shared>>
      tpu.wait_indirect_dma semaphore(%arg34 : memref<!tpu.dma_semaphore, #tpu.memory_space<semaphore_mem>>) src(%arg23 : memref<128x16xf32, #tpu.memory_space<vmem>>) dst(%dma_wait3A_66 : memref<10240x16xf32, #tpu.memory_space<vmem_shared>>)
      %dma_wait3A_67 = arith.constant 0 : i32
      %dma_wait3A_68 = arith.constant 0 : i32
      %dma_wait3A_69 = tpu.memref_slice %arg18[%dma_wait3A_67, %dma_wait3A_68] : memref<148x128xi32, #tpu.memory_space<vmem>> -> memref<1x128xi32, #tpu.memory_space<vmem>>
      %dma_wait3A_70 = tpu.memref_squeeze %dma_wait3A_69 : memref<1x128xi32, #tpu.memory_space<vmem>> -> memref<128xi32, #tpu.memory_space<vmem>>
      %dma_wait3A_71 = arith.constant 0 : i32
      %dma_wait3A_72 = arith.constant 0 : i32
      %dma_wait3A_73 = tpu.memref_slice %arg15[%dma_wait3A_71, %dma_wait3A_72] : memref<10240x64xf32, #tpu.memory_space<vmem_shared>> -> memref<10240x64xf32, #tpu.memory_space<vmem_shared>>
      tpu.wait_indirect_dma semaphore(%arg31 : memref<!tpu.dma_semaphore, #tpu.memory_space<semaphore_mem>>) src(%arg22 : memref<128x64xf32, #tpu.memory_space<vmem>>) dst(%dma_wait3A_73 : memref<10240x64xf32, #tpu.memory_space<vmem_shared>>)
      %dma_wait3A_74 = arith.constant 0 : i32
      %dma_wait3A_75 = arith.constant 0 : i32
      %dma_wait3A_76 = tpu.memref_slice %arg18[%dma_wait3A_74, %dma_wait3A_75] : memref<148x128xi32, #tpu.memory_space<vmem>> -> memref<1x128xi32, #tpu.memory_space<vmem>>
      %dma_wait3A_77 = tpu.memref_squeeze %dma_wait3A_76 : memref<1x128xi32, #tpu.memory_space<vmem>> -> memref<128xi32, #tpu.memory_space<vmem>>
      %dma_wait3A_78 = arith.constant 0 : i32
      %dma_wait3A_79 = arith.constant 0 : i32
      %dma_wait3A_80 = tpu.memref_slice %arg16[%dma_wait3A_78, %dma_wait3A_79] : memref<10240x16xf32, #tpu.memory_space<vmem_shared>> -> memref<10240x16xf32, #tpu.memory_space<vmem_shared>>
      tpu.wait_indirect_dma semaphore(%arg35 : memref<!tpu.dma_semaphore, #tpu.memory_space<semaphore_mem>>) src(%arg23 : memref<128x16xf32, #tpu.memory_space<vmem>>) dst(%dma_wait3A_80 : memref<10240x16xf32, #tpu.memory_space<vmem_shared>>)
      %barrier3A_81 = arith.constant 0 : index
      tpu.barrier barrier_id(%barrier3A_81)
      "tpu.region"() ({
        %run_scoped3A = tpu.sem_alloc : memref<!tpu.dma_semaphore, #tpu.memory_space<semaphore_mem>>
        %dma_start3A_82 = arith.constant 0 : i32
        %dma_start3A_83 = tpu.memref_slice %arg12[%mul3A_0, %dma_start3A_82] : memref<10240x64xf32, #tpu.memory_space<hbm>> -> memref<640x64xf32, #tpu.memory_space<hbm>>
        %dma_start3A_84 = arith.constant 0 : i32
        %dma_start3A_85 = tpu.memref_slice %arg15[%mul3A_0, %dma_start3A_84] : memref<10240x64xf32, #tpu.memory_space<vmem_shared>> -> memref<640x64xf32, #tpu.memory_space<vmem_shared>>
        tpu.enqueue_dma source(%dma_start3A_85 : memref<640x64xf32, #tpu.memory_space<vmem_shared>>) target(%dma_start3A_83 : memref<640x64xf32, #tpu.memory_space<hbm>>) target_semaphore(%run_scoped3A : memref<!tpu.dma_semaphore, #tpu.memory_space<semaphore_mem>>)
        %dma_wait3A_86 = arith.constant 0 : i32
        %dma_wait3A_87 = tpu.memref_slice %arg12[%mul3A_0, %dma_wait3A_86] : memref<10240x64xf32, #tpu.memory_space<hbm>> -> memref<640x64xf32, #tpu.memory_space<hbm>>
        %dma_wait3A_88 = arith.constant 0 : i32
        %dma_wait3A_89 = tpu.memref_slice %arg15[%mul3A_0, %dma_wait3A_88] : memref<10240x64xf32, #tpu.memory_space<vmem_shared>> -> memref<640x64xf32, #tpu.memory_space<vmem_shared>>
        tpu.wait_dma2 semaphore(%run_scoped3A : memref<!tpu.dma_semaphore, #tpu.memory_space<semaphore_mem>>) src(%dma_wait3A_89 : memref<640x64xf32, #tpu.memory_space<vmem_shared>>) dst(%dma_wait3A_87 : memref<640x64xf32, #tpu.memory_space<hbm>>)
        tpu.yield
      }) : () -> ()
      "tpu.region"() ({
        %run_scoped3A = tpu.sem_alloc : memref<!tpu.dma_semaphore, #tpu.memory_space<semaphore_mem>>
        %dma_start3A_82 = arith.constant 0 : i32
        %dma_start3A_83 = tpu.memref_slice %arg14[%mul3A_0, %dma_start3A_82] : memref<10240x16xf32, #tpu.memory_space<hbm>> -> memref<640x16xf32, #tpu.memory_space<hbm>>
        %dma_start3A_84 = arith.constant 0 : i32
        %dma_start3A_85 = tpu.memref_slice %arg16[%mul3A_0, %dma_start3A_84] : memref<10240x16xf32, #tpu.memory_space<vmem_shared>> -> memref<640x16xf32, #tpu.memory_space<vmem_shared>>
        tpu.enqueue_dma source(%dma_start3A_85 : memref<640x16xf32, #tpu.memory_space<vmem_shared>>) target(%dma_start3A_83 : memref<640x16xf32, #tpu.memory_space<hbm>>) target_semaphore(%run_scoped3A : memref<!tpu.dma_semaphore, #tpu.memory_space<semaphore_mem>>)
        %dma_wait3A_86 = arith.constant 0 : i32
        %dma_wait3A_87 = tpu.memref_slice %arg14[%mul3A_0, %dma_wait3A_86] : memref<10240x16xf32, #tpu.memory_space<hbm>> -> memref<640x16xf32, #tpu.memory_space<hbm>>
        %dma_wait3A_88 = arith.constant 0 : i32
        %dma_wait3A_89 = tpu.memref_slice %arg16[%mul3A_0, %dma_wait3A_88] : memref<10240x16xf32, #tpu.memory_space<vmem_shared>> -> memref<640x16xf32, #tpu.memory_space<vmem_shared>>
        tpu.wait_dma2 semaphore(%run_scoped3A : memref<!tpu.dma_semaphore, #tpu.memory_space<semaphore_mem>>) src(%dma_wait3A_89 : memref<640x16xf32, #tpu.memory_space<vmem_shared>>) dst(%dma_wait3A_87 : memref<640x16xf32, #tpu.memory_space<hbm>>)
        tpu.yield
      }) : () -> ()
    } else {
    }
    return
  }
}

#map = affine_map<(d0, d1) -> (0, 0)>
#map1 = affine_map<(d0, d1) -> (0, 0, 0)>
module attributes {stable_mosaic.version = 14 : i64} {
  func.func @_seg_body(%arg0: i32, %arg1: i32, %arg2: memref<10240x32xf32, #tpu.memory_space<hbm>>, %arg3: memref<10240x32xf32, #tpu.memory_space<hbm>>, %arg4: memref<16x148x128xi32, #tpu.memory_space<hbm>>, %arg5: memref<16x148x128xi32, #tpu.memory_space<hbm>>, %arg6: memref<16x148x128xi32, #tpu.memory_space<hbm>>, %arg7: memref<16x148x128xi32, #tpu.memory_space<hbm>>, %arg8: memref<640x32xf32, #tpu.memory_space<hbm>>, %arg9: memref<10240x32xf32, #tpu.memory_space<hbm>>, %arg10: memref<10240x32xf32, #tpu.memory_space<hbm>>, %arg11: memref<10240x32xf32, #tpu.memory_space<vmem_shared>>, %arg12: memref<10240x32xf32, #tpu.memory_space<vmem_shared>>, %arg13: memref<148x128xi32, #tpu.memory_space<vmem>>, %arg14: memref<148x128xi32, #tpu.memory_space<vmem>>, %arg15: memref<128x32xf32, #tpu.memory_space<vmem>>, %arg16: memref<128x32xf32, #tpu.memory_space<vmem>>, %arg17: memref<128x32xf32, #tpu.memory_space<vmem>>, %arg18: memref<128x32xf32, #tpu.memory_space<vmem>>, %arg19: memref<!tpu.dma_semaphore, #tpu.memory_space<semaphore_mem>>, %arg20: memref<!tpu.dma_semaphore, #tpu.memory_space<semaphore_mem>>, %arg21: memref<!tpu.dma_semaphore, #tpu.memory_space<semaphore_mem>>, %arg22: memref<!tpu.dma_semaphore, #tpu.memory_space<semaphore_mem>>, %arg23: memref<!tpu.dma_semaphore, #tpu.memory_space<semaphore_mem>>, %arg24: memref<!tpu.dma_semaphore, #tpu.memory_space<semaphore_mem>>, %arg25: memref<!tpu.dma_semaphore, #tpu.memory_space<semaphore_mem>>, %arg26: memref<!tpu.dma_semaphore, #tpu.memory_space<semaphore_mem>>) attributes {dimension_semantics = [#tpu.dimension_semantics<core_parallel>, #tpu.dimension_semantics<subcore_parallel>], iteration_bounds = array<i64: 2, 16>, scalar_prefetch = 0 : i64, scratch_operands = 16 : i64, tpu.core_type = #tpu.core_type<sc_vector_subcore>, window_params = [{transform_indices = #map}, {transform_indices = #map}, {transform_indices = #map1}, {transform_indices = #map1}, {transform_indices = #map1}, {transform_indices = #map1}, {transform_indices = #map}, {transform_indices = #map}, {transform_indices = #map}]} {
    %mul3A = arith.constant 640 : i32
    %mul3A_0 = arith.muli %arg1, %mul3A : i32
    "tpu.region"() ({
      %run_scoped3A = tpu.sem_alloc : memref<!tpu.dma_semaphore, #tpu.memory_space<semaphore_mem>>
      %dma_start3A = arith.constant 0 : i32
      %dma_start3A_8 = tpu.memref_slice %arg11[%mul3A_0, %dma_start3A] : memref<10240x32xf32, #tpu.memory_space<vmem_shared>> -> memref<640x32xf32, #tpu.memory_space<vmem_shared>>
      tpu.enqueue_dma source(%arg8 : memref<640x32xf32, #tpu.memory_space<hbm>>) target(%dma_start3A_8 : memref<640x32xf32, #tpu.memory_space<vmem_shared>>) target_semaphore(%run_scoped3A : memref<!tpu.dma_semaphore, #tpu.memory_space<semaphore_mem>>)
      %dma_wait3A = arith.constant 0 : i32
      %dma_wait3A_9 = tpu.memref_slice %arg11[%mul3A_0, %dma_wait3A] : memref<10240x32xf32, #tpu.memory_space<vmem_shared>> -> memref<640x32xf32, #tpu.memory_space<vmem_shared>>
      tpu.wait_dma2 semaphore(%run_scoped3A : memref<!tpu.dma_semaphore, #tpu.memory_space<semaphore_mem>>) src(%arg8 : memref<640x32xf32, #tpu.memory_space<hbm>>) dst(%dma_wait3A_9 : memref<640x32xf32, #tpu.memory_space<vmem_shared>>)
      tpu.yield
    }) : () -> ()
    %eq3A = arith.constant 0 : i32
    %eq3A_1 = arith.cmpi eq, %arg0, %eq3A : i32
    %convert_element_type3A = arith.extui %eq3A_1 : i1 to i32
    %cond3A = arith.constant 0 : i32
    %cond3A_2 = arith.cmpi ne, %convert_element_type3A, %cond3A : i32
    scf.if %cond3A_2 {
      "tpu.region"() ({
        %run_scoped3A = tpu.sem_alloc : memref<!tpu.dma_semaphore, #tpu.memory_space<semaphore_mem>>
        %dma_start3A_54 = arith.constant 0 : i32
        %dma_start3A_55 = tpu.memref_slice %arg12[%mul3A_0, %dma_start3A_54] : memref<10240x32xf32, #tpu.memory_space<vmem_shared>> -> memref<640x32xf32, #tpu.memory_space<vmem_shared>>
        %dma_start3A_56 = arith.constant 0 : i32
        %dma_start3A_57 = tpu.memref_slice %arg2[%mul3A_0, %dma_start3A_56] : memref<10240x32xf32, #tpu.memory_space<hbm>> -> memref<640x32xf32, #tpu.memory_space<hbm>>
        tpu.enqueue_dma source(%dma_start3A_57 : memref<640x32xf32, #tpu.memory_space<hbm>>) target(%dma_start3A_55 : memref<640x32xf32, #tpu.memory_space<vmem_shared>>) target_semaphore(%run_scoped3A : memref<!tpu.dma_semaphore, #tpu.memory_space<semaphore_mem>>)
        %dma_wait3A_58 = arith.constant 0 : i32
        %dma_wait3A_59 = tpu.memref_slice %arg12[%mul3A_0, %dma_wait3A_58] : memref<10240x32xf32, #tpu.memory_space<vmem_shared>> -> memref<640x32xf32, #tpu.memory_space<vmem_shared>>
        %dma_wait3A_60 = arith.constant 0 : i32
        %dma_wait3A_61 = tpu.memref_slice %arg2[%mul3A_0, %dma_wait3A_60] : memref<10240x32xf32, #tpu.memory_space<hbm>> -> memref<640x32xf32, #tpu.memory_space<hbm>>
        tpu.wait_dma2 semaphore(%run_scoped3A : memref<!tpu.dma_semaphore, #tpu.memory_space<semaphore_mem>>) src(%dma_wait3A_61 : memref<640x32xf32, #tpu.memory_space<hbm>>) dst(%dma_wait3A_59 : memref<640x32xf32, #tpu.memory_space<vmem_shared>>)
        tpu.yield
      }) : () -> ()
      "tpu.region"() ({
        %run_scoped3A = tpu.sem_alloc : memref<!tpu.dma_semaphore, #tpu.memory_space<semaphore_mem>>
        %dma_start3A_54 = arith.constant 0 : i32
        %dma_start3A_55 = arith.constant 0 : i32
        %dma_start3A_56 = tpu.memref_slice %arg4[%arg1, %dma_start3A_54, %dma_start3A_55] : memref<16x148x128xi32, #tpu.memory_space<hbm>> -> memref<1x148x128xi32, #tpu.memory_space<hbm>>
        %dma_start3A_57 = tpu.memref_squeeze %dma_start3A_56 : memref<1x148x128xi32, #tpu.memory_space<hbm>> -> memref<148x128xi32, #tpu.memory_space<hbm>>
        %dma_start3A_58 = arith.constant 0 : i32
        %dma_start3A_59 = arith.constant 0 : i32
        %dma_start3A_60 = tpu.memref_slice %arg4[%arg1, %dma_start3A_58, %dma_start3A_59] : memref<16x148x128xi32, #tpu.memory_space<hbm>> -> memref<1x148x128xi32, #tpu.memory_space<hbm>>
        %dma_start3A_61 = tpu.memref_squeeze %dma_start3A_60 : memref<1x148x128xi32, #tpu.memory_space<hbm>> -> memref<148x128xi32, #tpu.memory_space<hbm>>
        tpu.enqueue_dma source(%dma_start3A_61 : memref<148x128xi32, #tpu.memory_space<hbm>>) target(%arg13 : memref<148x128xi32, #tpu.memory_space<vmem>>) target_semaphore(%run_scoped3A : memref<!tpu.dma_semaphore, #tpu.memory_space<semaphore_mem>>)
        %dma_wait3A_62 = arith.constant 0 : i32
        %dma_wait3A_63 = arith.constant 0 : i32
        %dma_wait3A_64 = tpu.memref_slice %arg4[%arg1, %dma_wait3A_62, %dma_wait3A_63] : memref<16x148x128xi32, #tpu.memory_space<hbm>> -> memref<1x148x128xi32, #tpu.memory_space<hbm>>
        %dma_wait3A_65 = tpu.memref_squeeze %dma_wait3A_64 : memref<1x148x128xi32, #tpu.memory_space<hbm>> -> memref<148x128xi32, #tpu.memory_space<hbm>>
        %dma_wait3A_66 = arith.constant 0 : i32
        %dma_wait3A_67 = arith.constant 0 : i32
        %dma_wait3A_68 = tpu.memref_slice %arg4[%arg1, %dma_wait3A_66, %dma_wait3A_67] : memref<16x148x128xi32, #tpu.memory_space<hbm>> -> memref<1x148x128xi32, #tpu.memory_space<hbm>>
        %dma_wait3A_69 = tpu.memref_squeeze %dma_wait3A_68 : memref<1x148x128xi32, #tpu.memory_space<hbm>> -> memref<148x128xi32, #tpu.memory_space<hbm>>
        tpu.wait_dma2 semaphore(%run_scoped3A : memref<!tpu.dma_semaphore, #tpu.memory_space<semaphore_mem>>) src(%dma_wait3A_69 : memref<148x128xi32, #tpu.memory_space<hbm>>) dst(%arg13 : memref<148x128xi32, #tpu.memory_space<vmem>>)
        tpu.yield
      }) : () -> ()
      "tpu.region"() ({
        %run_scoped3A = tpu.sem_alloc : memref<!tpu.dma_semaphore, #tpu.memory_space<semaphore_mem>>
        %dma_start3A_54 = arith.constant 0 : i32
        %dma_start3A_55 = arith.constant 0 : i32
        %dma_start3A_56 = tpu.memref_slice %arg5[%arg1, %dma_start3A_54, %dma_start3A_55] : memref<16x148x128xi32, #tpu.memory_space<hbm>> -> memref<1x148x128xi32, #tpu.memory_space<hbm>>
        %dma_start3A_57 = tpu.memref_squeeze %dma_start3A_56 : memref<1x148x128xi32, #tpu.memory_space<hbm>> -> memref<148x128xi32, #tpu.memory_space<hbm>>
        %dma_start3A_58 = arith.constant 0 : i32
        %dma_start3A_59 = arith.constant 0 : i32
        %dma_start3A_60 = tpu.memref_slice %arg5[%arg1, %dma_start3A_58, %dma_start3A_59] : memref<16x148x128xi32, #tpu.memory_space<hbm>> -> memref<1x148x128xi32, #tpu.memory_space<hbm>>
        %dma_start3A_61 = tpu.memref_squeeze %dma_start3A_60 : memref<1x148x128xi32, #tpu.memory_space<hbm>> -> memref<148x128xi32, #tpu.memory_space<hbm>>
        tpu.enqueue_dma source(%dma_start3A_61 : memref<148x128xi32, #tpu.memory_space<hbm>>) target(%arg14 : memref<148x128xi32, #tpu.memory_space<vmem>>) target_semaphore(%run_scoped3A : memref<!tpu.dma_semaphore, #tpu.memory_space<semaphore_mem>>)
        %dma_wait3A_62 = arith.constant 0 : i32
        %dma_wait3A_63 = arith.constant 0 : i32
        %dma_wait3A_64 = tpu.memref_slice %arg5[%arg1, %dma_wait3A_62, %dma_wait3A_63] : memref<16x148x128xi32, #tpu.memory_space<hbm>> -> memref<1x148x128xi32, #tpu.memory_space<hbm>>
        %dma_wait3A_65 = tpu.memref_squeeze %dma_wait3A_64 : memref<1x148x128xi32, #tpu.memory_space<hbm>> -> memref<148x128xi32, #tpu.memory_space<hbm>>
        %dma_wait3A_66 = arith.constant 0 : i32
        %dma_wait3A_67 = arith.constant 0 : i32
        %dma_wait3A_68 = tpu.memref_slice %arg5[%arg1, %dma_wait3A_66, %dma_wait3A_67] : memref<16x148x128xi32, #tpu.memory_space<hbm>> -> memref<1x148x128xi32, #tpu.memory_space<hbm>>
        %dma_wait3A_69 = tpu.memref_squeeze %dma_wait3A_68 : memref<1x148x128xi32, #tpu.memory_space<hbm>> -> memref<148x128xi32, #tpu.memory_space<hbm>>
        tpu.wait_dma2 semaphore(%run_scoped3A : memref<!tpu.dma_semaphore, #tpu.memory_space<semaphore_mem>>) src(%dma_wait3A_69 : memref<148x128xi32, #tpu.memory_space<hbm>>) dst(%arg14 : memref<148x128xi32, #tpu.memory_space<vmem>>)
        tpu.yield
      }) : () -> ()
      %barrier3A = arith.constant 0 : index
      tpu.barrier barrier_id(%barrier3A)
      %dma_start3A = arith.constant 0 : i32
      %dma_start3A_8 = arith.constant 0 : i32
      %dma_start3A_9 = tpu.memref_slice %arg13[%dma_start3A, %dma_start3A_8] : memref<148x128xi32, #tpu.memory_space<vmem>> -> memref<1x128xi32, #tpu.memory_space<vmem>>
      %dma_start3A_10 = tpu.memref_squeeze %dma_start3A_9 : memref<1x128xi32, #tpu.memory_space<vmem>> -> memref<128xi32, #tpu.memory_space<vmem>>
      %dma_start3A_11 = arith.constant 0 : i32
      %dma_start3A_12 = arith.constant 0 : i32
      %dma_start3A_13 = tpu.memref_slice %arg12[%dma_start3A_11, %dma_start3A_12] : memref<10240x32xf32, #tpu.memory_space<vmem_shared>> -> memref<10240x32xf32, #tpu.memory_space<vmem_shared>>
      tpu.enqueue_indirect_dma source(%dma_start3A_13 : memref<10240x32xf32, #tpu.memory_space<vmem_shared>>) target(%arg15 : memref<128x32xf32, #tpu.memory_space<vmem>>) offsets(%dma_start3A_10 : memref<128xi32, #tpu.memory_space<vmem>>) semaphore(%arg19 : memref<!tpu.dma_semaphore, #tpu.memory_space<semaphore_mem>>)
      %dma_start3A_14 = arith.constant 1 : i32
      %dma_start3A_15 = arith.constant 0 : i32
      %dma_start3A_16 = tpu.memref_slice %arg13[%dma_start3A_14, %dma_start3A_15] : memref<148x128xi32, #tpu.memory_space<vmem>> -> memref<1x128xi32, #tpu.memory_space<vmem>>
      %dma_start3A_17 = tpu.memref_squeeze %dma_start3A_16 : memref<1x128xi32, #tpu.memory_space<vmem>> -> memref<128xi32, #tpu.memory_space<vmem>>
      %dma_start3A_18 = arith.constant 0 : i32
      %dma_start3A_19 = arith.constant 0 : i32
      %dma_start3A_20 = tpu.memref_slice %arg12[%dma_start3A_18, %dma_start3A_19] : memref<10240x32xf32, #tpu.memory_space<vmem_shared>> -> memref<10240x32xf32, #tpu.memory_space<vmem_shared>>
      tpu.enqueue_indirect_dma source(%dma_start3A_20 : memref<10240x32xf32, #tpu.memory_space<vmem_shared>>) target(%arg16 : memref<128x32xf32, #tpu.memory_space<vmem>>) offsets(%dma_start3A_17 : memref<128xi32, #tpu.memory_space<vmem>>) semaphore(%arg20 : memref<!tpu.dma_semaphore, #tpu.memory_space<semaphore_mem>>)
      %scan3A = arith.constant 0 : i32
      %scan3A_21 = arith.constant 0 : i32
      %scan3A_22 = arith.constant 37 : i32
      %scan3A_23 = arith.addi %scan3A_21, %scan3A_22 : i32
      %scan3A_24 = arith.constant 1 : i32
      scf.for %scan3A_54 = %scan3A_21 to %scan3A_23 step %scan3A_24  : i32 {
        %mul3A_55 = arith.constant 4 : i32
        %mul3A_56 = arith.muli %scan3A_54, %mul3A_55 : i32
        %add3A = arith.constant 0 : i32
        %add3A_57 = arith.addi %mul3A_56, %add3A : i32
        %dma_wait3A_58 = arith.constant 0 : i32
        %dma_wait3A_59 = tpu.memref_slice %arg13[%add3A_57, %dma_wait3A_58] : memref<148x128xi32, #tpu.memory_space<vmem>> -> memref<1x128xi32, #tpu.memory_space<vmem>>
        %dma_wait3A_60 = tpu.memref_squeeze %dma_wait3A_59 : memref<1x128xi32, #tpu.memory_space<vmem>> -> memref<128xi32, #tpu.memory_space<vmem>>
        %dma_wait3A_61 = arith.constant 0 : i32
        %dma_wait3A_62 = arith.constant 0 : i32
        %dma_wait3A_63 = tpu.memref_slice %arg12[%dma_wait3A_61, %dma_wait3A_62] : memref<10240x32xf32, #tpu.memory_space<vmem_shared>> -> memref<10240x32xf32, #tpu.memory_space<vmem_shared>>
        tpu.wait_indirect_dma semaphore(%arg19 : memref<!tpu.dma_semaphore, #tpu.memory_space<semaphore_mem>>) src(%dma_wait3A_63 : memref<10240x32xf32, #tpu.memory_space<vmem_shared>>) dst(%arg15 : memref<128x32xf32, #tpu.memory_space<vmem>>)
        %dma_start3A_64 = arith.constant 0 : i32
        %dma_start3A_65 = tpu.memref_slice %arg14[%add3A_57, %dma_start3A_64] : memref<148x128xi32, #tpu.memory_space<vmem>> -> memref<1x128xi32, #tpu.memory_space<vmem>>
        %dma_start3A_66 = tpu.memref_squeeze %dma_start3A_65 : memref<1x128xi32, #tpu.memory_space<vmem>> -> memref<128xi32, #tpu.memory_space<vmem>>
        %dma_start3A_67 = arith.constant 0 : i32
        %dma_start3A_68 = arith.constant 0 : i32
        %dma_start3A_69 = tpu.memref_slice %arg11[%dma_start3A_67, %dma_start3A_68] : memref<10240x32xf32, #tpu.memory_space<vmem_shared>> -> memref<10240x32xf32, #tpu.memory_space<vmem_shared>>
        tpu.enqueue_indirect_dma source(%arg15 : memref<128x32xf32, #tpu.memory_space<vmem>>) target(%dma_start3A_69 : memref<10240x32xf32, #tpu.memory_space<vmem_shared>>) offsets(%dma_start3A_66 : memref<128xi32, #tpu.memory_space<vmem>>) semaphore(%arg23 : memref<!tpu.dma_semaphore, #tpu.memory_space<semaphore_mem>>) {add = true}
        %add3A_70 = arith.constant 2 : i32
        %add3A_71 = arith.addi %add3A_57, %add3A_70 : i32
        %lt3A = arith.constant 148 : i32
        %lt3A_72 = arith.cmpi slt, %add3A_71, %lt3A : i32
        %convert_element_type3A_73 = arith.extui %lt3A_72 : i1 to i32
        %cond3A_74 = arith.constant 0 : i32
        %cond3A_75 = arith.cmpi ne, %convert_element_type3A_73, %cond3A_74 : i32
        scf.if %cond3A_75 {
          %ge3A = arith.constant 2 : i32
          %ge3A_139 = arith.cmpi sge, %add3A_57, %ge3A : i32
          %convert_element_type3A_140 = arith.extui %ge3A_139 : i1 to i32
          %cond3A_141 = arith.constant 0 : i32
          %cond3A_142 = arith.cmpi ne, %convert_element_type3A_140, %cond3A_141 : i32
          scf.if %cond3A_142 {
            %dma_wait3A_151 = arith.constant 0 : i32
            %dma_wait3A_152 = arith.constant 0 : i32
            %dma_wait3A_153 = tpu.memref_slice %arg14[%dma_wait3A_151, %dma_wait3A_152] : memref<148x128xi32, #tpu.memory_space<vmem>> -> memref<1x128xi32, #tpu.memory_space<vmem>>
            %dma_wait3A_154 = tpu.memref_squeeze %dma_wait3A_153 : memref<1x128xi32, #tpu.memory_space<vmem>> -> memref<128xi32, #tpu.memory_space<vmem>>
            %dma_wait3A_155 = arith.constant 0 : i32
            %dma_wait3A_156 = arith.constant 0 : i32
            %dma_wait3A_157 = tpu.memref_slice %arg11[%dma_wait3A_155, %dma_wait3A_156] : memref<10240x32xf32, #tpu.memory_space<vmem_shared>> -> memref<10240x32xf32, #tpu.memory_space<vmem_shared>>
            tpu.wait_indirect_dma semaphore(%arg25 : memref<!tpu.dma_semaphore, #tpu.memory_space<semaphore_mem>>) src(%arg17 : memref<128x32xf32, #tpu.memory_space<vmem>>) dst(%dma_wait3A_157 : memref<10240x32xf32, #tpu.memory_space<vmem_shared>>)
          } else {
          }
          %add3A_143 = arith.constant 2 : i32
          %add3A_144 = arith.addi %add3A_57, %add3A_143 : i32
          %dma_start3A_145 = arith.constant 0 : i32
          %dma_start3A_146 = tpu.memref_slice %arg13[%add3A_144, %dma_start3A_145] : memref<148x128xi32, #tpu.memory_space<vmem>> -> memref<1x128xi32, #tpu.memory_space<vmem>>
          %dma_start3A_147 = tpu.memref_squeeze %dma_start3A_146 : memref<1x128xi32, #tpu.memory_space<vmem>> -> memref<128xi32, #tpu.memory_space<vmem>>
          %dma_start3A_148 = arith.constant 0 : i32
          %dma_start3A_149 = arith.constant 0 : i32
          %dma_start3A_150 = tpu.memref_slice %arg12[%dma_start3A_148, %dma_start3A_149] : memref<10240x32xf32, #tpu.memory_space<vmem_shared>> -> memref<10240x32xf32, #tpu.memory_space<vmem_shared>>
          tpu.enqueue_indirect_dma source(%dma_start3A_150 : memref<10240x32xf32, #tpu.memory_space<vmem_shared>>) target(%arg17 : memref<128x32xf32, #tpu.memory_space<vmem>>) offsets(%dma_start3A_147 : memref<128xi32, #tpu.memory_space<vmem>>) semaphore(%arg21 : memref<!tpu.dma_semaphore, #tpu.memory_space<semaphore_mem>>)
        } else {
        }
        %add3A_76 = arith.constant 1 : i32
        %add3A_77 = arith.addi %mul3A_56, %add3A_76 : i32
        %dma_wait3A_78 = arith.constant 0 : i32
        %dma_wait3A_79 = tpu.memref_slice %arg13[%add3A_77, %dma_wait3A_78] : memref<148x128xi32, #tpu.memory_space<vmem>> -> memref<1x128xi32, #tpu.memory_space<vmem>>
        %dma_wait3A_80 = tpu.memref_squeeze %dma_wait3A_79 : memref<1x128xi32, #tpu.memory_space<vmem>> -> memref<128xi32, #tpu.memory_space<vmem>>
        %dma_wait3A_81 = arith.constant 0 : i32
        %dma_wait3A_82 = arith.constant 0 : i32
        %dma_wait3A_83 = tpu.memref_slice %arg12[%dma_wait3A_81, %dma_wait3A_82] : memref<10240x32xf32, #tpu.memory_space<vmem_shared>> -> memref<10240x32xf32, #tpu.memory_space<vmem_shared>>
        tpu.wait_indirect_dma semaphore(%arg20 : memref<!tpu.dma_semaphore, #tpu.memory_space<semaphore_mem>>) src(%dma_wait3A_83 : memref<10240x32xf32, #tpu.memory_space<vmem_shared>>) dst(%arg16 : memref<128x32xf32, #tpu.memory_space<vmem>>)
        %dma_start3A_84 = arith.constant 0 : i32
        %dma_start3A_85 = tpu.memref_slice %arg14[%add3A_77, %dma_start3A_84] : memref<148x128xi32, #tpu.memory_space<vmem>> -> memref<1x128xi32, #tpu.memory_space<vmem>>
        %dma_start3A_86 = tpu.memref_squeeze %dma_start3A_85 : memref<1x128xi32, #tpu.memory_space<vmem>> -> memref<128xi32, #tpu.memory_space<vmem>>
        %dma_start3A_87 = arith.constant 0 : i32
        %dma_start3A_88 = arith.constant 0 : i32
        %dma_start3A_89 = tpu.memref_slice %arg11[%dma_start3A_87, %dma_start3A_88] : memref<10240x32xf32, #tpu.memory_space<vmem_shared>> -> memref<10240x32xf32, #tpu.memory_space<vmem_shared>>
        tpu.enqueue_indirect_dma source(%arg16 : memref<128x32xf32, #tpu.memory_space<vmem>>) target(%dma_start3A_89 : memref<10240x32xf32, #tpu.memory_space<vmem_shared>>) offsets(%dma_start3A_86 : memref<128xi32, #tpu.memory_space<vmem>>) semaphore(%arg24 : memref<!tpu.dma_semaphore, #tpu.memory_space<semaphore_mem>>) {add = true}
        %add3A_90 = arith.constant 2 : i32
        %add3A_91 = arith.addi %add3A_77, %add3A_90 : i32
        %lt3A_92 = arith.constant 148 : i32
        %lt3A_93 = arith.cmpi slt, %add3A_91, %lt3A_92 : i32
        %convert_element_type3A_94 = arith.extui %lt3A_93 : i1 to i32
        %cond3A_95 = arith.constant 0 : i32
        %cond3A_96 = arith.cmpi ne, %convert_element_type3A_94, %cond3A_95 : i32
        scf.if %cond3A_96 {
          %ge3A = arith.constant 2 : i32
          %ge3A_139 = arith.cmpi sge, %add3A_77, %ge3A : i32
          %convert_element_type3A_140 = arith.extui %ge3A_139 : i1 to i32
          %cond3A_141 = arith.constant 0 : i32
          %cond3A_142 = arith.cmpi ne, %convert_element_type3A_140, %cond3A_141 : i32
          scf.if %cond3A_142 {
            %dma_wait3A_151 = arith.constant 0 : i32
            %dma_wait3A_152 = arith.constant 0 : i32
            %dma_wait3A_153 = tpu.memref_slice %arg14[%dma_wait3A_151, %dma_wait3A_152] : memref<148x128xi32, #tpu.memory_space<vmem>> -> memref<1x128xi32, #tpu.memory_space<vmem>>
            %dma_wait3A_154 = tpu.memref_squeeze %dma_wait3A_153 : memref<1x128xi32, #tpu.memory_space<vmem>> -> memref<128xi32, #tpu.memory_space<vmem>>
            %dma_wait3A_155 = arith.constant 0 : i32
            %dma_wait3A_156 = arith.constant 0 : i32
            %dma_wait3A_157 = tpu.memref_slice %arg11[%dma_wait3A_155, %dma_wait3A_156] : memref<10240x32xf32, #tpu.memory_space<vmem_shared>> -> memref<10240x32xf32, #tpu.memory_space<vmem_shared>>
            tpu.wait_indirect_dma semaphore(%arg26 : memref<!tpu.dma_semaphore, #tpu.memory_space<semaphore_mem>>) src(%arg18 : memref<128x32xf32, #tpu.memory_space<vmem>>) dst(%dma_wait3A_157 : memref<10240x32xf32, #tpu.memory_space<vmem_shared>>)
          } else {
          }
          %add3A_143 = arith.constant 2 : i32
          %add3A_144 = arith.addi %add3A_77, %add3A_143 : i32
          %dma_start3A_145 = arith.constant 0 : i32
          %dma_start3A_146 = tpu.memref_slice %arg13[%add3A_144, %dma_start3A_145] : memref<148x128xi32, #tpu.memory_space<vmem>> -> memref<1x128xi32, #tpu.memory_space<vmem>>
          %dma_start3A_147 = tpu.memref_squeeze %dma_start3A_146 : memref<1x128xi32, #tpu.memory_space<vmem>> -> memref<128xi32, #tpu.memory_space<vmem>>
          %dma_start3A_148 = arith.constant 0 : i32
          %dma_start3A_149 = arith.constant 0 : i32
          %dma_start3A_150 = tpu.memref_slice %arg12[%dma_start3A_148, %dma_start3A_149] : memref<10240x32xf32, #tpu.memory_space<vmem_shared>> -> memref<10240x32xf32, #tpu.memory_space<vmem_shared>>
          tpu.enqueue_indirect_dma source(%dma_start3A_150 : memref<10240x32xf32, #tpu.memory_space<vmem_shared>>) target(%arg18 : memref<128x32xf32, #tpu.memory_space<vmem>>) offsets(%dma_start3A_147 : memref<128xi32, #tpu.memory_space<vmem>>) semaphore(%arg22 : memref<!tpu.dma_semaphore, #tpu.memory_space<semaphore_mem>>)
        } else {
        }
        %add3A_97 = arith.constant 2 : i32
        %add3A_98 = arith.addi %mul3A_56, %add3A_97 : i32
        %dma_wait3A_99 = arith.constant 0 : i32
        %dma_wait3A_100 = tpu.memref_slice %arg13[%add3A_98, %dma_wait3A_99] : memref<148x128xi32, #tpu.memory_space<vmem>> -> memref<1x128xi32, #tpu.memory_space<vmem>>
        %dma_wait3A_101 = tpu.memref_squeeze %dma_wait3A_100 : memref<1x128xi32, #tpu.memory_space<vmem>> -> memref<128xi32, #tpu.memory_space<vmem>>
        %dma_wait3A_102 = arith.constant 0 : i32
        %dma_wait3A_103 = arith.constant 0 : i32
        %dma_wait3A_104 = tpu.memref_slice %arg12[%dma_wait3A_102, %dma_wait3A_103] : memref<10240x32xf32, #tpu.memory_space<vmem_shared>> -> memref<10240x32xf32, #tpu.memory_space<vmem_shared>>
        tpu.wait_indirect_dma semaphore(%arg21 : memref<!tpu.dma_semaphore, #tpu.memory_space<semaphore_mem>>) src(%dma_wait3A_104 : memref<10240x32xf32, #tpu.memory_space<vmem_shared>>) dst(%arg17 : memref<128x32xf32, #tpu.memory_space<vmem>>)
        %dma_start3A_105 = arith.constant 0 : i32
        %dma_start3A_106 = tpu.memref_slice %arg14[%add3A_98, %dma_start3A_105] : memref<148x128xi32, #tpu.memory_space<vmem>> -> memref<1x128xi32, #tpu.memory_space<vmem>>
        %dma_start3A_107 = tpu.memref_squeeze %dma_start3A_106 : memref<1x128xi32, #tpu.memory_space<vmem>> -> memref<128xi32, #tpu.memory_space<vmem>>
        %dma_start3A_108 = arith.constant 0 : i32
        %dma_start3A_109 = arith.constant 0 : i32
        %dma_start3A_110 = tpu.memref_slice %arg11[%dma_start3A_108, %dma_start3A_109] : memref<10240x32xf32, #tpu.memory_space<vmem_shared>> -> memref<10240x32xf32, #tpu.memory_space<vmem_shared>>
        tpu.enqueue_indirect_dma source(%arg17 : memref<128x32xf32, #tpu.memory_space<vmem>>) target(%dma_start3A_110 : memref<10240x32xf32, #tpu.memory_space<vmem_shared>>) offsets(%dma_start3A_107 : memref<128xi32, #tpu.memory_space<vmem>>) semaphore(%arg25 : memref<!tpu.dma_semaphore, #tpu.memory_space<semaphore_mem>>) {add = true}
        %add3A_111 = arith.constant 2 : i32
        %add3A_112 = arith.addi %add3A_98, %add3A_111 : i32
        %lt3A_113 = arith.constant 148 : i32
        %lt3A_114 = arith.cmpi slt, %add3A_112, %lt3A_113 : i32
        %convert_element_type3A_115 = arith.extui %lt3A_114 : i1 to i32
        %cond3A_116 = arith.constant 0 : i32
        %cond3A_117 = arith.cmpi ne, %convert_element_type3A_115, %cond3A_116 : i32
        scf.if %cond3A_117 {
          %ge3A = arith.constant 2 : i32
          %ge3A_139 = arith.cmpi sge, %add3A_98, %ge3A : i32
          %convert_element_type3A_140 = arith.extui %ge3A_139 : i1 to i32
          %cond3A_141 = arith.constant 0 : i32
          %cond3A_142 = arith.cmpi ne, %convert_element_type3A_140, %cond3A_141 : i32
          scf.if %cond3A_142 {
            %dma_wait3A_151 = arith.constant 0 : i32
            %dma_wait3A_152 = arith.constant 0 : i32
            %dma_wait3A_153 = tpu.memref_slice %arg14[%dma_wait3A_151, %dma_wait3A_152] : memref<148x128xi32, #tpu.memory_space<vmem>> -> memref<1x128xi32, #tpu.memory_space<vmem>>
            %dma_wait3A_154 = tpu.memref_squeeze %dma_wait3A_153 : memref<1x128xi32, #tpu.memory_space<vmem>> -> memref<128xi32, #tpu.memory_space<vmem>>
            %dma_wait3A_155 = arith.constant 0 : i32
            %dma_wait3A_156 = arith.constant 0 : i32
            %dma_wait3A_157 = tpu.memref_slice %arg11[%dma_wait3A_155, %dma_wait3A_156] : memref<10240x32xf32, #tpu.memory_space<vmem_shared>> -> memref<10240x32xf32, #tpu.memory_space<vmem_shared>>
            tpu.wait_indirect_dma semaphore(%arg23 : memref<!tpu.dma_semaphore, #tpu.memory_space<semaphore_mem>>) src(%arg15 : memref<128x32xf32, #tpu.memory_space<vmem>>) dst(%dma_wait3A_157 : memref<10240x32xf32, #tpu.memory_space<vmem_shared>>)
          } else {
          }
          %add3A_143 = arith.constant 2 : i32
          %add3A_144 = arith.addi %add3A_98, %add3A_143 : i32
          %dma_start3A_145 = arith.constant 0 : i32
          %dma_start3A_146 = tpu.memref_slice %arg13[%add3A_144, %dma_start3A_145] : memref<148x128xi32, #tpu.memory_space<vmem>> -> memref<1x128xi32, #tpu.memory_space<vmem>>
          %dma_start3A_147 = tpu.memref_squeeze %dma_start3A_146 : memref<1x128xi32, #tpu.memory_space<vmem>> -> memref<128xi32, #tpu.memory_space<vmem>>
          %dma_start3A_148 = arith.constant 0 : i32
          %dma_start3A_149 = arith.constant 0 : i32
          %dma_start3A_150 = tpu.memref_slice %arg12[%dma_start3A_148, %dma_start3A_149] : memref<10240x32xf32, #tpu.memory_space<vmem_shared>> -> memref<10240x32xf32, #tpu.memory_space<vmem_shared>>
          tpu.enqueue_indirect_dma source(%dma_start3A_150 : memref<10240x32xf32, #tpu.memory_space<vmem_shared>>) target(%arg15 : memref<128x32xf32, #tpu.memory_space<vmem>>) offsets(%dma_start3A_147 : memref<128xi32, #tpu.memory_space<vmem>>) semaphore(%arg19 : memref<!tpu.dma_semaphore, #tpu.memory_space<semaphore_mem>>)
        } else {
        }
        %add3A_118 = arith.constant 3 : i32
        %add3A_119 = arith.addi %mul3A_56, %add3A_118 : i32
        %dma_wait3A_120 = arith.constant 0 : i32
        %dma_wait3A_121 = tpu.memref_slice %arg13[%add3A_119, %dma_wait3A_120] : memref<148x128xi32, #tpu.memory_space<vmem>> -> memref<1x128xi32, #tpu.memory_space<vmem>>
        %dma_wait3A_122 = tpu.memref_squeeze %dma_wait3A_121 : memref<1x128xi32, #tpu.memory_space<vmem>> -> memref<128xi32, #tpu.memory_space<vmem>>
        %dma_wait3A_123 = arith.constant 0 : i32
        %dma_wait3A_124 = arith.constant 0 : i32
        %dma_wait3A_125 = tpu.memref_slice %arg12[%dma_wait3A_123, %dma_wait3A_124] : memref<10240x32xf32, #tpu.memory_space<vmem_shared>> -> memref<10240x32xf32, #tpu.memory_space<vmem_shared>>
        tpu.wait_indirect_dma semaphore(%arg22 : memref<!tpu.dma_semaphore, #tpu.memory_space<semaphore_mem>>) src(%dma_wait3A_125 : memref<10240x32xf32, #tpu.memory_space<vmem_shared>>) dst(%arg18 : memref<128x32xf32, #tpu.memory_space<vmem>>)
        %dma_start3A_126 = arith.constant 0 : i32
        %dma_start3A_127 = tpu.memref_slice %arg14[%add3A_119, %dma_start3A_126] : memref<148x128xi32, #tpu.memory_space<vmem>> -> memref<1x128xi32, #tpu.memory_space<vmem>>
        %dma_start3A_128 = tpu.memref_squeeze %dma_start3A_127 : memref<1x128xi32, #tpu.memory_space<vmem>> -> memref<128xi32, #tpu.memory_space<vmem>>
        %dma_start3A_129 = arith.constant 0 : i32
        %dma_start3A_130 = arith.constant 0 : i32
        %dma_start3A_131 = tpu.memref_slice %arg11[%dma_start3A_129, %dma_start3A_130] : memref<10240x32xf32, #tpu.memory_space<vmem_shared>> -> memref<10240x32xf32, #tpu.memory_space<vmem_shared>>
        tpu.enqueue_indirect_dma source(%arg18 : memref<128x32xf32, #tpu.memory_space<vmem>>) target(%dma_start3A_131 : memref<10240x32xf32, #tpu.memory_space<vmem_shared>>) offsets(%dma_start3A_128 : memref<128xi32, #tpu.memory_space<vmem>>) semaphore(%arg26 : memref<!tpu.dma_semaphore, #tpu.memory_space<semaphore_mem>>) {add = true}
        %add3A_132 = arith.constant 2 : i32
        %add3A_133 = arith.addi %add3A_119, %add3A_132 : i32
        %lt3A_134 = arith.constant 148 : i32
        %lt3A_135 = arith.cmpi slt, %add3A_133, %lt3A_134 : i32
        %convert_element_type3A_136 = arith.extui %lt3A_135 : i1 to i32
        %cond3A_137 = arith.constant 0 : i32
        %cond3A_138 = arith.cmpi ne, %convert_element_type3A_136, %cond3A_137 : i32
        scf.if %cond3A_138 {
          %ge3A = arith.constant 2 : i32
          %ge3A_139 = arith.cmpi sge, %add3A_119, %ge3A : i32
          %convert_element_type3A_140 = arith.extui %ge3A_139 : i1 to i32
          %cond3A_141 = arith.constant 0 : i32
          %cond3A_142 = arith.cmpi ne, %convert_element_type3A_140, %cond3A_141 : i32
          scf.if %cond3A_142 {
            %dma_wait3A_151 = arith.constant 0 : i32
            %dma_wait3A_152 = arith.constant 0 : i32
            %dma_wait3A_153 = tpu.memref_slice %arg14[%dma_wait3A_151, %dma_wait3A_152] : memref<148x128xi32, #tpu.memory_space<vmem>> -> memref<1x128xi32, #tpu.memory_space<vmem>>
            %dma_wait3A_154 = tpu.memref_squeeze %dma_wait3A_153 : memref<1x128xi32, #tpu.memory_space<vmem>> -> memref<128xi32, #tpu.memory_space<vmem>>
            %dma_wait3A_155 = arith.constant 0 : i32
            %dma_wait3A_156 = arith.constant 0 : i32
            %dma_wait3A_157 = tpu.memref_slice %arg11[%dma_wait3A_155, %dma_wait3A_156] : memref<10240x32xf32, #tpu.memory_space<vmem_shared>> -> memref<10240x32xf32, #tpu.memory_space<vmem_shared>>
            tpu.wait_indirect_dma semaphore(%arg24 : memref<!tpu.dma_semaphore, #tpu.memory_space<semaphore_mem>>) src(%arg16 : memref<128x32xf32, #tpu.memory_space<vmem>>) dst(%dma_wait3A_157 : memref<10240x32xf32, #tpu.memory_space<vmem_shared>>)
          } else {
          }
          %add3A_143 = arith.constant 2 : i32
          %add3A_144 = arith.addi %add3A_119, %add3A_143 : i32
          %dma_start3A_145 = arith.constant 0 : i32
          %dma_start3A_146 = tpu.memref_slice %arg13[%add3A_144, %dma_start3A_145] : memref<148x128xi32, #tpu.memory_space<vmem>> -> memref<1x128xi32, #tpu.memory_space<vmem>>
          %dma_start3A_147 = tpu.memref_squeeze %dma_start3A_146 : memref<1x128xi32, #tpu.memory_space<vmem>> -> memref<128xi32, #tpu.memory_space<vmem>>
          %dma_start3A_148 = arith.constant 0 : i32
          %dma_start3A_149 = arith.constant 0 : i32
          %dma_start3A_150 = tpu.memref_slice %arg12[%dma_start3A_148, %dma_start3A_149] : memref<10240x32xf32, #tpu.memory_space<vmem_shared>> -> memref<10240x32xf32, #tpu.memory_space<vmem_shared>>
          tpu.enqueue_indirect_dma source(%dma_start3A_150 : memref<10240x32xf32, #tpu.memory_space<vmem_shared>>) target(%arg16 : memref<128x32xf32, #tpu.memory_space<vmem>>) offsets(%dma_start3A_147 : memref<128xi32, #tpu.memory_space<vmem>>) semaphore(%arg20 : memref<!tpu.dma_semaphore, #tpu.memory_space<semaphore_mem>>)
        } else {
        }
      }
      %scan3A_25 = arith.constant 37 : i32
      %dma_wait3A = arith.constant 0 : i32
      %dma_wait3A_26 = arith.constant 0 : i32
      %dma_wait3A_27 = tpu.memref_slice %arg14[%dma_wait3A, %dma_wait3A_26] : memref<148x128xi32, #tpu.memory_space<vmem>> -> memref<1x128xi32, #tpu.memory_space<vmem>>
      %dma_wait3A_28 = tpu.memref_squeeze %dma_wait3A_27 : memref<1x128xi32, #tpu.memory_space<vmem>> -> memref<128xi32, #tpu.memory_space<vmem>>
      %dma_wait3A_29 = arith.constant 0 : i32
      %dma_wait3A_30 = arith.constant 0 : i32
      %dma_wait3A_31 = tpu.memref_slice %arg11[%dma_wait3A_29, %dma_wait3A_30] : memref<10240x32xf32, #tpu.memory_space<vmem_shared>> -> memref<10240x32xf32, #tpu.memory_space<vmem_shared>>
      tpu.wait_indirect_dma semaphore(%arg23 : memref<!tpu.dma_semaphore, #tpu.memory_space<semaphore_mem>>) src(%arg15 : memref<128x32xf32, #tpu.memory_space<vmem>>) dst(%dma_wait3A_31 : memref<10240x32xf32, #tpu.memory_space<vmem_shared>>)
      %dma_wait3A_32 = arith.constant 0 : i32
      %dma_wait3A_33 = arith.constant 0 : i32
      %dma_wait3A_34 = tpu.memref_slice %arg14[%dma_wait3A_32, %dma_wait3A_33] : memref<148x128xi32, #tpu.memory_space<vmem>> -> memref<1x128xi32, #tpu.memory_space<vmem>>
      %dma_wait3A_35 = tpu.memref_squeeze %dma_wait3A_34 : memref<1x128xi32, #tpu.memory_space<vmem>> -> memref<128xi32, #tpu.memory_space<vmem>>
      %dma_wait3A_36 = arith.constant 0 : i32
      %dma_wait3A_37 = arith.constant 0 : i32
      %dma_wait3A_38 = tpu.memref_slice %arg11[%dma_wait3A_36, %dma_wait3A_37] : memref<10240x32xf32, #tpu.memory_space<vmem_shared>> -> memref<10240x32xf32, #tpu.memory_space<vmem_shared>>
      tpu.wait_indirect_dma semaphore(%arg24 : memref<!tpu.dma_semaphore, #tpu.memory_space<semaphore_mem>>) src(%arg16 : memref<128x32xf32, #tpu.memory_space<vmem>>) dst(%dma_wait3A_38 : memref<10240x32xf32, #tpu.memory_space<vmem_shared>>)
      %dma_wait3A_39 = arith.constant 0 : i32
      %dma_wait3A_40 = arith.constant 0 : i32
      %dma_wait3A_41 = tpu.memref_slice %arg14[%dma_wait3A_39, %dma_wait3A_40] : memref<148x128xi32, #tpu.memory_space<vmem>> -> memref<1x128xi32, #tpu.memory_space<vmem>>
      %dma_wait3A_42 = tpu.memref_squeeze %dma_wait3A_41 : memref<1x128xi32, #tpu.memory_space<vmem>> -> memref<128xi32, #tpu.memory_space<vmem>>
      %dma_wait3A_43 = arith.constant 0 : i32
      %dma_wait3A_44 = arith.constant 0 : i32
      %dma_wait3A_45 = tpu.memref_slice %arg11[%dma_wait3A_43, %dma_wait3A_44] : memref<10240x32xf32, #tpu.memory_space<vmem_shared>> -> memref<10240x32xf32, #tpu.memory_space<vmem_shared>>
      tpu.wait_indirect_dma semaphore(%arg25 : memref<!tpu.dma_semaphore, #tpu.memory_space<semaphore_mem>>) src(%arg17 : memref<128x32xf32, #tpu.memory_space<vmem>>) dst(%dma_wait3A_45 : memref<10240x32xf32, #tpu.memory_space<vmem_shared>>)
      %dma_wait3A_46 = arith.constant 0 : i32
      %dma_wait3A_47 = arith.constant 0 : i32
      %dma_wait3A_48 = tpu.memref_slice %arg14[%dma_wait3A_46, %dma_wait3A_47] : memref<148x128xi32, #tpu.memory_space<vmem>> -> memref<1x128xi32, #tpu.memory_space<vmem>>
      %dma_wait3A_49 = tpu.memref_squeeze %dma_wait3A_48 : memref<1x128xi32, #tpu.memory_space<vmem>> -> memref<128xi32, #tpu.memory_space<vmem>>
      %dma_wait3A_50 = arith.constant 0 : i32
      %dma_wait3A_51 = arith.constant 0 : i32
      %dma_wait3A_52 = tpu.memref_slice %arg11[%dma_wait3A_50, %dma_wait3A_51] : memref<10240x32xf32, #tpu.memory_space<vmem_shared>> -> memref<10240x32xf32, #tpu.memory_space<vmem_shared>>
      tpu.wait_indirect_dma semaphore(%arg26 : memref<!tpu.dma_semaphore, #tpu.memory_space<semaphore_mem>>) src(%arg18 : memref<128x32xf32, #tpu.memory_space<vmem>>) dst(%dma_wait3A_52 : memref<10240x32xf32, #tpu.memory_space<vmem_shared>>)
      %barrier3A_53 = arith.constant 0 : index
      tpu.barrier barrier_id(%barrier3A_53)
      "tpu.region"() ({
        %run_scoped3A = tpu.sem_alloc : memref<!tpu.dma_semaphore, #tpu.memory_space<semaphore_mem>>
        %dma_start3A_54 = arith.constant 0 : i32
        %dma_start3A_55 = tpu.memref_slice %arg9[%mul3A_0, %dma_start3A_54] : memref<10240x32xf32, #tpu.memory_space<hbm>> -> memref<640x32xf32, #tpu.memory_space<hbm>>
        %dma_start3A_56 = arith.constant 0 : i32
        %dma_start3A_57 = tpu.memref_slice %arg11[%mul3A_0, %dma_start3A_56] : memref<10240x32xf32, #tpu.memory_space<vmem_shared>> -> memref<640x32xf32, #tpu.memory_space<vmem_shared>>
        tpu.enqueue_dma source(%dma_start3A_57 : memref<640x32xf32, #tpu.memory_space<vmem_shared>>) target(%dma_start3A_55 : memref<640x32xf32, #tpu.memory_space<hbm>>) target_semaphore(%run_scoped3A : memref<!tpu.dma_semaphore, #tpu.memory_space<semaphore_mem>>)
        %dma_wait3A_58 = arith.constant 0 : i32
        %dma_wait3A_59 = tpu.memref_slice %arg9[%mul3A_0, %dma_wait3A_58] : memref<10240x32xf32, #tpu.memory_space<hbm>> -> memref<640x32xf32, #tpu.memory_space<hbm>>
        %dma_wait3A_60 = arith.constant 0 : i32
        %dma_wait3A_61 = tpu.memref_slice %arg11[%mul3A_0, %dma_wait3A_60] : memref<10240x32xf32, #tpu.memory_space<vmem_shared>> -> memref<640x32xf32, #tpu.memory_space<vmem_shared>>
        tpu.wait_dma2 semaphore(%run_scoped3A : memref<!tpu.dma_semaphore, #tpu.memory_space<semaphore_mem>>) src(%dma_wait3A_61 : memref<640x32xf32, #tpu.memory_space<vmem_shared>>) dst(%dma_wait3A_59 : memref<640x32xf32, #tpu.memory_space<hbm>>)
        tpu.yield
      }) : () -> ()
    } else {
    }
    %eq3A_3 = arith.constant 1 : i32
    %eq3A_4 = arith.cmpi eq, %arg0, %eq3A_3 : i32
    %convert_element_type3A_5 = arith.extui %eq3A_4 : i1 to i32
    %cond3A_6 = arith.constant 0 : i32
    %cond3A_7 = arith.cmpi ne, %convert_element_type3A_5, %cond3A_6 : i32
    scf.if %cond3A_7 {
      "tpu.region"() ({
        %run_scoped3A = tpu.sem_alloc : memref<!tpu.dma_semaphore, #tpu.memory_space<semaphore_mem>>
        %dma_start3A_54 = arith.constant 0 : i32
        %dma_start3A_55 = tpu.memref_slice %arg12[%mul3A_0, %dma_start3A_54] : memref<10240x32xf32, #tpu.memory_space<vmem_shared>> -> memref<640x32xf32, #tpu.memory_space<vmem_shared>>
        %dma_start3A_56 = arith.constant 0 : i32
        %dma_start3A_57 = tpu.memref_slice %arg3[%mul3A_0, %dma_start3A_56] : memref<10240x32xf32, #tpu.memory_space<hbm>> -> memref<640x32xf32, #tpu.memory_space<hbm>>
        tpu.enqueue_dma source(%dma_start3A_57 : memref<640x32xf32, #tpu.memory_space<hbm>>) target(%dma_start3A_55 : memref<640x32xf32, #tpu.memory_space<vmem_shared>>) target_semaphore(%run_scoped3A : memref<!tpu.dma_semaphore, #tpu.memory_space<semaphore_mem>>)
        %dma_wait3A_58 = arith.constant 0 : i32
        %dma_wait3A_59 = tpu.memref_slice %arg12[%mul3A_0, %dma_wait3A_58] : memref<10240x32xf32, #tpu.memory_space<vmem_shared>> -> memref<640x32xf32, #tpu.memory_space<vmem_shared>>
        %dma_wait3A_60 = arith.constant 0 : i32
        %dma_wait3A_61 = tpu.memref_slice %arg3[%mul3A_0, %dma_wait3A_60] : memref<10240x32xf32, #tpu.memory_space<hbm>> -> memref<640x32xf32, #tpu.memory_space<hbm>>
        tpu.wait_dma2 semaphore(%run_scoped3A : memref<!tpu.dma_semaphore, #tpu.memory_space<semaphore_mem>>) src(%dma_wait3A_61 : memref<640x32xf32, #tpu.memory_space<hbm>>) dst(%dma_wait3A_59 : memref<640x32xf32, #tpu.memory_space<vmem_shared>>)
        tpu.yield
      }) : () -> ()
      "tpu.region"() ({
        %run_scoped3A = tpu.sem_alloc : memref<!tpu.dma_semaphore, #tpu.memory_space<semaphore_mem>>
        %dma_start3A_54 = arith.constant 0 : i32
        %dma_start3A_55 = arith.constant 0 : i32
        %dma_start3A_56 = tpu.memref_slice %arg6[%arg1, %dma_start3A_54, %dma_start3A_55] : memref<16x148x128xi32, #tpu.memory_space<hbm>> -> memref<1x148x128xi32, #tpu.memory_space<hbm>>
        %dma_start3A_57 = tpu.memref_squeeze %dma_start3A_56 : memref<1x148x128xi32, #tpu.memory_space<hbm>> -> memref<148x128xi32, #tpu.memory_space<hbm>>
        %dma_start3A_58 = arith.constant 0 : i32
        %dma_start3A_59 = arith.constant 0 : i32
        %dma_start3A_60 = tpu.memref_slice %arg6[%arg1, %dma_start3A_58, %dma_start3A_59] : memref<16x148x128xi32, #tpu.memory_space<hbm>> -> memref<1x148x128xi32, #tpu.memory_space<hbm>>
        %dma_start3A_61 = tpu.memref_squeeze %dma_start3A_60 : memref<1x148x128xi32, #tpu.memory_space<hbm>> -> memref<148x128xi32, #tpu.memory_space<hbm>>
        tpu.enqueue_dma source(%dma_start3A_61 : memref<148x128xi32, #tpu.memory_space<hbm>>) target(%arg13 : memref<148x128xi32, #tpu.memory_space<vmem>>) target_semaphore(%run_scoped3A : memref<!tpu.dma_semaphore, #tpu.memory_space<semaphore_mem>>)
        %dma_wait3A_62 = arith.constant 0 : i32
        %dma_wait3A_63 = arith.constant 0 : i32
        %dma_wait3A_64 = tpu.memref_slice %arg6[%arg1, %dma_wait3A_62, %dma_wait3A_63] : memref<16x148x128xi32, #tpu.memory_space<hbm>> -> memref<1x148x128xi32, #tpu.memory_space<hbm>>
        %dma_wait3A_65 = tpu.memref_squeeze %dma_wait3A_64 : memref<1x148x128xi32, #tpu.memory_space<hbm>> -> memref<148x128xi32, #tpu.memory_space<hbm>>
        %dma_wait3A_66 = arith.constant 0 : i32
        %dma_wait3A_67 = arith.constant 0 : i32
        %dma_wait3A_68 = tpu.memref_slice %arg6[%arg1, %dma_wait3A_66, %dma_wait3A_67] : memref<16x148x128xi32, #tpu.memory_space<hbm>> -> memref<1x148x128xi32, #tpu.memory_space<hbm>>
        %dma_wait3A_69 = tpu.memref_squeeze %dma_wait3A_68 : memref<1x148x128xi32, #tpu.memory_space<hbm>> -> memref<148x128xi32, #tpu.memory_space<hbm>>
        tpu.wait_dma2 semaphore(%run_scoped3A : memref<!tpu.dma_semaphore, #tpu.memory_space<semaphore_mem>>) src(%dma_wait3A_69 : memref<148x128xi32, #tpu.memory_space<hbm>>) dst(%arg13 : memref<148x128xi32, #tpu.memory_space<vmem>>)
        tpu.yield
      }) : () -> ()
      "tpu.region"() ({
        %run_scoped3A = tpu.sem_alloc : memref<!tpu.dma_semaphore, #tpu.memory_space<semaphore_mem>>
        %dma_start3A_54 = arith.constant 0 : i32
        %dma_start3A_55 = arith.constant 0 : i32
        %dma_start3A_56 = tpu.memref_slice %arg7[%arg1, %dma_start3A_54, %dma_start3A_55] : memref<16x148x128xi32, #tpu.memory_space<hbm>> -> memref<1x148x128xi32, #tpu.memory_space<hbm>>
        %dma_start3A_57 = tpu.memref_squeeze %dma_start3A_56 : memref<1x148x128xi32, #tpu.memory_space<hbm>> -> memref<148x128xi32, #tpu.memory_space<hbm>>
        %dma_start3A_58 = arith.constant 0 : i32
        %dma_start3A_59 = arith.constant 0 : i32
        %dma_start3A_60 = tpu.memref_slice %arg7[%arg1, %dma_start3A_58, %dma_start3A_59] : memref<16x148x128xi32, #tpu.memory_space<hbm>> -> memref<1x148x128xi32, #tpu.memory_space<hbm>>
        %dma_start3A_61 = tpu.memref_squeeze %dma_start3A_60 : memref<1x148x128xi32, #tpu.memory_space<hbm>> -> memref<148x128xi32, #tpu.memory_space<hbm>>
        tpu.enqueue_dma source(%dma_start3A_61 : memref<148x128xi32, #tpu.memory_space<hbm>>) target(%arg14 : memref<148x128xi32, #tpu.memory_space<vmem>>) target_semaphore(%run_scoped3A : memref<!tpu.dma_semaphore, #tpu.memory_space<semaphore_mem>>)
        %dma_wait3A_62 = arith.constant 0 : i32
        %dma_wait3A_63 = arith.constant 0 : i32
        %dma_wait3A_64 = tpu.memref_slice %arg7[%arg1, %dma_wait3A_62, %dma_wait3A_63] : memref<16x148x128xi32, #tpu.memory_space<hbm>> -> memref<1x148x128xi32, #tpu.memory_space<hbm>>
        %dma_wait3A_65 = tpu.memref_squeeze %dma_wait3A_64 : memref<1x148x128xi32, #tpu.memory_space<hbm>> -> memref<148x128xi32, #tpu.memory_space<hbm>>
        %dma_wait3A_66 = arith.constant 0 : i32
        %dma_wait3A_67 = arith.constant 0 : i32
        %dma_wait3A_68 = tpu.memref_slice %arg7[%arg1, %dma_wait3A_66, %dma_wait3A_67] : memref<16x148x128xi32, #tpu.memory_space<hbm>> -> memref<1x148x128xi32, #tpu.memory_space<hbm>>
        %dma_wait3A_69 = tpu.memref_squeeze %dma_wait3A_68 : memref<1x148x128xi32, #tpu.memory_space<hbm>> -> memref<148x128xi32, #tpu.memory_space<hbm>>
        tpu.wait_dma2 semaphore(%run_scoped3A : memref<!tpu.dma_semaphore, #tpu.memory_space<semaphore_mem>>) src(%dma_wait3A_69 : memref<148x128xi32, #tpu.memory_space<hbm>>) dst(%arg14 : memref<148x128xi32, #tpu.memory_space<vmem>>)
        tpu.yield
      }) : () -> ()
      %barrier3A = arith.constant 0 : index
      tpu.barrier barrier_id(%barrier3A)
      %dma_start3A = arith.constant 0 : i32
      %dma_start3A_8 = arith.constant 0 : i32
      %dma_start3A_9 = tpu.memref_slice %arg13[%dma_start3A, %dma_start3A_8] : memref<148x128xi32, #tpu.memory_space<vmem>> -> memref<1x128xi32, #tpu.memory_space<vmem>>
      %dma_start3A_10 = tpu.memref_squeeze %dma_start3A_9 : memref<1x128xi32, #tpu.memory_space<vmem>> -> memref<128xi32, #tpu.memory_space<vmem>>
      %dma_start3A_11 = arith.constant 0 : i32
      %dma_start3A_12 = arith.constant 0 : i32
      %dma_start3A_13 = tpu.memref_slice %arg12[%dma_start3A_11, %dma_start3A_12] : memref<10240x32xf32, #tpu.memory_space<vmem_shared>> -> memref<10240x32xf32, #tpu.memory_space<vmem_shared>>
      tpu.enqueue_indirect_dma source(%dma_start3A_13 : memref<10240x32xf32, #tpu.memory_space<vmem_shared>>) target(%arg15 : memref<128x32xf32, #tpu.memory_space<vmem>>) offsets(%dma_start3A_10 : memref<128xi32, #tpu.memory_space<vmem>>) semaphore(%arg19 : memref<!tpu.dma_semaphore, #tpu.memory_space<semaphore_mem>>)
      %dma_start3A_14 = arith.constant 1 : i32
      %dma_start3A_15 = arith.constant 0 : i32
      %dma_start3A_16 = tpu.memref_slice %arg13[%dma_start3A_14, %dma_start3A_15] : memref<148x128xi32, #tpu.memory_space<vmem>> -> memref<1x128xi32, #tpu.memory_space<vmem>>
      %dma_start3A_17 = tpu.memref_squeeze %dma_start3A_16 : memref<1x128xi32, #tpu.memory_space<vmem>> -> memref<128xi32, #tpu.memory_space<vmem>>
      %dma_start3A_18 = arith.constant 0 : i32
      %dma_start3A_19 = arith.constant 0 : i32
      %dma_start3A_20 = tpu.memref_slice %arg12[%dma_start3A_18, %dma_start3A_19] : memref<10240x32xf32, #tpu.memory_space<vmem_shared>> -> memref<10240x32xf32, #tpu.memory_space<vmem_shared>>
      tpu.enqueue_indirect_dma source(%dma_start3A_20 : memref<10240x32xf32, #tpu.memory_space<vmem_shared>>) target(%arg16 : memref<128x32xf32, #tpu.memory_space<vmem>>) offsets(%dma_start3A_17 : memref<128xi32, #tpu.memory_space<vmem>>) semaphore(%arg20 : memref<!tpu.dma_semaphore, #tpu.memory_space<semaphore_mem>>)
      %scan3A = arith.constant 0 : i32
      %scan3A_21 = arith.constant 0 : i32
      %scan3A_22 = arith.constant 37 : i32
      %scan3A_23 = arith.addi %scan3A_21, %scan3A_22 : i32
      %scan3A_24 = arith.constant 1 : i32
      scf.for %scan3A_54 = %scan3A_21 to %scan3A_23 step %scan3A_24  : i32 {
        %mul3A_55 = arith.constant 4 : i32
        %mul3A_56 = arith.muli %scan3A_54, %mul3A_55 : i32
        %add3A = arith.constant 0 : i32
        %add3A_57 = arith.addi %mul3A_56, %add3A : i32
        %dma_wait3A_58 = arith.constant 0 : i32
        %dma_wait3A_59 = tpu.memref_slice %arg13[%add3A_57, %dma_wait3A_58] : memref<148x128xi32, #tpu.memory_space<vmem>> -> memref<1x128xi32, #tpu.memory_space<vmem>>
        %dma_wait3A_60 = tpu.memref_squeeze %dma_wait3A_59 : memref<1x128xi32, #tpu.memory_space<vmem>> -> memref<128xi32, #tpu.memory_space<vmem>>
        %dma_wait3A_61 = arith.constant 0 : i32
        %dma_wait3A_62 = arith.constant 0 : i32
        %dma_wait3A_63 = tpu.memref_slice %arg12[%dma_wait3A_61, %dma_wait3A_62] : memref<10240x32xf32, #tpu.memory_space<vmem_shared>> -> memref<10240x32xf32, #tpu.memory_space<vmem_shared>>
        tpu.wait_indirect_dma semaphore(%arg19 : memref<!tpu.dma_semaphore, #tpu.memory_space<semaphore_mem>>) src(%dma_wait3A_63 : memref<10240x32xf32, #tpu.memory_space<vmem_shared>>) dst(%arg15 : memref<128x32xf32, #tpu.memory_space<vmem>>)
        %dma_start3A_64 = arith.constant 0 : i32
        %dma_start3A_65 = tpu.memref_slice %arg14[%add3A_57, %dma_start3A_64] : memref<148x128xi32, #tpu.memory_space<vmem>> -> memref<1x128xi32, #tpu.memory_space<vmem>>
        %dma_start3A_66 = tpu.memref_squeeze %dma_start3A_65 : memref<1x128xi32, #tpu.memory_space<vmem>> -> memref<128xi32, #tpu.memory_space<vmem>>
        %dma_start3A_67 = arith.constant 0 : i32
        %dma_start3A_68 = arith.constant 0 : i32
        %dma_start3A_69 = tpu.memref_slice %arg11[%dma_start3A_67, %dma_start3A_68] : memref<10240x32xf32, #tpu.memory_space<vmem_shared>> -> memref<10240x32xf32, #tpu.memory_space<vmem_shared>>
        tpu.enqueue_indirect_dma source(%arg15 : memref<128x32xf32, #tpu.memory_space<vmem>>) target(%dma_start3A_69 : memref<10240x32xf32, #tpu.memory_space<vmem_shared>>) offsets(%dma_start3A_66 : memref<128xi32, #tpu.memory_space<vmem>>) semaphore(%arg23 : memref<!tpu.dma_semaphore, #tpu.memory_space<semaphore_mem>>) {add = true}
        %add3A_70 = arith.constant 2 : i32
        %add3A_71 = arith.addi %add3A_57, %add3A_70 : i32
        %lt3A = arith.constant 148 : i32
        %lt3A_72 = arith.cmpi slt, %add3A_71, %lt3A : i32
        %convert_element_type3A_73 = arith.extui %lt3A_72 : i1 to i32
        %cond3A_74 = arith.constant 0 : i32
        %cond3A_75 = arith.cmpi ne, %convert_element_type3A_73, %cond3A_74 : i32
        scf.if %cond3A_75 {
          %ge3A = arith.constant 2 : i32
          %ge3A_139 = arith.cmpi sge, %add3A_57, %ge3A : i32
          %convert_element_type3A_140 = arith.extui %ge3A_139 : i1 to i32
          %cond3A_141 = arith.constant 0 : i32
          %cond3A_142 = arith.cmpi ne, %convert_element_type3A_140, %cond3A_141 : i32
          scf.if %cond3A_142 {
            %dma_wait3A_151 = arith.constant 0 : i32
            %dma_wait3A_152 = arith.constant 0 : i32
            %dma_wait3A_153 = tpu.memref_slice %arg14[%dma_wait3A_151, %dma_wait3A_152] : memref<148x128xi32, #tpu.memory_space<vmem>> -> memref<1x128xi32, #tpu.memory_space<vmem>>
            %dma_wait3A_154 = tpu.memref_squeeze %dma_wait3A_153 : memref<1x128xi32, #tpu.memory_space<vmem>> -> memref<128xi32, #tpu.memory_space<vmem>>
            %dma_wait3A_155 = arith.constant 0 : i32
            %dma_wait3A_156 = arith.constant 0 : i32
            %dma_wait3A_157 = tpu.memref_slice %arg11[%dma_wait3A_155, %dma_wait3A_156] : memref<10240x32xf32, #tpu.memory_space<vmem_shared>> -> memref<10240x32xf32, #tpu.memory_space<vmem_shared>>
            tpu.wait_indirect_dma semaphore(%arg25 : memref<!tpu.dma_semaphore, #tpu.memory_space<semaphore_mem>>) src(%arg17 : memref<128x32xf32, #tpu.memory_space<vmem>>) dst(%dma_wait3A_157 : memref<10240x32xf32, #tpu.memory_space<vmem_shared>>)
          } else {
          }
          %add3A_143 = arith.constant 2 : i32
          %add3A_144 = arith.addi %add3A_57, %add3A_143 : i32
          %dma_start3A_145 = arith.constant 0 : i32
          %dma_start3A_146 = tpu.memref_slice %arg13[%add3A_144, %dma_start3A_145] : memref<148x128xi32, #tpu.memory_space<vmem>> -> memref<1x128xi32, #tpu.memory_space<vmem>>
          %dma_start3A_147 = tpu.memref_squeeze %dma_start3A_146 : memref<1x128xi32, #tpu.memory_space<vmem>> -> memref<128xi32, #tpu.memory_space<vmem>>
          %dma_start3A_148 = arith.constant 0 : i32
          %dma_start3A_149 = arith.constant 0 : i32
          %dma_start3A_150 = tpu.memref_slice %arg12[%dma_start3A_148, %dma_start3A_149] : memref<10240x32xf32, #tpu.memory_space<vmem_shared>> -> memref<10240x32xf32, #tpu.memory_space<vmem_shared>>
          tpu.enqueue_indirect_dma source(%dma_start3A_150 : memref<10240x32xf32, #tpu.memory_space<vmem_shared>>) target(%arg17 : memref<128x32xf32, #tpu.memory_space<vmem>>) offsets(%dma_start3A_147 : memref<128xi32, #tpu.memory_space<vmem>>) semaphore(%arg21 : memref<!tpu.dma_semaphore, #tpu.memory_space<semaphore_mem>>)
        } else {
        }
        %add3A_76 = arith.constant 1 : i32
        %add3A_77 = arith.addi %mul3A_56, %add3A_76 : i32
        %dma_wait3A_78 = arith.constant 0 : i32
        %dma_wait3A_79 = tpu.memref_slice %arg13[%add3A_77, %dma_wait3A_78] : memref<148x128xi32, #tpu.memory_space<vmem>> -> memref<1x128xi32, #tpu.memory_space<vmem>>
        %dma_wait3A_80 = tpu.memref_squeeze %dma_wait3A_79 : memref<1x128xi32, #tpu.memory_space<vmem>> -> memref<128xi32, #tpu.memory_space<vmem>>
        %dma_wait3A_81 = arith.constant 0 : i32
        %dma_wait3A_82 = arith.constant 0 : i32
        %dma_wait3A_83 = tpu.memref_slice %arg12[%dma_wait3A_81, %dma_wait3A_82] : memref<10240x32xf32, #tpu.memory_space<vmem_shared>> -> memref<10240x32xf32, #tpu.memory_space<vmem_shared>>
        tpu.wait_indirect_dma semaphore(%arg20 : memref<!tpu.dma_semaphore, #tpu.memory_space<semaphore_mem>>) src(%dma_wait3A_83 : memref<10240x32xf32, #tpu.memory_space<vmem_shared>>) dst(%arg16 : memref<128x32xf32, #tpu.memory_space<vmem>>)
        %dma_start3A_84 = arith.constant 0 : i32
        %dma_start3A_85 = tpu.memref_slice %arg14[%add3A_77, %dma_start3A_84] : memref<148x128xi32, #tpu.memory_space<vmem>> -> memref<1x128xi32, #tpu.memory_space<vmem>>
        %dma_start3A_86 = tpu.memref_squeeze %dma_start3A_85 : memref<1x128xi32, #tpu.memory_space<vmem>> -> memref<128xi32, #tpu.memory_space<vmem>>
        %dma_start3A_87 = arith.constant 0 : i32
        %dma_start3A_88 = arith.constant 0 : i32
        %dma_start3A_89 = tpu.memref_slice %arg11[%dma_start3A_87, %dma_start3A_88] : memref<10240x32xf32, #tpu.memory_space<vmem_shared>> -> memref<10240x32xf32, #tpu.memory_space<vmem_shared>>
        tpu.enqueue_indirect_dma source(%arg16 : memref<128x32xf32, #tpu.memory_space<vmem>>) target(%dma_start3A_89 : memref<10240x32xf32, #tpu.memory_space<vmem_shared>>) offsets(%dma_start3A_86 : memref<128xi32, #tpu.memory_space<vmem>>) semaphore(%arg24 : memref<!tpu.dma_semaphore, #tpu.memory_space<semaphore_mem>>) {add = true}
        %add3A_90 = arith.constant 2 : i32
        %add3A_91 = arith.addi %add3A_77, %add3A_90 : i32
        %lt3A_92 = arith.constant 148 : i32
        %lt3A_93 = arith.cmpi slt, %add3A_91, %lt3A_92 : i32
        %convert_element_type3A_94 = arith.extui %lt3A_93 : i1 to i32
        %cond3A_95 = arith.constant 0 : i32
        %cond3A_96 = arith.cmpi ne, %convert_element_type3A_94, %cond3A_95 : i32
        scf.if %cond3A_96 {
          %ge3A = arith.constant 2 : i32
          %ge3A_139 = arith.cmpi sge, %add3A_77, %ge3A : i32
          %convert_element_type3A_140 = arith.extui %ge3A_139 : i1 to i32
          %cond3A_141 = arith.constant 0 : i32
          %cond3A_142 = arith.cmpi ne, %convert_element_type3A_140, %cond3A_141 : i32
          scf.if %cond3A_142 {
            %dma_wait3A_151 = arith.constant 0 : i32
            %dma_wait3A_152 = arith.constant 0 : i32
            %dma_wait3A_153 = tpu.memref_slice %arg14[%dma_wait3A_151, %dma_wait3A_152] : memref<148x128xi32, #tpu.memory_space<vmem>> -> memref<1x128xi32, #tpu.memory_space<vmem>>
            %dma_wait3A_154 = tpu.memref_squeeze %dma_wait3A_153 : memref<1x128xi32, #tpu.memory_space<vmem>> -> memref<128xi32, #tpu.memory_space<vmem>>
            %dma_wait3A_155 = arith.constant 0 : i32
            %dma_wait3A_156 = arith.constant 0 : i32
            %dma_wait3A_157 = tpu.memref_slice %arg11[%dma_wait3A_155, %dma_wait3A_156] : memref<10240x32xf32, #tpu.memory_space<vmem_shared>> -> memref<10240x32xf32, #tpu.memory_space<vmem_shared>>
            tpu.wait_indirect_dma semaphore(%arg26 : memref<!tpu.dma_semaphore, #tpu.memory_space<semaphore_mem>>) src(%arg18 : memref<128x32xf32, #tpu.memory_space<vmem>>) dst(%dma_wait3A_157 : memref<10240x32xf32, #tpu.memory_space<vmem_shared>>)
          } else {
          }
          %add3A_143 = arith.constant 2 : i32
          %add3A_144 = arith.addi %add3A_77, %add3A_143 : i32
          %dma_start3A_145 = arith.constant 0 : i32
          %dma_start3A_146 = tpu.memref_slice %arg13[%add3A_144, %dma_start3A_145] : memref<148x128xi32, #tpu.memory_space<vmem>> -> memref<1x128xi32, #tpu.memory_space<vmem>>
          %dma_start3A_147 = tpu.memref_squeeze %dma_start3A_146 : memref<1x128xi32, #tpu.memory_space<vmem>> -> memref<128xi32, #tpu.memory_space<vmem>>
          %dma_start3A_148 = arith.constant 0 : i32
          %dma_start3A_149 = arith.constant 0 : i32
          %dma_start3A_150 = tpu.memref_slice %arg12[%dma_start3A_148, %dma_start3A_149] : memref<10240x32xf32, #tpu.memory_space<vmem_shared>> -> memref<10240x32xf32, #tpu.memory_space<vmem_shared>>
          tpu.enqueue_indirect_dma source(%dma_start3A_150 : memref<10240x32xf32, #tpu.memory_space<vmem_shared>>) target(%arg18 : memref<128x32xf32, #tpu.memory_space<vmem>>) offsets(%dma_start3A_147 : memref<128xi32, #tpu.memory_space<vmem>>) semaphore(%arg22 : memref<!tpu.dma_semaphore, #tpu.memory_space<semaphore_mem>>)
        } else {
        }
        %add3A_97 = arith.constant 2 : i32
        %add3A_98 = arith.addi %mul3A_56, %add3A_97 : i32
        %dma_wait3A_99 = arith.constant 0 : i32
        %dma_wait3A_100 = tpu.memref_slice %arg13[%add3A_98, %dma_wait3A_99] : memref<148x128xi32, #tpu.memory_space<vmem>> -> memref<1x128xi32, #tpu.memory_space<vmem>>
        %dma_wait3A_101 = tpu.memref_squeeze %dma_wait3A_100 : memref<1x128xi32, #tpu.memory_space<vmem>> -> memref<128xi32, #tpu.memory_space<vmem>>
        %dma_wait3A_102 = arith.constant 0 : i32
        %dma_wait3A_103 = arith.constant 0 : i32
        %dma_wait3A_104 = tpu.memref_slice %arg12[%dma_wait3A_102, %dma_wait3A_103] : memref<10240x32xf32, #tpu.memory_space<vmem_shared>> -> memref<10240x32xf32, #tpu.memory_space<vmem_shared>>
        tpu.wait_indirect_dma semaphore(%arg21 : memref<!tpu.dma_semaphore, #tpu.memory_space<semaphore_mem>>) src(%dma_wait3A_104 : memref<10240x32xf32, #tpu.memory_space<vmem_shared>>) dst(%arg17 : memref<128x32xf32, #tpu.memory_space<vmem>>)
        %dma_start3A_105 = arith.constant 0 : i32
        %dma_start3A_106 = tpu.memref_slice %arg14[%add3A_98, %dma_start3A_105] : memref<148x128xi32, #tpu.memory_space<vmem>> -> memref<1x128xi32, #tpu.memory_space<vmem>>
        %dma_start3A_107 = tpu.memref_squeeze %dma_start3A_106 : memref<1x128xi32, #tpu.memory_space<vmem>> -> memref<128xi32, #tpu.memory_space<vmem>>
        %dma_start3A_108 = arith.constant 0 : i32
        %dma_start3A_109 = arith.constant 0 : i32
        %dma_start3A_110 = tpu.memref_slice %arg11[%dma_start3A_108, %dma_start3A_109] : memref<10240x32xf32, #tpu.memory_space<vmem_shared>> -> memref<10240x32xf32, #tpu.memory_space<vmem_shared>>
        tpu.enqueue_indirect_dma source(%arg17 : memref<128x32xf32, #tpu.memory_space<vmem>>) target(%dma_start3A_110 : memref<10240x32xf32, #tpu.memory_space<vmem_shared>>) offsets(%dma_start3A_107 : memref<128xi32, #tpu.memory_space<vmem>>) semaphore(%arg25 : memref<!tpu.dma_semaphore, #tpu.memory_space<semaphore_mem>>) {add = true}
        %add3A_111 = arith.constant 2 : i32
        %add3A_112 = arith.addi %add3A_98, %add3A_111 : i32
        %lt3A_113 = arith.constant 148 : i32
        %lt3A_114 = arith.cmpi slt, %add3A_112, %lt3A_113 : i32
        %convert_element_type3A_115 = arith.extui %lt3A_114 : i1 to i32
        %cond3A_116 = arith.constant 0 : i32
        %cond3A_117 = arith.cmpi ne, %convert_element_type3A_115, %cond3A_116 : i32
        scf.if %cond3A_117 {
          %ge3A = arith.constant 2 : i32
          %ge3A_139 = arith.cmpi sge, %add3A_98, %ge3A : i32
          %convert_element_type3A_140 = arith.extui %ge3A_139 : i1 to i32
          %cond3A_141 = arith.constant 0 : i32
          %cond3A_142 = arith.cmpi ne, %convert_element_type3A_140, %cond3A_141 : i32
          scf.if %cond3A_142 {
            %dma_wait3A_151 = arith.constant 0 : i32
            %dma_wait3A_152 = arith.constant 0 : i32
            %dma_wait3A_153 = tpu.memref_slice %arg14[%dma_wait3A_151, %dma_wait3A_152] : memref<148x128xi32, #tpu.memory_space<vmem>> -> memref<1x128xi32, #tpu.memory_space<vmem>>
            %dma_wait3A_154 = tpu.memref_squeeze %dma_wait3A_153 : memref<1x128xi32, #tpu.memory_space<vmem>> -> memref<128xi32, #tpu.memory_space<vmem>>
            %dma_wait3A_155 = arith.constant 0 : i32
            %dma_wait3A_156 = arith.constant 0 : i32
            %dma_wait3A_157 = tpu.memref_slice %arg11[%dma_wait3A_155, %dma_wait3A_156] : memref<10240x32xf32, #tpu.memory_space<vmem_shared>> -> memref<10240x32xf32, #tpu.memory_space<vmem_shared>>
            tpu.wait_indirect_dma semaphore(%arg23 : memref<!tpu.dma_semaphore, #tpu.memory_space<semaphore_mem>>) src(%arg15 : memref<128x32xf32, #tpu.memory_space<vmem>>) dst(%dma_wait3A_157 : memref<10240x32xf32, #tpu.memory_space<vmem_shared>>)
          } else {
          }
          %add3A_143 = arith.constant 2 : i32
          %add3A_144 = arith.addi %add3A_98, %add3A_143 : i32
          %dma_start3A_145 = arith.constant 0 : i32
          %dma_start3A_146 = tpu.memref_slice %arg13[%add3A_144, %dma_start3A_145] : memref<148x128xi32, #tpu.memory_space<vmem>> -> memref<1x128xi32, #tpu.memory_space<vmem>>
          %dma_start3A_147 = tpu.memref_squeeze %dma_start3A_146 : memref<1x128xi32, #tpu.memory_space<vmem>> -> memref<128xi32, #tpu.memory_space<vmem>>
          %dma_start3A_148 = arith.constant 0 : i32
          %dma_start3A_149 = arith.constant 0 : i32
          %dma_start3A_150 = tpu.memref_slice %arg12[%dma_start3A_148, %dma_start3A_149] : memref<10240x32xf32, #tpu.memory_space<vmem_shared>> -> memref<10240x32xf32, #tpu.memory_space<vmem_shared>>
          tpu.enqueue_indirect_dma source(%dma_start3A_150 : memref<10240x32xf32, #tpu.memory_space<vmem_shared>>) target(%arg15 : memref<128x32xf32, #tpu.memory_space<vmem>>) offsets(%dma_start3A_147 : memref<128xi32, #tpu.memory_space<vmem>>) semaphore(%arg19 : memref<!tpu.dma_semaphore, #tpu.memory_space<semaphore_mem>>)
        } else {
        }
        %add3A_118 = arith.constant 3 : i32
        %add3A_119 = arith.addi %mul3A_56, %add3A_118 : i32
        %dma_wait3A_120 = arith.constant 0 : i32
        %dma_wait3A_121 = tpu.memref_slice %arg13[%add3A_119, %dma_wait3A_120] : memref<148x128xi32, #tpu.memory_space<vmem>> -> memref<1x128xi32, #tpu.memory_space<vmem>>
        %dma_wait3A_122 = tpu.memref_squeeze %dma_wait3A_121 : memref<1x128xi32, #tpu.memory_space<vmem>> -> memref<128xi32, #tpu.memory_space<vmem>>
        %dma_wait3A_123 = arith.constant 0 : i32
        %dma_wait3A_124 = arith.constant 0 : i32
        %dma_wait3A_125 = tpu.memref_slice %arg12[%dma_wait3A_123, %dma_wait3A_124] : memref<10240x32xf32, #tpu.memory_space<vmem_shared>> -> memref<10240x32xf32, #tpu.memory_space<vmem_shared>>
        tpu.wait_indirect_dma semaphore(%arg22 : memref<!tpu.dma_semaphore, #tpu.memory_space<semaphore_mem>>) src(%dma_wait3A_125 : memref<10240x32xf32, #tpu.memory_space<vmem_shared>>) dst(%arg18 : memref<128x32xf32, #tpu.memory_space<vmem>>)
        %dma_start3A_126 = arith.constant 0 : i32
        %dma_start3A_127 = tpu.memref_slice %arg14[%add3A_119, %dma_start3A_126] : memref<148x128xi32, #tpu.memory_space<vmem>> -> memref<1x128xi32, #tpu.memory_space<vmem>>
        %dma_start3A_128 = tpu.memref_squeeze %dma_start3A_127 : memref<1x128xi32, #tpu.memory_space<vmem>> -> memref<128xi32, #tpu.memory_space<vmem>>
        %dma_start3A_129 = arith.constant 0 : i32
        %dma_start3A_130 = arith.constant 0 : i32
        %dma_start3A_131 = tpu.memref_slice %arg11[%dma_start3A_129, %dma_start3A_130] : memref<10240x32xf32, #tpu.memory_space<vmem_shared>> -> memref<10240x32xf32, #tpu.memory_space<vmem_shared>>
        tpu.enqueue_indirect_dma source(%arg18 : memref<128x32xf32, #tpu.memory_space<vmem>>) target(%dma_start3A_131 : memref<10240x32xf32, #tpu.memory_space<vmem_shared>>) offsets(%dma_start3A_128 : memref<128xi32, #tpu.memory_space<vmem>>) semaphore(%arg26 : memref<!tpu.dma_semaphore, #tpu.memory_space<semaphore_mem>>) {add = true}
        %add3A_132 = arith.constant 2 : i32
        %add3A_133 = arith.addi %add3A_119, %add3A_132 : i32
        %lt3A_134 = arith.constant 148 : i32
        %lt3A_135 = arith.cmpi slt, %add3A_133, %lt3A_134 : i32
        %convert_element_type3A_136 = arith.extui %lt3A_135 : i1 to i32
        %cond3A_137 = arith.constant 0 : i32
        %cond3A_138 = arith.cmpi ne, %convert_element_type3A_136, %cond3A_137 : i32
        scf.if %cond3A_138 {
          %ge3A = arith.constant 2 : i32
          %ge3A_139 = arith.cmpi sge, %add3A_119, %ge3A : i32
          %convert_element_type3A_140 = arith.extui %ge3A_139 : i1 to i32
          %cond3A_141 = arith.constant 0 : i32
          %cond3A_142 = arith.cmpi ne, %convert_element_type3A_140, %cond3A_141 : i32
          scf.if %cond3A_142 {
            %dma_wait3A_151 = arith.constant 0 : i32
            %dma_wait3A_152 = arith.constant 0 : i32
            %dma_wait3A_153 = tpu.memref_slice %arg14[%dma_wait3A_151, %dma_wait3A_152] : memref<148x128xi32, #tpu.memory_space<vmem>> -> memref<1x128xi32, #tpu.memory_space<vmem>>
            %dma_wait3A_154 = tpu.memref_squeeze %dma_wait3A_153 : memref<1x128xi32, #tpu.memory_space<vmem>> -> memref<128xi32, #tpu.memory_space<vmem>>
            %dma_wait3A_155 = arith.constant 0 : i32
            %dma_wait3A_156 = arith.constant 0 : i32
            %dma_wait3A_157 = tpu.memref_slice %arg11[%dma_wait3A_155, %dma_wait3A_156] : memref<10240x32xf32, #tpu.memory_space<vmem_shared>> -> memref<10240x32xf32, #tpu.memory_space<vmem_shared>>
            tpu.wait_indirect_dma semaphore(%arg24 : memref<!tpu.dma_semaphore, #tpu.memory_space<semaphore_mem>>) src(%arg16 : memref<128x32xf32, #tpu.memory_space<vmem>>) dst(%dma_wait3A_157 : memref<10240x32xf32, #tpu.memory_space<vmem_shared>>)
          } else {
          }
          %add3A_143 = arith.constant 2 : i32
          %add3A_144 = arith.addi %add3A_119, %add3A_143 : i32
          %dma_start3A_145 = arith.constant 0 : i32
          %dma_start3A_146 = tpu.memref_slice %arg13[%add3A_144, %dma_start3A_145] : memref<148x128xi32, #tpu.memory_space<vmem>> -> memref<1x128xi32, #tpu.memory_space<vmem>>
          %dma_start3A_147 = tpu.memref_squeeze %dma_start3A_146 : memref<1x128xi32, #tpu.memory_space<vmem>> -> memref<128xi32, #tpu.memory_space<vmem>>
          %dma_start3A_148 = arith.constant 0 : i32
          %dma_start3A_149 = arith.constant 0 : i32
          %dma_start3A_150 = tpu.memref_slice %arg12[%dma_start3A_148, %dma_start3A_149] : memref<10240x32xf32, #tpu.memory_space<vmem_shared>> -> memref<10240x32xf32, #tpu.memory_space<vmem_shared>>
          tpu.enqueue_indirect_dma source(%dma_start3A_150 : memref<10240x32xf32, #tpu.memory_space<vmem_shared>>) target(%arg16 : memref<128x32xf32, #tpu.memory_space<vmem>>) offsets(%dma_start3A_147 : memref<128xi32, #tpu.memory_space<vmem>>) semaphore(%arg20 : memref<!tpu.dma_semaphore, #tpu.memory_space<semaphore_mem>>)
        } else {
        }
      }
      %scan3A_25 = arith.constant 37 : i32
      %dma_wait3A = arith.constant 0 : i32
      %dma_wait3A_26 = arith.constant 0 : i32
      %dma_wait3A_27 = tpu.memref_slice %arg14[%dma_wait3A, %dma_wait3A_26] : memref<148x128xi32, #tpu.memory_space<vmem>> -> memref<1x128xi32, #tpu.memory_space<vmem>>
      %dma_wait3A_28 = tpu.memref_squeeze %dma_wait3A_27 : memref<1x128xi32, #tpu.memory_space<vmem>> -> memref<128xi32, #tpu.memory_space<vmem>>
      %dma_wait3A_29 = arith.constant 0 : i32
      %dma_wait3A_30 = arith.constant 0 : i32
      %dma_wait3A_31 = tpu.memref_slice %arg11[%dma_wait3A_29, %dma_wait3A_30] : memref<10240x32xf32, #tpu.memory_space<vmem_shared>> -> memref<10240x32xf32, #tpu.memory_space<vmem_shared>>
      tpu.wait_indirect_dma semaphore(%arg23 : memref<!tpu.dma_semaphore, #tpu.memory_space<semaphore_mem>>) src(%arg15 : memref<128x32xf32, #tpu.memory_space<vmem>>) dst(%dma_wait3A_31 : memref<10240x32xf32, #tpu.memory_space<vmem_shared>>)
      %dma_wait3A_32 = arith.constant 0 : i32
      %dma_wait3A_33 = arith.constant 0 : i32
      %dma_wait3A_34 = tpu.memref_slice %arg14[%dma_wait3A_32, %dma_wait3A_33] : memref<148x128xi32, #tpu.memory_space<vmem>> -> memref<1x128xi32, #tpu.memory_space<vmem>>
      %dma_wait3A_35 = tpu.memref_squeeze %dma_wait3A_34 : memref<1x128xi32, #tpu.memory_space<vmem>> -> memref<128xi32, #tpu.memory_space<vmem>>
      %dma_wait3A_36 = arith.constant 0 : i32
      %dma_wait3A_37 = arith.constant 0 : i32
      %dma_wait3A_38 = tpu.memref_slice %arg11[%dma_wait3A_36, %dma_wait3A_37] : memref<10240x32xf32, #tpu.memory_space<vmem_shared>> -> memref<10240x32xf32, #tpu.memory_space<vmem_shared>>
      tpu.wait_indirect_dma semaphore(%arg24 : memref<!tpu.dma_semaphore, #tpu.memory_space<semaphore_mem>>) src(%arg16 : memref<128x32xf32, #tpu.memory_space<vmem>>) dst(%dma_wait3A_38 : memref<10240x32xf32, #tpu.memory_space<vmem_shared>>)
      %dma_wait3A_39 = arith.constant 0 : i32
      %dma_wait3A_40 = arith.constant 0 : i32
      %dma_wait3A_41 = tpu.memref_slice %arg14[%dma_wait3A_39, %dma_wait3A_40] : memref<148x128xi32, #tpu.memory_space<vmem>> -> memref<1x128xi32, #tpu.memory_space<vmem>>
      %dma_wait3A_42 = tpu.memref_squeeze %dma_wait3A_41 : memref<1x128xi32, #tpu.memory_space<vmem>> -> memref<128xi32, #tpu.memory_space<vmem>>
      %dma_wait3A_43 = arith.constant 0 : i32
      %dma_wait3A_44 = arith.constant 0 : i32
      %dma_wait3A_45 = tpu.memref_slice %arg11[%dma_wait3A_43, %dma_wait3A_44] : memref<10240x32xf32, #tpu.memory_space<vmem_shared>> -> memref<10240x32xf32, #tpu.memory_space<vmem_shared>>
      tpu.wait_indirect_dma semaphore(%arg25 : memref<!tpu.dma_semaphore, #tpu.memory_space<semaphore_mem>>) src(%arg17 : memref<128x32xf32, #tpu.memory_space<vmem>>) dst(%dma_wait3A_45 : memref<10240x32xf32, #tpu.memory_space<vmem_shared>>)
      %dma_wait3A_46 = arith.constant 0 : i32
      %dma_wait3A_47 = arith.constant 0 : i32
      %dma_wait3A_48 = tpu.memref_slice %arg14[%dma_wait3A_46, %dma_wait3A_47] : memref<148x128xi32, #tpu.memory_space<vmem>> -> memref<1x128xi32, #tpu.memory_space<vmem>>
      %dma_wait3A_49 = tpu.memref_squeeze %dma_wait3A_48 : memref<1x128xi32, #tpu.memory_space<vmem>> -> memref<128xi32, #tpu.memory_space<vmem>>
      %dma_wait3A_50 = arith.constant 0 : i32
      %dma_wait3A_51 = arith.constant 0 : i32
      %dma_wait3A_52 = tpu.memref_slice %arg11[%dma_wait3A_50, %dma_wait3A_51] : memref<10240x32xf32, #tpu.memory_space<vmem_shared>> -> memref<10240x32xf32, #tpu.memory_space<vmem_shared>>
      tpu.wait_indirect_dma semaphore(%arg26 : memref<!tpu.dma_semaphore, #tpu.memory_space<semaphore_mem>>) src(%arg18 : memref<128x32xf32, #tpu.memory_space<vmem>>) dst(%dma_wait3A_52 : memref<10240x32xf32, #tpu.memory_space<vmem_shared>>)
      %barrier3A_53 = arith.constant 0 : index
      tpu.barrier barrier_id(%barrier3A_53)
      "tpu.region"() ({
        %run_scoped3A = tpu.sem_alloc : memref<!tpu.dma_semaphore, #tpu.memory_space<semaphore_mem>>
        %dma_start3A_54 = arith.constant 0 : i32
        %dma_start3A_55 = tpu.memref_slice %arg10[%mul3A_0, %dma_start3A_54] : memref<10240x32xf32, #tpu.memory_space<hbm>> -> memref<640x32xf32, #tpu.memory_space<hbm>>
        %dma_start3A_56 = arith.constant 0 : i32
        %dma_start3A_57 = tpu.memref_slice %arg11[%mul3A_0, %dma_start3A_56] : memref<10240x32xf32, #tpu.memory_space<vmem_shared>> -> memref<640x32xf32, #tpu.memory_space<vmem_shared>>
        tpu.enqueue_dma source(%dma_start3A_57 : memref<640x32xf32, #tpu.memory_space<vmem_shared>>) target(%dma_start3A_55 : memref<640x32xf32, #tpu.memory_space<hbm>>) target_semaphore(%run_scoped3A : memref<!tpu.dma_semaphore, #tpu.memory_space<semaphore_mem>>)
        %dma_wait3A_58 = arith.constant 0 : i32
        %dma_wait3A_59 = tpu.memref_slice %arg10[%mul3A_0, %dma_wait3A_58] : memref<10240x32xf32, #tpu.memory_space<hbm>> -> memref<640x32xf32, #tpu.memory_space<hbm>>
        %dma_wait3A_60 = arith.constant 0 : i32
        %dma_wait3A_61 = tpu.memref_slice %arg11[%mul3A_0, %dma_wait3A_60] : memref<10240x32xf32, #tpu.memory_space<vmem_shared>> -> memref<640x32xf32, #tpu.memory_space<vmem_shared>>
        tpu.wait_dma2 semaphore(%run_scoped3A : memref<!tpu.dma_semaphore, #tpu.memory_space<semaphore_mem>>) src(%dma_wait3A_61 : memref<640x32xf32, #tpu.memory_space<vmem_shared>>) dst(%dma_wait3A_59 : memref<640x32xf32, #tpu.memory_space<hbm>>)
        tpu.yield
      }) : () -> ()
    } else {
    }
    return
  }
}

module attributes {stable_mosaic.version = 14 : i64} {
  func.func @_proj_body(%arg0: i32, %arg1: memref<2000x128xf32, #tpu.memory_space<vmem>>, %arg2: memref<2000x128xf32, #tpu.memory_space<vmem>>, %arg3: memref<128x64xf32, #tpu.memory_space<vmem>>, %arg4: memref<128x64xf32, #tpu.memory_space<vmem>>, %arg5: memref<1x64xf32, #tpu.memory_space<vmem>>, %arg6: memref<1x64xf32, #tpu.memory_space<vmem>>, %arg7: memref<2000x64xf32, #tpu.memory_space<vmem>>, %arg8: memref<2000x64xf32, #tpu.memory_space<vmem>>) attributes {dimension_semantics = [#tpu.dimension_semantics<arbitrary>], iteration_bounds = array<i64: 5>, scalar_prefetch = 0 : i64, scratch_operands = 0 : i64, tpu.core_type = #tpu.core_type<tc>, window_params = [{transform_indices = @transform_0, window_bounds = array<i64: 2000, 128>}, {transform_indices = @transform_1, window_bounds = array<i64: 2000, 128>}, {pipeline_mode = #tpu.pipeline_mode<synchronous>, transform_indices = @transform_2, window_bounds = array<i64: 128, 64>}, {pipeline_mode = #tpu.pipeline_mode<synchronous>, transform_indices = @transform_3, window_bounds = array<i64: 128, 64>}, {pipeline_mode = #tpu.pipeline_mode<synchronous>, transform_indices = @transform_4, window_bounds = array<i64: 1, 64>}, {pipeline_mode = #tpu.pipeline_mode<synchronous>, transform_indices = @transform_5, window_bounds = array<i64: 1, 64>}, {transform_indices = @transform_6, window_bounds = array<i64: 2000, 64>}, {transform_indices = @transform_7, window_bounds = array<i64: 2000, 64>}]} {
    %get3A = arith.constant 0 : index
    %get3A_0 = arith.constant 0 : index
    %get3A_1 = vector.load %arg1[%get3A, %get3A_0] : memref<2000x128xf32, #tpu.memory_space<vmem>>, vector<2000x128xf32>
    %get3A_2 = arith.constant 0 : index
    %get3A_3 = arith.constant 0 : index
    %get3A_4 = vector.load %arg3[%get3A_2, %get3A_3] : memref<128x64xf32, #tpu.memory_space<vmem>>, vector<128x64xf32>
    %dot_general3A = arith.constant dense<0.000000e+00> : vector<2000x64xf32>
    %dot_general3A_5 = tpu.matmul %get3A_1, %get3A_4, %dot_general3A {dimension_numbers = #tpu.dot_dimension_numbers<[1], [0], [0], [1], [0, 0, 1, 1], [], []>, transpose_lhs_hint = false} : vector<2000x128xf32>, vector<128x64xf32>, vector<2000x64xf32> -> vector<2000x64xf32>
    %get3A_6 = arith.constant 0 : index
    %get3A_7 = arith.constant 0 : index
    %get3A_8 = vector.load %arg5[%get3A_6, %get3A_7] : memref<1x64xf32, #tpu.memory_space<vmem>>, vector<1x64xf32>
    %add3A = vector.broadcast %get3A_8 : vector<1x64xf32> to vector<2000x64xf32>
    %add3A_9 = arith.addf %dot_general3A_5, %add3A : vector<2000x64xf32>
    %max3A = arith.constant 0.000000e+00 : f32
    %max3A_10 = vector.broadcast %max3A : f32 to vector<2000x64xf32>
    %max3A_11 = arith.maximumf %add3A_9, %max3A_10 : vector<2000x64xf32>
    %swap3A = arith.constant 0 : index
    %swap3A_12 = arith.constant 0 : index
    %swap3A_13 = vector.load %arg7[%swap3A, %swap3A_12] : memref<2000x64xf32, #tpu.memory_space<vmem>>, vector<2000x64xf32>
    tpu.vector_store %arg7[%swap3A, %swap3A_12], %max3A_11 {strides = array<i32>} : memref<2000x64xf32, #tpu.memory_space<vmem>>, vector<2000x64xf32>,
    %get3A_14 = arith.constant 0 : index
    %get3A_15 = arith.constant 0 : index
    %get3A_16 = vector.load %arg2[%get3A_14, %get3A_15] : memref<2000x128xf32, #tpu.memory_space<vmem>>, vector<2000x128xf32>
    %get3A_17 = arith.constant 0 : index
    %get3A_18 = arith.constant 0 : index
    %get3A_19 = vector.load %arg4[%get3A_17, %get3A_18] : memref<128x64xf32, #tpu.memory_space<vmem>>, vector<128x64xf32>
    %dot_general3A_20 = arith.constant dense<0.000000e+00> : vector<2000x64xf32>
    %dot_general3A_21 = tpu.matmul %get3A_16, %get3A_19, %dot_general3A_20 {dimension_numbers = #tpu.dot_dimension_numbers<[1], [0], [0], [1], [0, 0, 1, 1], [], []>, transpose_lhs_hint = false} : vector<2000x128xf32>, vector<128x64xf32>, vector<2000x64xf32> -> vector<2000x64xf32>
    %get3A_22 = arith.constant 0 : index
    %get3A_23 = arith.constant 0 : index
    %get3A_24 = vector.load %arg6[%get3A_22, %get3A_23] : memref<1x64xf32, #tpu.memory_space<vmem>>, vector<1x64xf32>
    %add3A_25 = vector.broadcast %get3A_24 : vector<1x64xf32> to vector<2000x64xf32>
    %add3A_26 = arith.addf %dot_general3A_21, %add3A_25 : vector<2000x64xf32>
    %max3A_27 = arith.constant 0.000000e+00 : f32
    %max3A_28 = vector.broadcast %max3A_27 : f32 to vector<2000x64xf32>
    %max3A_29 = arith.maximumf %add3A_26, %max3A_28 : vector<2000x64xf32>
    %swap3A_30 = arith.constant 0 : index
    %swap3A_31 = arith.constant 0 : index
    %swap3A_32 = vector.load %arg8[%swap3A_30, %swap3A_31] : memref<2000x64xf32, #tpu.memory_space<vmem>>, vector<2000x64xf32>
    tpu.vector_store %arg8[%swap3A_30, %swap3A_31], %max3A_29 {strides = array<i32>} : memref<2000x64xf32, #tpu.memory_space<vmem>>, vector<2000x64xf32>,
    return
  }
  func.func @transform_0(%arg0: i32) -> (i32, i32) {
    %c0_i32 = arith.constant 0 : i32
    %c0_i32_0 = arith.constant 0 : i32
    return %arg0, %c0_i32 : i32, i32
  }
  func.func @transform_1(%arg0: i32) -> (i32, i32) {
    %c0_i32 = arith.constant 0 : i32
    %c0_i32_0 = arith.constant 0 : i32
    return %arg0, %c0_i32 : i32, i32
  }
  func.func @transform_2(%arg0: i32) -> (i32, i32) {
    %c0_i32 = arith.constant 0 : i32
    %c0_i32_0 = arith.constant 0 : i32
    %c0_i32_1 = arith.constant 0 : i32
    return %c0_i32, %c0_i32_0 : i32, i32
  }
  func.func @transform_3(%arg0: i32) -> (i32, i32) {
    %c0_i32 = arith.constant 0 : i32
    %c0_i32_0 = arith.constant 0 : i32
    %c0_i32_1 = arith.constant 0 : i32
    return %c0_i32, %c0_i32_0 : i32, i32
  }
  func.func @transform_4(%arg0: i32) -> (i32, i32) {
    %c0_i32 = arith.constant 0 : i32
    %c0_i32_0 = arith.constant 0 : i32
    %c0_i32_1 = arith.constant 0 : i32
    return %c0_i32, %c0_i32_0 : i32, i32
  }
  func.func @transform_5(%arg0: i32) -> (i32, i32) {
    %c0_i32 = arith.constant 0 : i32
    %c0_i32_0 = arith.constant 0 : i32
    %c0_i32_1 = arith.constant 0 : i32
    return %c0_i32, %c0_i32_0 : i32, i32
  }
  func.func @transform_6(%arg0: i32) -> (i32, i32) {
    %c0_i32 = arith.constant 0 : i32
    %c0_i32_0 = arith.constant 0 : i32
    return %arg0, %c0_i32 : i32, i32
  }
  func.func @transform_7(%arg0: i32) -> (i32, i32) {
    %c0_i32 = arith.constant 0 : i32
    %c0_i32_0 = arith.constant 0 : i32
    return %arg0, %c0_i32 : i32, i32
  }
}

module attributes {stable_mosaic.version = 14 : i64} {
  func.func @_combine1_body(%arg0: i32, %arg1: memref<2000x64xf32, #tpu.memory_space<vmem>>, %arg2: memref<2000x16xf32, #tpu.memory_space<vmem>>, %arg3: memref<2000x64xf32, #tpu.memory_space<vmem>>, %arg4: memref<64x64xf32, #tpu.memory_space<vmem>>, %arg5: memref<64x64xf32, #tpu.memory_space<vmem>>, %arg6: memref<1x64xf32, #tpu.memory_space<vmem>>, %arg7: memref<1x64xf32, #tpu.memory_space<vmem>>, %arg8: memref<1x64xf32, #tpu.memory_space<vmem>>, %arg9: memref<64x32xf32, #tpu.memory_space<vmem>>, %arg10: memref<2000x64xf32, #tpu.memory_space<vmem>>, %arg11: memref<2000x16xf32, #tpu.memory_space<vmem>>, %arg12: memref<2000x64xf32, #tpu.memory_space<vmem>>, %arg13: memref<64x64xf32, #tpu.memory_space<vmem>>, %arg14: memref<64x64xf32, #tpu.memory_space<vmem>>, %arg15: memref<1x64xf32, #tpu.memory_space<vmem>>, %arg16: memref<1x64xf32, #tpu.memory_space<vmem>>, %arg17: memref<1x64xf32, #tpu.memory_space<vmem>>, %arg18: memref<64x32xf32, #tpu.memory_space<vmem>>, %arg19: memref<2000x64xf32, #tpu.memory_space<vmem>>, %arg20: memref<2000x32xf32, #tpu.memory_space<vmem>>, %arg21: memref<2000x64xf32, #tpu.memory_space<vmem>>, %arg22: memref<2000x32xf32, #tpu.memory_space<vmem>>) attributes {dimension_semantics = [#tpu.dimension_semantics<arbitrary>], iteration_bounds = array<i64: 5>, scalar_prefetch = 0 : i64, scratch_operands = 0 : i64, tpu.core_type = #tpu.core_type<tc>, window_params = [{transform_indices = @transform_0, window_bounds = array<i64: 2000, 64>}, {transform_indices = @transform_1, window_bounds = array<i64: 2000, 16>}, {transform_indices = @transform_2, window_bounds = array<i64: 2000, 64>}, {pipeline_mode = #tpu.pipeline_mode<synchronous>, transform_indices = @transform_3, window_bounds = array<i64: 64, 64>}, {pipeline_mode = #tpu.pipeline_mode<synchronous>, transform_indices = @transform_4, window_bounds = array<i64: 64, 64>}, {pipeline_mode = #tpu.pipeline_mode<synchronous>, transform_indices = @transform_5, window_bounds = array<i64: 1, 64>}, {pipeline_mode = #tpu.pipeline_mode<synchronous>, transform_indices = @transform_6, window_bounds = array<i64: 1, 64>}, {pipeline_mode = #tpu.pipeline_mode<synchronous>, transform_indices = @transform_7, window_bounds = array<i64: 1, 64>}, {pipeline_mode = #tpu.pipeline_mode<synchronous>, transform_indices = @transform_8, window_bounds = array<i64: 64, 32>}, {transform_indices = @transform_9, window_bounds = array<i64: 2000, 64>}, {transform_indices = @transform_10, window_bounds = array<i64: 2000, 16>}, {transform_indices = @transform_11, window_bounds = array<i64: 2000, 64>}, {pipeline_mode = #tpu.pipeline_mode<synchronous>, transform_indices = @transform_12, window_bounds = array<i64: 64, 64>}, {pipeline_mode = #tpu.pipeline_mode<synchronous>, transform_indices = @transform_13, window_bounds = array<i64: 64, 64>}, {pipeline_mode = #tpu.pipeline_mode<synchronous>, transform_indices = @transform_14, window_bounds = array<i64: 1, 64>}, {pipeline_mode = #tpu.pipeline_mode<synchronous>, transform_indices = @transform_15, window_bounds = array<i64: 1, 64>}, {pipeline_mode = #tpu.pipeline_mode<synchronous>, transform_indices = @transform_16, window_bounds = array<i64: 1, 64>}, {pipeline_mode = #tpu.pipeline_mode<synchronous>, transform_indices = @transform_17, window_bounds = array<i64: 64, 32>}, {transform_indices = @transform_18, window_bounds = array<i64: 2000, 64>}, {transform_indices = @transform_19, window_bounds = array<i64: 2000, 32>}, {transform_indices = @transform_20, window_bounds = array<i64: 2000, 64>}, {transform_indices = @transform_21, window_bounds = array<i64: 2000, 32>}]} {
    %get3A = arith.constant 0 : index
    %get3A_0 = arith.constant 0 : index
    %get3A_1 = vector.load %arg2[%get3A, %get3A_0] : memref<2000x16xf32, #tpu.memory_space<vmem>>, vector<2000x16xf32>
    %slice3A = vector.extract_strided_slice %get3A_1 {offsets = [0, 0], sizes = [2000, 1], strides = [1, 1]} : vector<2000x16xf32> to vector<2000x1xf32>
    %get3A_2 = arith.constant 0 : index
    %get3A_3 = arith.constant 0 : index
    %get3A_4 = vector.load %arg1[%get3A_2, %get3A_3] : memref<2000x64xf32, #tpu.memory_space<vmem>>, vector<2000x64xf32>
    %max3A = arith.constant 1.000000e+00 : f32
    %max3A_5 = vector.broadcast %max3A : f32 to vector<2000x1xf32>
    %max3A_6 = arith.maximumf %slice3A, %max3A_5 : vector<2000x1xf32>
    %div3A = vector.broadcast %max3A_6 : vector<2000x1xf32> to vector<2000x64xf32>
    %div3A_7 = arith.divf %get3A_4, %div3A : vector<2000x64xf32>
    %get3A_8 = arith.constant 0 : index
    %get3A_9 = arith.constant 0 : index
    %get3A_10 = vector.load %arg4[%get3A_8, %get3A_9] : memref<64x64xf32, #tpu.memory_space<vmem>>, vector<64x64xf32>
    %dot_general3A = arith.constant dense<0.000000e+00> : vector<2000x64xf32>
    %dot_general3A_11 = tpu.matmul %div3A_7, %get3A_10, %dot_general3A {dimension_numbers = #tpu.dot_dimension_numbers<[1], [0], [0], [1], [0, 0, 1, 1], [], []>, transpose_lhs_hint = false} : vector<2000x64xf32>, vector<64x64xf32>, vector<2000x64xf32> -> vector<2000x64xf32>
    %get3A_12 = arith.constant 0 : index
    %get3A_13 = arith.constant 0 : index
    %get3A_14 = vector.load %arg3[%get3A_12, %get3A_13] : memref<2000x64xf32, #tpu.memory_space<vmem>>, vector<2000x64xf32>
    %get3A_15 = arith.constant 0 : index
    %get3A_16 = arith.constant 0 : index
    %get3A_17 = vector.load %arg5[%get3A_15, %get3A_16] : memref<64x64xf32, #tpu.memory_space<vmem>>, vector<64x64xf32>
    %dot_general3A_18 = arith.constant dense<0.000000e+00> : vector<2000x64xf32>
    %dot_general3A_19 = tpu.matmul %get3A_14, %get3A_17, %dot_general3A_18 {dimension_numbers = #tpu.dot_dimension_numbers<[1], [0], [0], [1], [0, 0, 1, 1], [], []>, transpose_lhs_hint = false} : vector<2000x64xf32>, vector<64x64xf32>, vector<2000x64xf32> -> vector<2000x64xf32>
    %add3A = arith.addf %dot_general3A_11, %dot_general3A_19 : vector<2000x64xf32>
    %get3A_20 = arith.constant 0 : index
    %get3A_21 = arith.constant 0 : index
    %get3A_22 = vector.load %arg6[%get3A_20, %get3A_21] : memref<1x64xf32, #tpu.memory_space<vmem>>, vector<1x64xf32>
    %add3A_23 = vector.broadcast %get3A_22 : vector<1x64xf32> to vector<2000x64xf32>
    %add3A_24 = arith.addf %add3A, %add3A_23 : vector<2000x64xf32>
    %reduce_sum3A = arith.constant dense<0.000000e+00> : vector<2000xf32>
    %reduce_sum3A_25 = vector.multi_reduction <add>, %add3A_24, %reduce_sum3A [1] : vector<2000x64xf32> to vector<2000xf32>
    %broadcast_in_dim3A = vector.shape_cast %reduce_sum3A_25 : vector<2000xf32> to vector<2000x1xf32>
    %div3A_26 = arith.constant 6.400000e+01 : f32
    %div3A_27 = vector.broadcast %div3A_26 : f32 to vector<2000x1xf32>
    %div3A_28 = arith.divf %broadcast_in_dim3A, %div3A_27 : vector<2000x1xf32>
    %sub3A = vector.broadcast %div3A_28 : vector<2000x1xf32> to vector<2000x64xf32>
    %sub3A_29 = arith.subf %add3A_24, %sub3A : vector<2000x64xf32>
    %sub3A_30 = vector.broadcast %div3A_28 : vector<2000x1xf32> to vector<2000x64xf32>
    %sub3A_31 = arith.subf %add3A_24, %sub3A_30 : vector<2000x64xf32>
    %mul3A = arith.mulf %sub3A_29, %sub3A_31 : vector<2000x64xf32>
    %reduce_sum3A_32 = arith.constant dense<0.000000e+00> : vector<2000xf32>
    %reduce_sum3A_33 = vector.multi_reduction <add>, %mul3A, %reduce_sum3A_32 [1] : vector<2000x64xf32> to vector<2000xf32>
    %broadcast_in_dim3A_34 = vector.shape_cast %reduce_sum3A_33 : vector<2000xf32> to vector<2000x1xf32>
    %div3A_35 = arith.constant 6.400000e+01 : f32
    %div3A_36 = vector.broadcast %div3A_35 : f32 to vector<2000x1xf32>
    %div3A_37 = arith.divf %broadcast_in_dim3A_34, %div3A_36 : vector<2000x1xf32>
    %sub3A_38 = vector.broadcast %div3A_28 : vector<2000x1xf32> to vector<2000x64xf32>
    %sub3A_39 = arith.subf %add3A_24, %sub3A_38 : vector<2000x64xf32>
    %add3A_40 = arith.constant 9.99999974E-6 : f32
    %add3A_41 = vector.broadcast %add3A_40 : f32 to vector<2000x1xf32>
    %add3A_42 = arith.addf %div3A_37, %add3A_41 : vector<2000x1xf32>
    %rsqrt3A = math.rsqrt %add3A_42 : vector<2000x1xf32>
    %mul3A_43 = vector.broadcast %rsqrt3A : vector<2000x1xf32> to vector<2000x64xf32>
    %mul3A_44 = arith.mulf %sub3A_39, %mul3A_43 : vector<2000x64xf32>
    %get3A_45 = arith.constant 0 : index
    %get3A_46 = arith.constant 0 : index
    %get3A_47 = vector.load %arg7[%get3A_45, %get3A_46] : memref<1x64xf32, #tpu.memory_space<vmem>>, vector<1x64xf32>
    %mul3A_48 = vector.broadcast %get3A_47 : vector<1x64xf32> to vector<2000x64xf32>
    %mul3A_49 = arith.mulf %mul3A_44, %mul3A_48 : vector<2000x64xf32>
    %get3A_50 = arith.constant 0 : index
    %get3A_51 = arith.constant 0 : index
    %get3A_52 = vector.load %arg8[%get3A_50, %get3A_51] : memref<1x64xf32, #tpu.memory_space<vmem>>, vector<1x64xf32>
    %add3A_53 = vector.broadcast %get3A_52 : vector<1x64xf32> to vector<2000x64xf32>
    %add3A_54 = arith.addf %mul3A_49, %add3A_53 : vector<2000x64xf32>
    %max3A_55 = arith.constant 0.000000e+00 : f32
    %max3A_56 = vector.broadcast %max3A_55 : f32 to vector<2000x64xf32>
    %max3A_57 = arith.maximumf %add3A_54, %max3A_56 : vector<2000x64xf32>
    %swap3A = arith.constant 0 : index
    %swap3A_58 = arith.constant 0 : index
    %swap3A_59 = vector.load %arg19[%swap3A, %swap3A_58] : memref<2000x64xf32, #tpu.memory_space<vmem>>, vector<2000x64xf32>
    tpu.vector_store %arg19[%swap3A, %swap3A_58], %max3A_57 {strides = array<i32>} : memref<2000x64xf32, #tpu.memory_space<vmem>>, vector<2000x64xf32>,
    %get3A_60 = arith.constant 0 : index
    %get3A_61 = arith.constant 0 : index
    %get3A_62 = vector.load %arg9[%get3A_60, %get3A_61] : memref<64x32xf32, #tpu.memory_space<vmem>>, vector<64x32xf32>
    %dot_general3A_63 = arith.constant dense<0.000000e+00> : vector<2000x32xf32>
    %dot_general3A_64 = tpu.matmul %max3A_57, %get3A_62, %dot_general3A_63 {dimension_numbers = #tpu.dot_dimension_numbers<[1], [0], [0], [1], [0, 0, 1, 1], [], []>, transpose_lhs_hint = false} : vector<2000x64xf32>, vector<64x32xf32>, vector<2000x32xf32> -> vector<2000x32xf32>
    %swap3A_65 = arith.constant 0 : index
    %swap3A_66 = arith.constant 0 : index
    %swap3A_67 = vector.load %arg20[%swap3A_65, %swap3A_66] : memref<2000x32xf32, #tpu.memory_space<vmem>>, vector<2000x32xf32>
    tpu.vector_store %arg20[%swap3A_65, %swap3A_66], %dot_general3A_64 {strides = array<i32>} : memref<2000x32xf32, #tpu.memory_space<vmem>>, vector<2000x32xf32>,
    %get3A_68 = arith.constant 0 : index
    %get3A_69 = arith.constant 0 : index
    %get3A_70 = vector.load %arg11[%get3A_68, %get3A_69] : memref<2000x16xf32, #tpu.memory_space<vmem>>, vector<2000x16xf32>
    %slice3A_71 = vector.extract_strided_slice %get3A_70 {offsets = [0, 0], sizes = [2000, 1], strides = [1, 1]} : vector<2000x16xf32> to vector<2000x1xf32>
    %get3A_72 = arith.constant 0 : index
    %get3A_73 = arith.constant 0 : index
    %get3A_74 = vector.load %arg10[%get3A_72, %get3A_73] : memref<2000x64xf32, #tpu.memory_space<vmem>>, vector<2000x64xf32>
    %max3A_75 = arith.constant 1.000000e+00 : f32
    %max3A_76 = vector.broadcast %max3A_75 : f32 to vector<2000x1xf32>
    %max3A_77 = arith.maximumf %slice3A_71, %max3A_76 : vector<2000x1xf32>
    %div3A_78 = vector.broadcast %max3A_77 : vector<2000x1xf32> to vector<2000x64xf32>
    %div3A_79 = arith.divf %get3A_74, %div3A_78 : vector<2000x64xf32>
    %get3A_80 = arith.constant 0 : index
    %get3A_81 = arith.constant 0 : index
    %get3A_82 = vector.load %arg13[%get3A_80, %get3A_81] : memref<64x64xf32, #tpu.memory_space<vmem>>, vector<64x64xf32>
    %dot_general3A_83 = arith.constant dense<0.000000e+00> : vector<2000x64xf32>
    %dot_general3A_84 = tpu.matmul %div3A_79, %get3A_82, %dot_general3A_83 {dimension_numbers = #tpu.dot_dimension_numbers<[1], [0], [0], [1], [0, 0, 1, 1], [], []>, transpose_lhs_hint = false} : vector<2000x64xf32>, vector<64x64xf32>, vector<2000x64xf32> -> vector<2000x64xf32>
    %get3A_85 = arith.constant 0 : index
    %get3A_86 = arith.constant 0 : index
    %get3A_87 = vector.load %arg12[%get3A_85, %get3A_86] : memref<2000x64xf32, #tpu.memory_space<vmem>>, vector<2000x64xf32>
    %get3A_88 = arith.constant 0 : index
    %get3A_89 = arith.constant 0 : index
    %get3A_90 = vector.load %arg14[%get3A_88, %get3A_89] : memref<64x64xf32, #tpu.memory_space<vmem>>, vector<64x64xf32>
    %dot_general3A_91 = arith.constant dense<0.000000e+00> : vector<2000x64xf32>
    %dot_general3A_92 = tpu.matmul %get3A_87, %get3A_90, %dot_general3A_91 {dimension_numbers = #tpu.dot_dimension_numbers<[1], [0], [0], [1], [0, 0, 1, 1], [], []>, transpose_lhs_hint = false} : vector<2000x64xf32>, vector<64x64xf32>, vector<2000x64xf32> -> vector<2000x64xf32>
    %add3A_93 = arith.addf %dot_general3A_84, %dot_general3A_92 : vector<2000x64xf32>
    %get3A_94 = arith.constant 0 : index
    %get3A_95 = arith.constant 0 : index
    %get3A_96 = vector.load %arg15[%get3A_94, %get3A_95] : memref<1x64xf32, #tpu.memory_space<vmem>>, vector<1x64xf32>
    %add3A_97 = vector.broadcast %get3A_96 : vector<1x64xf32> to vector<2000x64xf32>
    %add3A_98 = arith.addf %add3A_93, %add3A_97 : vector<2000x64xf32>
    %reduce_sum3A_99 = arith.constant dense<0.000000e+00> : vector<2000xf32>
    %reduce_sum3A_100 = vector.multi_reduction <add>, %add3A_98, %reduce_sum3A_99 [1] : vector<2000x64xf32> to vector<2000xf32>
    %broadcast_in_dim3A_101 = vector.shape_cast %reduce_sum3A_100 : vector<2000xf32> to vector<2000x1xf32>
    %div3A_102 = arith.constant 6.400000e+01 : f32
    %div3A_103 = vector.broadcast %div3A_102 : f32 to vector<2000x1xf32>
    %div3A_104 = arith.divf %broadcast_in_dim3A_101, %div3A_103 : vector<2000x1xf32>
    %sub3A_105 = vector.broadcast %div3A_104 : vector<2000x1xf32> to vector<2000x64xf32>
    %sub3A_106 = arith.subf %add3A_98, %sub3A_105 : vector<2000x64xf32>
    %sub3A_107 = vector.broadcast %div3A_104 : vector<2000x1xf32> to vector<2000x64xf32>
    %sub3A_108 = arith.subf %add3A_98, %sub3A_107 : vector<2000x64xf32>
    %mul3A_109 = arith.mulf %sub3A_106, %sub3A_108 : vector<2000x64xf32>
    %reduce_sum3A_110 = arith.constant dense<0.000000e+00> : vector<2000xf32>
    %reduce_sum3A_111 = vector.multi_reduction <add>, %mul3A_109, %reduce_sum3A_110 [1] : vector<2000x64xf32> to vector<2000xf32>
    %broadcast_in_dim3A_112 = vector.shape_cast %reduce_sum3A_111 : vector<2000xf32> to vector<2000x1xf32>
    %div3A_113 = arith.constant 6.400000e+01 : f32
    %div3A_114 = vector.broadcast %div3A_113 : f32 to vector<2000x1xf32>
    %div3A_115 = arith.divf %broadcast_in_dim3A_112, %div3A_114 : vector<2000x1xf32>
    %sub3A_116 = vector.broadcast %div3A_104 : vector<2000x1xf32> to vector<2000x64xf32>
    %sub3A_117 = arith.subf %add3A_98, %sub3A_116 : vector<2000x64xf32>
    %add3A_118 = arith.constant 9.99999974E-6 : f32
    %add3A_119 = vector.broadcast %add3A_118 : f32 to vector<2000x1xf32>
    %add3A_120 = arith.addf %div3A_115, %add3A_119 : vector<2000x1xf32>
    %rsqrt3A_121 = math.rsqrt %add3A_120 : vector<2000x1xf32>
    %mul3A_122 = vector.broadcast %rsqrt3A_121 : vector<2000x1xf32> to vector<2000x64xf32>
    %mul3A_123 = arith.mulf %sub3A_117, %mul3A_122 : vector<2000x64xf32>
    %get3A_124 = arith.constant 0 : index
    %get3A_125 = arith.constant 0 : index
    %get3A_126 = vector.load %arg16[%get3A_124, %get3A_125] : memref<1x64xf32, #tpu.memory_space<vmem>>, vector<1x64xf32>
    %mul3A_127 = vector.broadcast %get3A_126 : vector<1x64xf32> to vector<2000x64xf32>
    %mul3A_128 = arith.mulf %mul3A_123, %mul3A_127 : vector<2000x64xf32>
    %get3A_129 = arith.constant 0 : index
    %get3A_130 = arith.constant 0 : index
    %get3A_131 = vector.load %arg17[%get3A_129, %get3A_130] : memref<1x64xf32, #tpu.memory_space<vmem>>, vector<1x64xf32>
    %add3A_132 = vector.broadcast %get3A_131 : vector<1x64xf32> to vector<2000x64xf32>
    %add3A_133 = arith.addf %mul3A_128, %add3A_132 : vector<2000x64xf32>
    %max3A_134 = arith.constant 0.000000e+00 : f32
    %max3A_135 = vector.broadcast %max3A_134 : f32 to vector<2000x64xf32>
    %max3A_136 = arith.maximumf %add3A_133, %max3A_135 : vector<2000x64xf32>
    %swap3A_137 = arith.constant 0 : index
    %swap3A_138 = arith.constant 0 : index
    %swap3A_139 = vector.load %arg21[%swap3A_137, %swap3A_138] : memref<2000x64xf32, #tpu.memory_space<vmem>>, vector<2000x64xf32>
    tpu.vector_store %arg21[%swap3A_137, %swap3A_138], %max3A_136 {strides = array<i32>} : memref<2000x64xf32, #tpu.memory_space<vmem>>, vector<2000x64xf32>,
    %get3A_140 = arith.constant 0 : index
    %get3A_141 = arith.constant 0 : index
    %get3A_142 = vector.load %arg18[%get3A_140, %get3A_141] : memref<64x32xf32, #tpu.memory_space<vmem>>, vector<64x32xf32>
    %dot_general3A_143 = arith.constant dense<0.000000e+00> : vector<2000x32xf32>
    %dot_general3A_144 = tpu.matmul %max3A_136, %get3A_142, %dot_general3A_143 {dimension_numbers = #tpu.dot_dimension_numbers<[1], [0], [0], [1], [0, 0, 1, 1], [], []>, transpose_lhs_hint = false} : vector<2000x64xf32>, vector<64x32xf32>, vector<2000x32xf32> -> vector<2000x32xf32>
    %swap3A_145 = arith.constant 0 : index
    %swap3A_146 = arith.constant 0 : index
    %swap3A_147 = vector.load %arg22[%swap3A_145, %swap3A_146] : memref<2000x32xf32, #tpu.memory_space<vmem>>, vector<2000x32xf32>
    tpu.vector_store %arg22[%swap3A_145, %swap3A_146], %dot_general3A_144 {strides = array<i32>} : memref<2000x32xf32, #tpu.memory_space<vmem>>, vector<2000x32xf32>,
    return
  }
  func.func @transform_0(%arg0: i32) -> (i32, i32) {
    %c0_i32 = arith.constant 0 : i32
    %c0_i32_0 = arith.constant 0 : i32
    return %arg0, %c0_i32 : i32, i32
  }
  func.func @transform_1(%arg0: i32) -> (i32, i32) {
    %c0_i32 = arith.constant 0 : i32
    %c0_i32_0 = arith.constant 0 : i32
    return %arg0, %c0_i32 : i32, i32
  }
  func.func @transform_2(%arg0: i32) -> (i32, i32) {
    %c0_i32 = arith.constant 0 : i32
    %c0_i32_0 = arith.constant 0 : i32
    return %arg0, %c0_i32 : i32, i32
  }
  func.func @transform_3(%arg0: i32) -> (i32, i32) {
    %c0_i32 = arith.constant 0 : i32
    %c0_i32_0 = arith.constant 0 : i32
    %c0_i32_1 = arith.constant 0 : i32
    return %c0_i32, %c0_i32_0 : i32, i32
  }
  func.func @transform_4(%arg0: i32) -> (i32, i32) {
    %c0_i32 = arith.constant 0 : i32
    %c0_i32_0 = arith.constant 0 : i32
    %c0_i32_1 = arith.constant 0 : i32
    return %c0_i32, %c0_i32_0 : i32, i32
  }
  func.func @transform_5(%arg0: i32) -> (i32, i32) {
    %c0_i32 = arith.constant 0 : i32
    %c0_i32_0 = arith.constant 0 : i32
    %c0_i32_1 = arith.constant 0 : i32
    return %c0_i32, %c0_i32_0 : i32, i32
  }
  func.func @transform_6(%arg0: i32) -> (i32, i32) {
    %c0_i32 = arith.constant 0 : i32
    %c0_i32_0 = arith.constant 0 : i32
    %c0_i32_1 = arith.constant 0 : i32
    return %c0_i32, %c0_i32_0 : i32, i32
  }
  func.func @transform_7(%arg0: i32) -> (i32, i32) {
    %c0_i32 = arith.constant 0 : i32
    %c0_i32_0 = arith.constant 0 : i32
    %c0_i32_1 = arith.constant 0 : i32
    return %c0_i32, %c0_i32_0 : i32, i32
  }
  func.func @transform_8(%arg0: i32) -> (i32, i32) {
    %c0_i32 = arith.constant 0 : i32
    %c0_i32_0 = arith.constant 0 : i32
    %c0_i32_1 = arith.constant 0 : i32
    return %c0_i32, %c0_i32_0 : i32, i32
  }
  func.func @transform_9(%arg0: i32) -> (i32, i32) {
    %c0_i32 = arith.constant 0 : i32
    %c0_i32_0 = arith.constant 0 : i32
    return %arg0, %c0_i32 : i32, i32
  }
  func.func @transform_10(%arg0: i32) -> (i32, i32) {
    %c0_i32 = arith.constant 0 : i32
    %c0_i32_0 = arith.constant 0 : i32
    return %arg0, %c0_i32 : i32, i32
  }
  func.func @transform_11(%arg0: i32) -> (i32, i32) {
    %c0_i32 = arith.constant 0 : i32
    %c0_i32_0 = arith.constant 0 : i32
    return %arg0, %c0_i32 : i32, i32
  }
  func.func @transform_12(%arg0: i32) -> (i32, i32) {
    %c0_i32 = arith.constant 0 : i32
    %c0_i32_0 = arith.constant 0 : i32
    %c0_i32_1 = arith.constant 0 : i32
    return %c0_i32, %c0_i32_0 : i32, i32
  }
  func.func @transform_13(%arg0: i32) -> (i32, i32) {
    %c0_i32 = arith.constant 0 : i32
    %c0_i32_0 = arith.constant 0 : i32
    %c0_i32_1 = arith.constant 0 : i32
    return %c0_i32, %c0_i32_0 : i32, i32
  }
  func.func @transform_14(%arg0: i32) -> (i32, i32) {
    %c0_i32 = arith.constant 0 : i32
    %c0_i32_0 = arith.constant 0 : i32
    %c0_i32_1 = arith.constant 0 : i32
    return %c0_i32, %c0_i32_0 : i32, i32
  }
  func.func @transform_15(%arg0: i32) -> (i32, i32) {
    %c0_i32 = arith.constant 0 : i32
    %c0_i32_0 = arith.constant 0 : i32
    %c0_i32_1 = arith.constant 0 : i32
    return %c0_i32, %c0_i32_0 : i32, i32
  }
  func.func @transform_16(%arg0: i32) -> (i32, i32) {
    %c0_i32 = arith.constant 0 : i32
    %c0_i32_0 = arith.constant 0 : i32
    %c0_i32_1 = arith.constant 0 : i32
    return %c0_i32, %c0_i32_0 : i32, i32
  }
  func.func @transform_17(%arg0: i32) -> (i32, i32) {
    %c0_i32 = arith.constant 0 : i32
    %c0_i32_0 = arith.constant 0 : i32
    %c0_i32_1 = arith.constant 0 : i32
    return %c0_i32, %c0_i32_0 : i32, i32
  }
  func.func @transform_18(%arg0: i32) -> (i32, i32) {
    %c0_i32 = arith.constant 0 : i32
    %c0_i32_0 = arith.constant 0 : i32
    return %arg0, %c0_i32 : i32, i32
  }
  func.func @transform_19(%arg0: i32) -> (i32, i32) {
    %c0_i32 = arith.constant 0 : i32
    %c0_i32_0 = arith.constant 0 : i32
    return %arg0, %c0_i32 : i32, i32
  }
  func.func @transform_20(%arg0: i32) -> (i32, i32) {
    %c0_i32 = arith.constant 0 : i32
    %c0_i32_0 = arith.constant 0 : i32
    return %arg0, %c0_i32 : i32, i32
  }
  func.func @transform_21(%arg0: i32) -> (i32, i32) {
    %c0_i32 = arith.constant 0 : i32
    %c0_i32_0 = arith.constant 0 : i32
    return %arg0, %c0_i32 : i32, i32
  }
}

module attributes {stable_mosaic.version = 14 : i64} {
  func.func @_combine2_body(%arg0: i32, %arg1: memref<2000x32xf32, #tpu.memory_space<vmem>>, %arg2: memref<2000x16xf32, #tpu.memory_space<vmem>>, %arg3: memref<2000x64xf32, #tpu.memory_space<vmem>>, %arg4: memref<64x32xf32, #tpu.memory_space<vmem>>, %arg5: memref<1x32xf32, #tpu.memory_space<vmem>>, %arg6: memref<1x32xf32, #tpu.memory_space<vmem>>, %arg7: memref<1x32xf32, #tpu.memory_space<vmem>>, %arg8: memref<2000x32xf32, #tpu.memory_space<vmem>>, %arg9: memref<2000x16xf32, #tpu.memory_space<vmem>>, %arg10: memref<2000x64xf32, #tpu.memory_space<vmem>>, %arg11: memref<64x32xf32, #tpu.memory_space<vmem>>, %arg12: memref<1x32xf32, #tpu.memory_space<vmem>>, %arg13: memref<1x32xf32, #tpu.memory_space<vmem>>, %arg14: memref<1x32xf32, #tpu.memory_space<vmem>>, %arg15: memref<2000x32xf32, #tpu.memory_space<vmem>>, %arg16: memref<2000x32xf32, #tpu.memory_space<vmem>>) attributes {dimension_semantics = [#tpu.dimension_semantics<arbitrary>], iteration_bounds = array<i64: 5>, scalar_prefetch = 0 : i64, scratch_operands = 0 : i64, tpu.core_type = #tpu.core_type<tc>, window_params = [{transform_indices = @transform_0, window_bounds = array<i64: 2000, 32>}, {transform_indices = @transform_1, window_bounds = array<i64: 2000, 16>}, {transform_indices = @transform_2, window_bounds = array<i64: 2000, 64>}, {pipeline_mode = #tpu.pipeline_mode<synchronous>, transform_indices = @transform_3, window_bounds = array<i64: 64, 32>}, {pipeline_mode = #tpu.pipeline_mode<synchronous>, transform_indices = @transform_4, window_bounds = array<i64: 1, 32>}, {pipeline_mode = #tpu.pipeline_mode<synchronous>, transform_indices = @transform_5, window_bounds = array<i64: 1, 32>}, {pipeline_mode = #tpu.pipeline_mode<synchronous>, transform_indices = @transform_6, window_bounds = array<i64: 1, 32>}, {transform_indices = @transform_7, window_bounds = array<i64: 2000, 32>}, {transform_indices = @transform_8, window_bounds = array<i64: 2000, 16>}, {transform_indices = @transform_9, window_bounds = array<i64: 2000, 64>}, {pipeline_mode = #tpu.pipeline_mode<synchronous>, transform_indices = @transform_10, window_bounds = array<i64: 64, 32>}, {pipeline_mode = #tpu.pipeline_mode<synchronous>, transform_indices = @transform_11, window_bounds = array<i64: 1, 32>}, {pipeline_mode = #tpu.pipeline_mode<synchronous>, transform_indices = @transform_12, window_bounds = array<i64: 1, 32>}, {pipeline_mode = #tpu.pipeline_mode<synchronous>, transform_indices = @transform_13, window_bounds = array<i64: 1, 32>}, {transform_indices = @transform_14, window_bounds = array<i64: 2000, 32>}, {transform_indices = @transform_15, window_bounds = array<i64: 2000, 32>}]} {
    %get3A = arith.constant 0 : index
    %get3A_0 = arith.constant 0 : index
    %get3A_1 = vector.load %arg2[%get3A, %get3A_0] : memref<2000x16xf32, #tpu.memory_space<vmem>>, vector<2000x16xf32>
    %slice3A = vector.extract_strided_slice %get3A_1 {offsets = [0, 0], sizes = [2000, 1], strides = [1, 1]} : vector<2000x16xf32> to vector<2000x1xf32>
    %get3A_2 = arith.constant 0 : index
    %get3A_3 = arith.constant 0 : index
    %get3A_4 = vector.load %arg1[%get3A_2, %get3A_3] : memref<2000x32xf32, #tpu.memory_space<vmem>>, vector<2000x32xf32>
    %max3A = arith.constant 1.000000e+00 : f32
    %max3A_5 = vector.broadcast %max3A : f32 to vector<2000x1xf32>
    %max3A_6 = arith.maximumf %slice3A, %max3A_5 : vector<2000x1xf32>
    %div3A = vector.broadcast %max3A_6 : vector<2000x1xf32> to vector<2000x32xf32>
    %div3A_7 = arith.divf %get3A_4, %div3A : vector<2000x32xf32>
    %get3A_8 = arith.constant 0 : index
    %get3A_9 = arith.constant 0 : index
    %get3A_10 = vector.load %arg3[%get3A_8, %get3A_9] : memref<2000x64xf32, #tpu.memory_space<vmem>>, vector<2000x64xf32>
    %get3A_11 = arith.constant 0 : index
    %get3A_12 = arith.constant 0 : index
    %get3A_13 = vector.load %arg4[%get3A_11, %get3A_12] : memref<64x32xf32, #tpu.memory_space<vmem>>, vector<64x32xf32>
    %dot_general3A = arith.constant dense<0.000000e+00> : vector<2000x32xf32>
    %dot_general3A_14 = tpu.matmul %get3A_10, %get3A_13, %dot_general3A {dimension_numbers = #tpu.dot_dimension_numbers<[1], [0], [0], [1], [0, 0, 1, 1], [], []>, transpose_lhs_hint = false} : vector<2000x64xf32>, vector<64x32xf32>, vector<2000x32xf32> -> vector<2000x32xf32>
    %add3A = arith.addf %div3A_7, %dot_general3A_14 : vector<2000x32xf32>
    %get3A_15 = arith.constant 0 : index
    %get3A_16 = arith.constant 0 : index
    %get3A_17 = vector.load %arg5[%get3A_15, %get3A_16] : memref<1x32xf32, #tpu.memory_space<vmem>>, vector<1x32xf32>
    %add3A_18 = vector.broadcast %get3A_17 : vector<1x32xf32> to vector<2000x32xf32>
    %add3A_19 = arith.addf %add3A, %add3A_18 : vector<2000x32xf32>
    %reduce_sum3A = arith.constant dense<0.000000e+00> : vector<2000xf32>
    %reduce_sum3A_20 = vector.multi_reduction <add>, %add3A_19, %reduce_sum3A [1] : vector<2000x32xf32> to vector<2000xf32>
    %broadcast_in_dim3A = vector.shape_cast %reduce_sum3A_20 : vector<2000xf32> to vector<2000x1xf32>
    %div3A_21 = arith.constant 3.200000e+01 : f32
    %div3A_22 = vector.broadcast %div3A_21 : f32 to vector<2000x1xf32>
    %div3A_23 = arith.divf %broadcast_in_dim3A, %div3A_22 : vector<2000x1xf32>
    %sub3A = vector.broadcast %div3A_23 : vector<2000x1xf32> to vector<2000x32xf32>
    %sub3A_24 = arith.subf %add3A_19, %sub3A : vector<2000x32xf32>
    %sub3A_25 = vector.broadcast %div3A_23 : vector<2000x1xf32> to vector<2000x32xf32>
    %sub3A_26 = arith.subf %add3A_19, %sub3A_25 : vector<2000x32xf32>
    %mul3A = arith.mulf %sub3A_24, %sub3A_26 : vector<2000x32xf32>
    %reduce_sum3A_27 = arith.constant dense<0.000000e+00> : vector<2000xf32>
    %reduce_sum3A_28 = vector.multi_reduction <add>, %mul3A, %reduce_sum3A_27 [1] : vector<2000x32xf32> to vector<2000xf32>
    %broadcast_in_dim3A_29 = vector.shape_cast %reduce_sum3A_28 : vector<2000xf32> to vector<2000x1xf32>
    %div3A_30 = arith.constant 3.200000e+01 : f32
    %div3A_31 = vector.broadcast %div3A_30 : f32 to vector<2000x1xf32>
    %div3A_32 = arith.divf %broadcast_in_dim3A_29, %div3A_31 : vector<2000x1xf32>
    %sub3A_33 = vector.broadcast %div3A_23 : vector<2000x1xf32> to vector<2000x32xf32>
    %sub3A_34 = arith.subf %add3A_19, %sub3A_33 : vector<2000x32xf32>
    %add3A_35 = arith.constant 9.99999974E-6 : f32
    %add3A_36 = vector.broadcast %add3A_35 : f32 to vector<2000x1xf32>
    %add3A_37 = arith.addf %div3A_32, %add3A_36 : vector<2000x1xf32>
    %rsqrt3A = math.rsqrt %add3A_37 : vector<2000x1xf32>
    %mul3A_38 = vector.broadcast %rsqrt3A : vector<2000x1xf32> to vector<2000x32xf32>
    %mul3A_39 = arith.mulf %sub3A_34, %mul3A_38 : vector<2000x32xf32>
    %get3A_40 = arith.constant 0 : index
    %get3A_41 = arith.constant 0 : index
    %get3A_42 = vector.load %arg6[%get3A_40, %get3A_41] : memref<1x32xf32, #tpu.memory_space<vmem>>, vector<1x32xf32>
    %mul3A_43 = vector.broadcast %get3A_42 : vector<1x32xf32> to vector<2000x32xf32>
    %mul3A_44 = arith.mulf %mul3A_39, %mul3A_43 : vector<2000x32xf32>
    %get3A_45 = arith.constant 0 : index
    %get3A_46 = arith.constant 0 : index
    %get3A_47 = vector.load %arg7[%get3A_45, %get3A_46] : memref<1x32xf32, #tpu.memory_space<vmem>>, vector<1x32xf32>
    %add3A_48 = vector.broadcast %get3A_47 : vector<1x32xf32> to vector<2000x32xf32>
    %add3A_49 = arith.addf %mul3A_44, %add3A_48 : vector<2000x32xf32>
    %swap3A = arith.constant 0 : index
    %swap3A_50 = arith.constant 0 : index
    %swap3A_51 = vector.load %arg15[%swap3A, %swap3A_50] : memref<2000x32xf32, #tpu.memory_space<vmem>>, vector<2000x32xf32>
    tpu.vector_store %arg15[%swap3A, %swap3A_50], %add3A_49 {strides = array<i32>} : memref<2000x32xf32, #tpu.memory_space<vmem>>, vector<2000x32xf32>,
    %get3A_52 = arith.constant 0 : index
    %get3A_53 = arith.constant 0 : index
    %get3A_54 = vector.load %arg9[%get3A_52, %get3A_53] : memref<2000x16xf32, #tpu.memory_space<vmem>>, vector<2000x16xf32>
    %slice3A_55 = vector.extract_strided_slice %get3A_54 {offsets = [0, 0], sizes = [2000, 1], strides = [1, 1]} : vector<2000x16xf32> to vector<2000x1xf32>
    %get3A_56 = arith.constant 0 : index
    %get3A_57 = arith.constant 0 : index
    %get3A_58 = vector.load %arg8[%get3A_56, %get3A_57] : memref<2000x32xf32, #tpu.memory_space<vmem>>, vector<2000x32xf32>
    %max3A_59 = arith.constant 1.000000e+00 : f32
    %max3A_60 = vector.broadcast %max3A_59 : f32 to vector<2000x1xf32>
    %max3A_61 = arith.maximumf %slice3A_55, %max3A_60 : vector<2000x1xf32>
    %div3A_62 = vector.broadcast %max3A_61 : vector<2000x1xf32> to vector<2000x32xf32>
    %div3A_63 = arith.divf %get3A_58, %div3A_62 : vector<2000x32xf32>
    %get3A_64 = arith.constant 0 : index
    %get3A_65 = arith.constant 0 : index
    %get3A_66 = vector.load %arg10[%get3A_64, %get3A_65] : memref<2000x64xf32, #tpu.memory_space<vmem>>, vector<2000x64xf32>
    %get3A_67 = arith.constant 0 : index
    %get3A_68 = arith.constant 0 : index
    %get3A_69 = vector.load %arg11[%get3A_67, %get3A_68] : memref<64x32xf32, #tpu.memory_space<vmem>>, vector<64x32xf32>
    %dot_general3A_70 = arith.constant dense<0.000000e+00> : vector<2000x32xf32>
    %dot_general3A_71 = tpu.matmul %get3A_66, %get3A_69, %dot_general3A_70 {dimension_numbers = #tpu.dot_dimension_numbers<[1], [0], [0], [1], [0, 0, 1, 1], [], []>, transpose_lhs_hint = false} : vector<2000x64xf32>, vector<64x32xf32>, vector<2000x32xf32> -> vector<2000x32xf32>
    %add3A_72 = arith.addf %div3A_63, %dot_general3A_71 : vector<2000x32xf32>
    %get3A_73 = arith.constant 0 : index
    %get3A_74 = arith.constant 0 : index
    %get3A_75 = vector.load %arg12[%get3A_73, %get3A_74] : memref<1x32xf32, #tpu.memory_space<vmem>>, vector<1x32xf32>
    %add3A_76 = vector.broadcast %get3A_75 : vector<1x32xf32> to vector<2000x32xf32>
    %add3A_77 = arith.addf %add3A_72, %add3A_76 : vector<2000x32xf32>
    %reduce_sum3A_78 = arith.constant dense<0.000000e+00> : vector<2000xf32>
    %reduce_sum3A_79 = vector.multi_reduction <add>, %add3A_77, %reduce_sum3A_78 [1] : vector<2000x32xf32> to vector<2000xf32>
    %broadcast_in_dim3A_80 = vector.shape_cast %reduce_sum3A_79 : vector<2000xf32> to vector<2000x1xf32>
    %div3A_81 = arith.constant 3.200000e+01 : f32
    %div3A_82 = vector.broadcast %div3A_81 : f32 to vector<2000x1xf32>
    %div3A_83 = arith.divf %broadcast_in_dim3A_80, %div3A_82 : vector<2000x1xf32>
    %sub3A_84 = vector.broadcast %div3A_83 : vector<2000x1xf32> to vector<2000x32xf32>
    %sub3A_85 = arith.subf %add3A_77, %sub3A_84 : vector<2000x32xf32>
    %sub3A_86 = vector.broadcast %div3A_83 : vector<2000x1xf32> to vector<2000x32xf32>
    %sub3A_87 = arith.subf %add3A_77, %sub3A_86 : vector<2000x32xf32>
    %mul3A_88 = arith.mulf %sub3A_85, %sub3A_87 : vector<2000x32xf32>
    %reduce_sum3A_89 = arith.constant dense<0.000000e+00> : vector<2000xf32>
    %reduce_sum3A_90 = vector.multi_reduction <add>, %mul3A_88, %reduce_sum3A_89 [1] : vector<2000x32xf32> to vector<2000xf32>
    %broadcast_in_dim3A_91 = vector.shape_cast %reduce_sum3A_90 : vector<2000xf32> to vector<2000x1xf32>
    %div3A_92 = arith.constant 3.200000e+01 : f32
    %div3A_93 = vector.broadcast %div3A_92 : f32 to vector<2000x1xf32>
    %div3A_94 = arith.divf %broadcast_in_dim3A_91, %div3A_93 : vector<2000x1xf32>
    %sub3A_95 = vector.broadcast %div3A_83 : vector<2000x1xf32> to vector<2000x32xf32>
    %sub3A_96 = arith.subf %add3A_77, %sub3A_95 : vector<2000x32xf32>
    %add3A_97 = arith.constant 9.99999974E-6 : f32
    %add3A_98 = vector.broadcast %add3A_97 : f32 to vector<2000x1xf32>
    %add3A_99 = arith.addf %div3A_94, %add3A_98 : vector<2000x1xf32>
    %rsqrt3A_100 = math.rsqrt %add3A_99 : vector<2000x1xf32>
    %mul3A_101 = vector.broadcast %rsqrt3A_100 : vector<2000x1xf32> to vector<2000x32xf32>
    %mul3A_102 = arith.mulf %sub3A_96, %mul3A_101 : vector<2000x32xf32>
    %get3A_103 = arith.constant 0 : index
    %get3A_104 = arith.constant 0 : index
    %get3A_105 = vector.load %arg13[%get3A_103, %get3A_104] : memref<1x32xf32, #tpu.memory_space<vmem>>, vector<1x32xf32>
    %mul3A_106 = vector.broadcast %get3A_105 : vector<1x32xf32> to vector<2000x32xf32>
    %mul3A_107 = arith.mulf %mul3A_102, %mul3A_106 : vector<2000x32xf32>
    %get3A_108 = arith.constant 0 : index
    %get3A_109 = arith.constant 0 : index
    %get3A_110 = vector.load %arg14[%get3A_108, %get3A_109] : memref<1x32xf32, #tpu.memory_space<vmem>>, vector<1x32xf32>
    %add3A_111 = vector.broadcast %get3A_110 : vector<1x32xf32> to vector<2000x32xf32>
    %add3A_112 = arith.addf %mul3A_107, %add3A_111 : vector<2000x32xf32>
    %swap3A_113 = arith.constant 0 : index
    %swap3A_114 = arith.constant 0 : index
    %swap3A_115 = vector.load %arg16[%swap3A_113, %swap3A_114] : memref<2000x32xf32, #tpu.memory_space<vmem>>, vector<2000x32xf32>
    tpu.vector_store %arg16[%swap3A_113, %swap3A_114], %add3A_112 {strides = array<i32>} : memref<2000x32xf32, #tpu.memory_space<vmem>>, vector<2000x32xf32>,
    return
  }
  func.func @transform_0(%arg0: i32) -> (i32, i32) {
    %c0_i32 = arith.constant 0 : i32
    %c0_i32_0 = arith.constant 0 : i32
    return %arg0, %c0_i32 : i32, i32
  }
  func.func @transform_1(%arg0: i32) -> (i32, i32) {
    %c0_i32 = arith.constant 0 : i32
    %c0_i32_0 = arith.constant 0 : i32
    return %arg0, %c0_i32 : i32, i32
  }
  func.func @transform_2(%arg0: i32) -> (i32, i32) {
    %c0_i32 = arith.constant 0 : i32
    %c0_i32_0 = arith.constant 0 : i32
    return %arg0, %c0_i32 : i32, i32
  }
  func.func @transform_3(%arg0: i32) -> (i32, i32) {
    %c0_i32 = arith.constant 0 : i32
    %c0_i32_0 = arith.constant 0 : i32
    %c0_i32_1 = arith.constant 0 : i32
    return %c0_i32, %c0_i32_0 : i32, i32
  }
  func.func @transform_4(%arg0: i32) -> (i32, i32) {
    %c0_i32 = arith.constant 0 : i32
    %c0_i32_0 = arith.constant 0 : i32
    %c0_i32_1 = arith.constant 0 : i32
    return %c0_i32, %c0_i32_0 : i32, i32
  }
  func.func @transform_5(%arg0: i32) -> (i32, i32) {
    %c0_i32 = arith.constant 0 : i32
    %c0_i32_0 = arith.constant 0 : i32
    %c0_i32_1 = arith.constant 0 : i32
    return %c0_i32, %c0_i32_0 : i32, i32
  }
  func.func @transform_6(%arg0: i32) -> (i32, i32) {
    %c0_i32 = arith.constant 0 : i32
    %c0_i32_0 = arith.constant 0 : i32
    %c0_i32_1 = arith.constant 0 : i32
    return %c0_i32, %c0_i32_0 : i32, i32
  }
  func.func @transform_7(%arg0: i32) -> (i32, i32) {
    %c0_i32 = arith.constant 0 : i32
    %c0_i32_0 = arith.constant 0 : i32
    return %arg0, %c0_i32 : i32, i32
  }
  func.func @transform_8(%arg0: i32) -> (i32, i32) {
    %c0_i32 = arith.constant 0 : i32
    %c0_i32_0 = arith.constant 0 : i32
    return %arg0, %c0_i32 : i32, i32
  }
  func.func @transform_9(%arg0: i32) -> (i32, i32) {
    %c0_i32 = arith.constant 0 : i32
    %c0_i32_0 = arith.constant 0 : i32
    return %arg0, %c0_i32 : i32, i32
  }
  func.func @transform_10(%arg0: i32) -> (i32, i32) {
    %c0_i32 = arith.constant 0 : i32
    %c0_i32_0 = arith.constant 0 : i32
    %c0_i32_1 = arith.constant 0 : i32
    return %c0_i32, %c0_i32_0 : i32, i32
  }
  func.func @transform_11(%arg0: i32) -> (i32, i32) {
    %c0_i32 = arith.constant 0 : i32
    %c0_i32_0 = arith.constant 0 : i32
    %c0_i32_1 = arith.constant 0 : i32
    return %c0_i32, %c0_i32_0 : i32, i32
  }
  func.func @transform_12(%arg0: i32) -> (i32, i32) {
    %c0_i32 = arith.constant 0 : i32
    %c0_i32_0 = arith.constant 0 : i32
    %c0_i32_1 = arith.constant 0 : i32
    return %c0_i32, %c0_i32_0 : i32, i32
  }
  func.func @transform_13(%arg0: i32) -> (i32, i32) {
    %c0_i32 = arith.constant 0 : i32
    %c0_i32_0 = arith.constant 0 : i32
    %c0_i32_1 = arith.constant 0 : i32
    return %c0_i32, %c0_i32_0 : i32, i32
  }
  func.func @transform_14(%arg0: i32) -> (i32, i32) {
    %c0_i32 = arith.constant 0 : i32
    %c0_i32_0 = arith.constant 0 : i32
    return %arg0, %c0_i32 : i32, i32
  }
  func.func @transform_15(%arg0: i32) -> (i32, i32) {
    %c0_i32 = arith.constant 0 : i32
    %c0_i32_0 = arith.constant 0 : i32
    return %arg0, %c0_i32 : i32, i32
  }
}

</mosaic_0001>

<sc_bundles>
// kernel: kernel.10.cloned.1.call-start
scs
__scs_entry_jumppad:
0x0: {  	(pc) =	sbr.rel $0x88, $3  }
0x1: {  	(tag) =	ssettag $0x0;
	lr =	simm.s32 $0x1  }
0x2: {  	[smem:$0x3F85] =	sst lr;
	_ =	strace $0xD0000000  }
0x3: {  	_ = 	snop  }
0x4: {  	_ = 	snop  }
0x5: {  	_ = 	snop  }
0x6: {  	_ = 	snop  }
0x7: {  	_ = 	snop  }
__scs_overlays_trampoline_lowered:
0x8: {  	[smem:$0x3F94] =	sst s0  }
0x9: {  	[smem:$0x3F95] =	sst s1  }
0xa: {  	[smem:$0x3F96] =	sst s2  }
0xb: {  	[smem:$0x3F97] =	sst s3  }
0xc: {  	[smem:$0x3F98] =	sst s4  }
0xd: {  	[smem:$0x3F99] =	sst s5  }
0xe: {  	[smem:$0x3F9A] =	sst s6  }
0xf: {  	[smem:$0x3F9B] =	sst s7  }
0x10: {  	[smem:$0x3F9C] =	sst s8  }
0x11: {  	[smem:$0x3F9D] =	sst s9;
	s0 =	simm.s32 @!p0 $0x0  }
0x12: {  	s1 =	sld [smem:$0x3F83];
	s0 =	simm.s32 @p0 $0x1  }
0x13: {  	[smem:$0x3F9E] =	sst s0;
	s0 =	simm.s32 @!p1 $0x0  }
0x14: {  	s2 =	sld [smem:$0x3F82];
	s0 =	simm.s32 @p1 $0x1  }
0x15: {  	[smem:$0x3F9F] =	sst s0;
	s0 =	simm.s32 @!p2 $0x0  }
0x16: {  	s3 =	sld [smem:$0x3FDB];
	s0 =	simm.s32 @p2 $0x1  }
0x17: {  	s4 =	simm.s32 $0x1BF5;
	[smem:$0x3FA1] =	sst s0  }
0x18: {  	s0 =	sld [smem:$0x3F84];
	_ =	swait.ge [sflag:s4], $0x0  }
0x19: {  	s7 =	sld [smem:$0x3F85]  }
0x1a: {  	s8 =	sadd.s32 $0xFFFFE003, lr  }
0x1b: {  	s9 =	sadd.s32 $0xFFFFFEF7, lr;
	s5 =	simm.s32 $0xFFFFFFFF;
	p2 =	slt.u32 s8, $0xFFFFF086  }
0x1c: {  	p1 =	slt.u32 s9, $0xF7A;
	s5 =	simm.s32 @!p2 $0x0  }
0x1d: {  	s5 =	simm.s32 @p1 $0x1;
	p0 =	seq.s32 s7, s2  }
0x1e: {  	s7 =	smul.u32 @!p0 $0xF7A, s2;
	p2 =	seq.s32 @!p0 s5, $0x0  }
0x1f: {  	s9 =	smul.u32 $0xF7A, s1;
	s8 =	simm.s32 @!p0 $0x1BF5;
	p2 =	por !p2, p0  }
0x20: {  	[sflag:s8] =	ssyncset.s32 @!p0 $0xFFFFF086;
	s6 =	sadd.s32 @!p0 s3, s7;
	s7 =	simm.s32 @!p0 $0x108  }
0x21: {  	s3 =	sadd.s32 s3, s9;
	s6 =	sadd.s32 @!p0 $0x88, s6;
	s7 =	simm.s32 @p2 $0x1082  }
0x22: {  	[simem:s7], [sflag:s8] =	dma.local @!p0 [hbm:s6], $0xF7A  }
0x23: {  	s9 =	sor.u32 $0xD0000000, s2;
	s6 =	simm.s32 $0x108;
	_ =	swait.ge @!p0 [sflag:s8], $0x0  }
0x24: {  	s3 =	sadd.s32 $0x88, s3;
	s6 =	simm.s32 @!p1 $0x1082;
	[sflag:s4] =	ssyncset.s32 $0xFFFFF086  }
0x25: {  	[simem:s6], [sflag:s4] =	dma.local [hbm:s3], $0xF7A  }
0x26: {  	[smem:$0x3F85] =	sst s1;
	(tag) =	ssettag s2;
	_ =	strace s9  }
0x27: {  	s1 =	sld [smem:$0x3F95]  }
0x28: {  	s2 =	sld [smem:$0x3F96]  }
0x29: {  	s4 =	sld [smem:$0x3F98]  }
0x2a: {  	p0 =	seq.s32 s5, $0x0;
	s5 =	sld [smem:$0x3F99]  }
0x2b: {  	s6 =	sld [smem:$0x3F9A]  }
0x2c: {  	s7 =	sld [smem:$0x3F9B]  }
0x2d: {  	s3 =	simm.s32 $0x108;
	s8 =	sld [smem:$0x3F9C]  }
0x2e: {  	s3 =	simm.s32 @!p0 $0x1082;
	s9 =	sld [smem:$0x3F9D]  }
0x2f: {  	lr =	sadd.s32 s0, s3;
	s0 =	sld [smem:$0x3F94]  }
0x30: {  	s3 =	sld [smem:$0x3F97]  }
0x31: {  	[smem:$0x3FA0] =	sst s10  }
0x32: {  	s10 =	sld [smem:$0x3F9E];
	_ =	sdelay $0x3  }
0x33: {  	p0 =	seq.s32 s10, $0x1;
	s10 =	sld [smem:$0x3FA0];
	_ =	sdelay $0x3  }
0x34: {  	[smem:$0x3FA0] =	sst s10  }
0x35: {  	s10 =	sld [smem:$0x3F9F];
	_ =	sdelay $0x3  }
0x36: {  	p1 =	seq.s32 s10, $0x1;
	s10 =	sld [smem:$0x3FA0];
	_ =	sdelay $0x3  }
0x37: {  	[smem:$0x3FA0] =	sst s10  }
0x38: {  	s10 =	sld [smem:$0x3FA1]  }
0x39: {  	_ = 	snop;
	(pc) =	sbr.ind lr, $3  }
0x3a: {  	_ = 	snop  }
0x3b: {  	_ = 	snop  }
0x3c: {  	p2 =	seq.s32 s10, $0x1;
	s10 =	sld [smem:$0x3FA0]  }
0x3d: {  	_ =	shalt  }
0x3e: {  	_ =	shalt  }
0x3f: {  	_ =	shalt  }
0x40: {  	_ =	shalt  }
0x41: {  	_ =	shalt  }
0x42: {  	_ =	shalt  }
0x43: {  	_ =	shalt  }
0x44: {  	_ =	shalt  }
0x45: {  	_ =	shalt  }
0x46: {  	_ =	shalt  }
0x47: {  	_ =	shalt  }
0x48: {  	_ =	shalt  }
0x49: {  	_ =	shalt  }
0x4a: {  	_ =	shalt  }
0x4b: {  	_ =	shalt  }
0x4c: {  	_ =	shalt  }
0x4d: {  	_ =	shalt  }
0x4e: {  	_ =	shalt  }
0x4f: {  	_ =	shalt  }
0x50: {  	_ =	shalt  }
0x51: {  	_ =	shalt  }
0x52: {  	_ =	shalt  }
0x53: {  	_ =	shalt  }
0x54: {  	_ =	shalt  }
0x55: {  	_ =	shalt  }
0x56: {  	_ =	shalt  }
0x57: {  	_ =	shalt  }
0x58: {  	_ =	shalt  }
0x59: {  	_ =	shalt  }
0x5a: {  	_ =	shalt  }
0x5b: {  	_ =	shalt  }
0x5c: {  	_ =	shalt  }
0x5d: {  	_ =	shalt  }
0x5e: {  	_ =	shalt  }
0x5f: {  	_ =	shalt  }
0x60: {  	_ =	shalt  }
0x61: {  	_ =	shalt  }
0x62: {  	_ =	shalt  }
0x63: {  	_ =	shalt  }
0x64: {  	_ =	shalt  }
0x65: {  	_ =	shalt  }
0x66: {  	_ =	shalt  }
0x67: {  	_ =	shalt  }
0x68: {  	_ =	shalt  }
0x69: {  	_ =	shalt  }
0x6a: {  	_ =	shalt  }
0x6b: {  	_ =	shalt  }
0x6c: {  	_ =	shalt  }
0x6d: {  	_ =	shalt  }
0x6e: {  	_ =	shalt  }
0x6f: {  	_ =	shalt  }
0x70: {  	_ =	shalt  }
0x71: {  	_ =	shalt  }
0x72: {  	_ =	shalt  }
0x73: {  	_ =	shalt  }
0x74: {  	_ =	shalt  }
0x75: {  	_ =	shalt  }
0x76: {  	_ =	shalt  }
0x77: {  	_ =	shalt  }
0x78: {  	_ =	shalt  }
0x79: {  	_ =	shalt  }
0x7a: {  	_ =	shalt  }
0x7b: {  	_ =	shalt  }
0x7c: {  	_ =	shalt  }
0x7d: {  	_ =	shalt  }
0x7e: {  	_ =	shalt  }
0x7f: {  	_ =	shalt  }
0x80: {  	_ =	shalt  }
0x81: {  	_ =	shalt  }
0x82: {  	_ =	shalt  }
0x83: {  	_ =	shalt  }
0x84: {  	_ =	shalt  }
0x85: {  	_ =	shalt  }
0x86: {  	_ =	shalt  }
0x87: {  	_ =	shalt  }
.Lfunc_end0:
.L_simem_size_0:
called_computation.1_lowered:
.L_overlay_start_0:
0x88: {  	s2 =	sld [smem:$0x3FD9]  }
0x89: {  	s3 =	sld [smem:$0x3FFE];
	_ =	sdelay $0x1  }
0x8a: {  	s1 =	srdreg.scid  }
0x8b: {  	s0 =	sand.u32 $0x1, s1  }
0x8c: {  	s14 =	sshll.u32 s0, $0xA;
	s2 =	sadd.s32 s3, s2  }
0x8d: {  	s2 =	sadd.s32 s2, s14  }
0x8e: {  	[smem:$0x3FAC] =	sst s2  }
0x8f: {  	_ = 	snop  }
0x90: {  	s2 =	sld [smem:$0x3FD0];
	_ =	sdelay $0x2  }
0x91: {  	s15 =	simm.s32 $0xA;
	s4 =	simm.s32 $0x10  }
0x92: {  	[smem:s4], [sflag:s15] =	dma.local [hbm:s2], $0x1  }
0x93: {  	_ =	swait.eq [sflag:s15], $0x1  }
0x94: {  	[sflag:s15] =	ssyncset.done $0x0  }
0x95: {  	s16 =	sld [smem:$0x10];
	[sflag:s15] =	ssyncadd.s32 $0xFFFFFFFF  }
0x96: {  	s17 =	sld [smem:$0x11];
	(tm) =	ssettm $0x1  }
0x97: {  	s18 =	sld [smem:$0x3FFB];
	_ =	sdelay $0x3  }
0x98: {  	_ =	strace s18  }
0x99: {  	s4 =	sld [smem:$0x3FFC];
	_ =	sdelay $0x3  }
0x9a: {  	_ =	strace s4  }
0x9b: {  	s4 =	sld [smem:$0x3FFD];
	_ =	sdelay $0x3  }
0x9c: {  	_ =	strace s4  }
0x9d: {  	_ =	strace $0x8FFFFFFF  }
0x9e: {  	s19 =	sld [smem:$0x3FDB];
	_ =	sdelay $0x1  }
0x9f: {  	s5 =	simm.s32 $_scs_section_size  }
0xa0: {  	s6 =	simm.s32 $_size__tile_overlayer_lowered;
	s7 =	simm.s32 $_tile_overlayer_lowered  }
0xa1: {  	s22 =	simm.s32 $0x1BFF;
	s21 =	sshll.u32 s7, $0x1;
	s4 =	sadd.s32 s5, s19  }
0xa2: {  	s8 =	simm.s32 $0x0;
	s20 =	sshll.u32 s6, $0x1;
	s6 =	sadd.s32 s21, s4  }
0xa3: {  	[timem:s8], [sflag:s22] =	dma.local [hbm:s6], s20  }
0xa4: {  	_ =	swait.ge [sflag:s22], s20  }
0xa5: {  	s5 =	ssub.s32 $0x0, s20;
	[sflag:s22] =	ssyncset.done $0x0  }
0xa6: {  	[sflag:s22] =	ssyncadd.s32 s5;
	_ =	sdelay $0x1  }
0xa7: {  	s23 =	simm.s32 $0x1B8B  }
0xa8: {  	_ =	swait.ge [sflag:s23], $0x1  }
0xa9: {  	[sflag:s23] =	ssyncset.done $0x0  }
0xaa: {  	s25 =	simm.s32 $0x1B8E;
	s24 =	sld [smem:$0x3FFE];
	[sflag:s23] =	ssyncadd.s32 $0xFFFFFFFF  }
0xab: {  	s26 =	simm.s32 $execute0_lowered;
	[smem:$0x3FD2] =	sst s25  }
0xac: {  	s6 =	sshll.u32 s26, $0x1;
	_ =	strace $0x80000049;
	[dreg:$0x1] =	wrdreg $0xFFFFFFFF  }
0xad: {  	s28 =	simm.s32 $_size_execute0_lowered;
	s4 =	sadd.s32 s4, s6;
	[dreg:$0x0] =	wrdreg $0x0  }
0xae: {  	s6 =	sshll.u32 s28, $0x1;
	[dreg:$0x2] =	wrdreg s4  }
0xaf: {  	[dreg:$0x3] =	wrdreg s6  }
0xb0: {  	[dreg:$0x4] =	wrdreg $0xC0  }
0xb1: {  	_ =	task [dreg:s8], $0x5FFFF  }
0xb2: {  	[dreg:$0x1] =	wrdreg $0xFFFFFFFF  }
0xb3: {  	[dreg:$0x0] =	wrdreg $0x60  }
0xb4: {  	[dreg:$0x2] =	wrdreg s24  }
0xb5: {  	[dreg:$0x3] =	wrdreg s17  }
0xb6: {  	[dreg:$0x4] =	wrdreg s16  }
0xb7: {  	[dreg:$0x5] =	wrdreg $0x0  }
0xb8: {  	[dreg:$0x6] =	wrdreg $0x50000  }
0xb9: {  	[dreg:$0x7] =	wrdreg $0x9  }
0xba: {  	_ =	task.clear_ibuf [dreg:s8], $0x8FFFF;
	_ =	strace $0x90000049  }
0xbb: {  	s29 =	simm.s32 $0x9;
	_ =	strace $0x8000004B  }
0xbc: {  	_ =	swait.ge [sflag:s29], $0x1  }
0xbd: {  	[sflag:s29] =	ssyncadd.s32 $0xFFFFFFFF  }
0xbe: {  	_ =	strace $0x9000004B  }
0xbf: {  	_ =	sfence  }
0xc0: {  	s30 =	sld [smem:$0x0];
	_ =	sdelay $0x2  }
0xc1: {  	s31 =	sshll.u32 s1, $0xD;
	s1 =	sshrl.u32 s1, $0x2  }
0xc2: {  	s3 =	sand.u32 $0x4000, s31;
	s1 =	sadd.s32 s1, s30  }
0xc3: {  	s0 =	sor.u32 s3, s0;
	s1 =	sshll.u32 s1, $0x11  }
0xc4: {  	s0 =	sor.u32 s1, s0  }
0xc5: {  	s0 =	sadd.s32 $0x8F2B, s0  }
0xc6: {  	[sflag:s0] =	ssyncadd.remote.s32 $0x1  }
0xc7: {  	_ =	sfence.sel $0xFFFF  }
0xc8: {  	[dreg:$0x0] =	wrdreg $0xFFFFFFFF;
	(pc) =	sbr.abs _section_cstart, $3  }
0xc9: {  	[dreg:$0x1] =	wrdreg $0xFFFFFFFF  }
0xca: {  	_ =	task.clear_ibuf [dreg:s8], $0x2FFFF;
	_ =	strace $0x9FFFFFFF  }
0xcb: {  	(tm) =	ssettm $0x7FFFFFFF  }
tec
execute0_lowered:
.L_overlay_start_1:
0x0: {  	(tag) =	ssettag $0x1  }
0x1: {  	s0 =	rddreg [dreg:$0x0]  }
0x2: {  	s1 =	rddreg [dreg:$0x1]  }
0x3: {  	s7 =	rddreg [dreg:$0x2]  }
0x4: {  	s2 =	rddreg [dreg:$0x3]  }
0x5: {  	s3 =	rddreg [dreg:$0x4];
	s15 =	stileid.u32;
	s4 =	simm.s32 $0x0  }
0x6: {  	s6 =	srdreg.scid;
	s18 =	simm.s32 $0x9;
	s29 =	simm.s32 $0x15400  }
0x7: {  	s30 =	simm.s32 $0x2;
	s28 =	simm.s32 $0x8;
	s8 =	smul.u32 $0x5000, s15  }
0x8: {  	[smem:$0x7FF] =	sst s4;
	s10 =	smul.u32 $0x940, s15;
	s12 =	sand.u32 $0x1, s6  }
0x9: {  	s6 =	sadd.s32 $0x19800, s0;
	s14 =	sadd.s32 $0x3F400, s0;
	s22 =	sshll.u32 s15, $0x6  }
0xa: {  	s15 =	simm.s32 $0xA280;
	_ =	strace $0x8000004A;
	s9 =	ssub.s32 $0x2, s12  }
0xb: {  	[dreg:$0x6] =	wrdreg s14;
	p0 =	seq.s32 s12, $0x1;
	s12 =	simm.s32 $0x4  }
0xc: {  	s14 =	simm.s32 $0x6;
	s5 =	sshrl.u32 s8, $0x3;
	s13 =	sadd.s32 s10, s0  }
0xd: {  	s20 =	sshrl.u32 s9, $0x1;
	s21 =	sadd.s32 s8, s2;
	s8 =	sadd.s32 s8, s3  }
0xe: {  	s1 =	sadd.s32 s1, s10;
	s24 =	sadd.s32 s7, s10;
	s7 =	simm.s32 $0x3  }
0xf: {  	s10 =	simm.s32 $0x5;
	s11 =	sadd.s32 s5, s0;
	[dreg:$0x9] =	wrdreg s1  }
0x10: {  	s0 =	sadd.s32 $0x1A200, s0;
	[dreg:$0xa] =	wrdreg s24;
	s26 =	sadd.s32 $0x36000, s13  }
0x11: {  	s31 =	sadd.s32 $0x2CC00, s13;
	s17 =	sshrl.u32 s21, $0x3;
	s19 =	sshrl.u32 s8, $0x3  }
0x12: {  	s21 =	simm.s32 $0xEA00;
	s1 =	simm.s32 $0x16400;
	s13 =	simm.s32 $0xEB80  }
0x13: {  	s24 =	simm.s32 $0x7;
	[dreg:$0x7] =	wrdreg s0;
	s0 =	ssub.s32 s9, s20  }
.Ltmp0:
0x14: {  	s9 =	sor.u32 $0x1C09, s22;
	[dreg:$0xc] =	wrdreg s26;
	(pc) =	sbr.rel .LBB2_1-.Ltmp0, $4  }
0x15: {  	s23 =	sadd.s32 $0xF800, s11;
	s25 =	sadd.s32 $0x5800, s11;
	[dreg:$0xd] =	wrdreg s31  }
0x16: {  	s20 =	simm.s32 $0xA000;
	s22 =	simm.s32 $0x80;
	[dreg:$0x8] =	wrdreg s23  }
0x17: {  	s26 =	simm.s32 $0x1;
	s11 =	simm.s32 $0xA200;
	[dreg:$0xb] =	wrdreg s25  }
0x18: {  	s16 =	smax.u32 s0, $0x1;
	s23 =	simm.s32 $0x13400;
	s25 =	simm.s32 $0x14400  }
.LBB2_9:
0x19: {  	s31 =	sadd.s32 $0xE00, s31;
	s0 =	rddreg [dreg:$0x6]  }
.LBB2_10:
0x1a: {  	_ =	swait.ge [sflag:s12], $0x1000  }
0x1b: {  	s8 =	sshra.s32 s31, $0x2;
	[sflag:s12] =	ssyncset.done $0x0  }
0x1c: {  	s8 =	sadd.s32 $0xEA00, s8;
	[sflag:s12] =	ssyncadd.s32 $0xFFFFF000  }
0x1d: {  	[spmem:s2] =	stream.indirect.scatter.add.f32 [tilespmem:s1], [sflag:$0x8], $0x20, s8, s22, $0xb8;
	[tilespmem:$0x17400] =	vst v63  }
0x1e: {  	_ =	swait.ge [sflag:s10], $0x1000  }
0x1f: {  	[sflag:s10] =	ssyncset.done $0x0  }
0x20: {  	[sflag:s10] =	ssyncadd.s32 $0xFFFFF000  }
0x21: {  	_ =	swait.ge [sflag:s14], $0x1000  }
0x22: {  	[sflag:s14] =	ssyncset.done $0x0  }
0x23: {  	[sflag:s14] =	ssyncadd.s32 $0xFFFFF000  }
0x24: {  	_ =	swait.ge [sflag:s24], $0x1000  }
0x25: {  	[sflag:s24] =	ssyncset.done $0x0  }
0x26: {  	[sflag:s24] =	ssyncadd.s32 $0xFFFFF000  }
0x27: {  	_ =	swait.ge [sflag:s28], $0x1000  }
0x28: {  	s4 =	sadd.s32 $0x1, s4;
	[sflag:s28] =	ssyncset.done $0x0  }
0x29: {  	p1 =	sne.s32 s4, s16;
	[sflag:s28] =	ssyncadd.s32 $0xFFFFF000  }
.Ltmp1:
0x2a: {  	s0 =	sadd.s32 s0, s5;
	[bflag:$0x0] =	sbarrier.arrive $0xFFFF;
	(pc) =	sbr.rel @!p1 .LBB2_11-.Ltmp1, $4  }
0x2b: {  	[hbm:s0], [sflag:s9] =	dma.local [spmem:s17], $0xA00  }
0x2c: {  	_ =	swait.ge [sflag:s18], $0xA00  }
0x2d: {  	[sflag:s18] =	ssyncset.done $0x0  }
0x2e: {  	[sflag:s18] =	ssyncadd.s32 $0xFFFFF600  }
.LBB2_1:
.Ltmp2:
0x2f: {  	(pc) =	sbr.rel @!p0 .LBB2_2-.Ltmp2, $4  }
0x30: {  	[spmem:s17], [sflag:s9] =	dma.local [hbm:s6], $0xA00  }
0x31: {  	_ =	swait.ge [sflag:s18], $0xA00  }
0x32: {  	[sflag:s18] =	ssyncset.done $0x0  }
0x33: {  	[sflag:s18] =	ssyncadd.s32 $0xFFFFF600  }
0x34: {  	s0 =	rddreg [dreg:$0xb]  }
0x35: {  	[spmem:s19], [sflag:s9] =	dma.local [hbm:s0], $0xA00  }
0x36: {  	_ =	swait.ge [sflag:s18], $0xA00  }
0x37: {  	[sflag:s18] =	ssyncset.done $0x0  }
0x38: {  	s31 =	simm.s32 $0x0;
	s8 =	rddreg [dreg:$0xc];
	[sflag:s18] =	ssyncadd.s32 $0xFFFFF600  }
0x39: {  	[tilespmem:s20], [sflag:$0x9] =	stream.linear.gather [hbm4b:s8+s31], $0x4A00, $0x38;
	[tilespmem:$0x17400] =	vst v63  }
0x3a: {  	_ =	swait.ge [sflag:s18], $0x4A00  }
0x3b: {  	[sflag:s18] =	ssyncset.done $0x0  }
0x3c: {  	s8 =	rddreg [dreg:$0xd];
	[sflag:s18] =	ssyncadd.s32 $0xFFFFB600  }
0x3d: {  	[tilespmem:s21], [sflag:$0x9] =	stream.linear.gather [hbm4b:s8+s31], $0x4A00, $0x38;
	[tilespmem:$0x17400] =	vst v63  }
0x3e: {  	_ =	swait.ge [sflag:s18], $0x4A00  }
0x3f: {  	[sflag:s18] =	ssyncset.done $0x0  }
0x40: {  	[sflag:s18] =	ssyncadd.s32 $0xFFFFB600  }
0x41: {  	[bflag:$0x0] =	sbarrier.arrive $0xFFFF  }
0x42: {  	[tilespmem:s23], [sflag:$0x1] =	stream.indirect.gather [spmem:s3], $0x20, s20, s22, $0xb8;
	[tilespmem:$0x17400] =	vst v63  }
0x43: {  	s8 =	simm.s32 $0xA080  }
0x44: {  	[tilespmem:s25], [sflag:$0x2] =	stream.indirect.gather [spmem:s3], $0x20, s8, s22, $0xb8;
	[tilespmem:$0x17400] =	vst v63  }
0x45: {  	_ =	swait.ge [sflag:s26], $0x1000  }
0x46: {  	[sflag:s26] =	ssyncset.done $0x0  }
0x47: {  	[sflag:s26] =	ssyncadd.s32 $0xFFFFF000  }
0x48: {  	[spmem:s2] =	stream.indirect.scatter.add.f32 [tilespmem:s23], [sflag:$0x5], $0x20, s21, s22, $0xb8;
	[tilespmem:$0x17400] =	vst v63  }
0x49: {  	s8 =	simm.s32 $0xA100  }
0x4a: {  	[tilespmem:s29], [sflag:$0x3] =	stream.indirect.gather [spmem:s3], $0x20, s8, s22, $0xb8;
	[tilespmem:$0x17400] =	vst v63  }
0x4b: {  	_ =	swait.ge [sflag:s30], $0x1000  }
0x4c: {  	[sflag:s30] =	ssyncset.done $0x0  }
0x4d: {  	s8 =	simm.s32 $0xEA80;
	[sflag:s30] =	ssyncadd.s32 $0xFFFFF000  }
0x4e: {  	[spmem:s2] =	stream.indirect.scatter.add.f32 [tilespmem:s25], [sflag:$0x6], $0x20, s8, s22, $0xb8;
	[tilespmem:$0x17400] =	vst v63  }
0x4f: {  	s8 =	simm.s32 $0xA180  }
0x50: {  	[tilespmem:s1], [sflag:$0x4] =	stream.indirect.gather [spmem:s3], $0x20, s8, s22, $0xb8;
	[tilespmem:$0x17400] =	vst v63  }
0x51: {  	_ =	swait.ge [sflag:s7], $0x1000  }
0x52: {  	[sflag:s7] =	ssyncset.done $0x0  }
0x53: {  	s8 =	simm.s32 $0xEB00;
	[sflag:s7] =	ssyncadd.s32 $0xFFFFF000  }
0x54: {  	[spmem:s2] =	stream.indirect.scatter.add.f32 [tilespmem:s29], [sflag:$0x7], $0x20, s8, s22, $0xb8;
	[tilespmem:$0x17400] =	vst v63  }
0x55: {  	_ =	swait.ge [sflag:s10], $0x1000  }
0x56: {  	[sflag:s10] =	ssyncset.done $0x0  }
0x57: {  	[sflag:s10] =	ssyncadd.s32 $0xFFFFF000  }
0x58: {  	[tilespmem:s23], [sflag:$0x1] =	stream.indirect.gather [spmem:s3], $0x20, s11, s22, $0xb8;
	[tilespmem:$0x17400] =	vst v63  }
0x59: {  	_ =	swait.ge [sflag:s12], $0x1000  }
0x5a: {  	[sflag:s12] =	ssyncset.done $0x0  }
0x5b: {  	[sflag:s12] =	ssyncadd.s32 $0xFFFFF000  }
0x5c: {  	[spmem:s2] =	stream.indirect.scatter.add.f32 [tilespmem:s1], [sflag:$0x8], $0x20, s13, s22, $0xb8;
	[tilespmem:$0x17400] =	vst v63  }
0x5d: {  	_ =	swait.ge [sflag:s14], $0x1000  }
0x5e: {  	[sflag:s14] =	ssyncset.done $0x0  }
0x5f: {  	[sflag:s14] =	ssyncadd.s32 $0xFFFFF000  }
0x60: {  	[tilespmem:s25], [sflag:$0x2] =	stream.indirect.gather [spmem:s3], $0x20, s15, s22, $0xb8;
	[tilespmem:$0x17400] =	vst v63  }
.LBB2_6:
0x61: {  	_ =	swait.ge [sflag:s26], $0x1000  }
0x62: {  	s0 =	sshra.s32 s31, $0x2;
	[sflag:s26] =	ssyncset.done $0x0  }
0x63: {  	s8 =	sadd.s32 $0xEC00, s0;
	[sflag:s26] =	ssyncadd.s32 $0xFFFFF000  }
0x64: {  	[spmem:s2] =	stream.indirect.scatter.add.f32 [tilespmem:s23], [sflag:$0x5], $0x20, s8, s22, $0xb8;
	[tilespmem:$0x17400] =	vst v63  }
0x65: {  	_ =	swait.ge [sflag:s24], $0x1000  }
0x66: {  	[sflag:s24] =	ssyncset.done $0x0  }
0x67: {  	s8 =	sadd.s32 $0xA300, s0;
	[sflag:s24] =	ssyncadd.s32 $0xFFFFF000  }
0x68: {  	[tilespmem:s29], [sflag:$0x3] =	stream.indirect.gather [spmem:s3], $0x20, s8, s22, $0xb8;
	[tilespmem:$0x17400] =	vst v63  }
0x69: {  	_ =	swait.ge [sflag:s30], $0x1000  }
0x6a: {  	[sflag:s30] =	ssyncset.done $0x0  }
0x6b: {  	s8 =	sadd.s32 $0xEC80, s0;
	[sflag:s30] =	ssyncadd.s32 $0xFFFFF000  }
0x6c: {  	[spmem:s2] =	stream.indirect.scatter.add.f32 [tilespmem:s25], [sflag:$0x6], $0x20, s8, s22, $0xb8;
	[tilespmem:$0x17400] =	vst v63  }
0x6d: {  	_ =	swait.ge [sflag:s28], $0x1000  }
0x6e: {  	[sflag:s28] =	ssyncset.done $0x0  }
0x6f: {  	p1 =	seq.s32 s31, $0x11800;
	s8 =	sadd.s32 $0xA380, s0;
	[sflag:s28] =	ssyncadd.s32 $0xFFFFF000  }
0x70: {  	[tilespmem:s1], [sflag:$0x4] =	stream.indirect.gather [spmem:s3], $0x20, s8, s22, $0xb8;
	[tilespmem:$0x17400] =	vst v63  }
.Ltmp3:
0x71: {  	_ = 	snop;
	(pc) =	sbr.rel @p1 .LBB2_8-.Ltmp3, $4  }
0x72: {  	_ =	swait.ge [sflag:s7], $0x1000  }
0x73: {  	[sflag:s7] =	ssyncset.done $0x0  }
0x74: {  	s8 =	sadd.s32 $0xED00, s0;
	[sflag:s7] =	ssyncadd.s32 $0xFFFFF000  }
0x75: {  	[spmem:s2] =	stream.indirect.scatter.add.f32 [tilespmem:s29], [sflag:$0x7], $0x20, s8, s22, $0xb8;
	[tilespmem:$0x17400] =	vst v63  }
0x76: {  	_ =	swait.ge [sflag:s10], $0x1000  }
0x77: {  	[sflag:s10] =	ssyncset.done $0x0  }
0x78: {  	s8 =	sadd.s32 $0xA400, s0;
	[sflag:s10] =	ssyncadd.s32 $0xFFFFF000  }
0x79: {  	[tilespmem:s23], [sflag:$0x1] =	stream.indirect.gather [spmem:s3], $0x20, s8, s22, $0xb8;
	[tilespmem:$0x17400] =	vst v63  }
0x7a: {  	_ =	swait.ge [sflag:s12], $0x1000  }
0x7b: {  	[sflag:s12] =	ssyncset.done $0x0  }
0x7c: {  	s8 =	sadd.s32 $0xED80, s0;
	[sflag:s12] =	ssyncadd.s32 $0xFFFFF000  }
0x7d: {  	[spmem:s2] =	stream.indirect.scatter.add.f32 [tilespmem:s1], [sflag:$0x8], $0x20, s8, s22, $0xb8;
	[tilespmem:$0x17400] =	vst v63  }
.Ltmp4:
0x7e: {  	_ = 	snop;
	(pc) =	sbr.rel .LBB2_6-.Ltmp4, $4  }
0x7f: {  	_ =	swait.ge [sflag:s14], $0x1000  }
0x80: {  	[sflag:s14] =	ssyncset.done $0x0  }
0x81: {  	s31 =	sadd.s32 $0x800, s31;
	s8 =	sadd.s32 $0xA480, s0;
	[sflag:s14] =	ssyncadd.s32 $0xFFFFF000  }
0x82: {  	[tilespmem:s25], [sflag:$0x2] =	stream.indirect.gather [spmem:s3], $0x20, s8, s22, $0xb8;
	[tilespmem:$0x17400] =	vst v63  }
.LBB2_2:
0x83: {  	s0 =	rddreg [dreg:$0x8]  }
0x84: {  	[spmem:s19], [sflag:s9] =	dma.local [hbm:s0], $0xA00  }
0x85: {  	_ =	swait.ge [sflag:s18], $0xA00  }
0x86: {  	[sflag:s18] =	ssyncset.done $0x0  }
0x87: {  	s31 =	simm.s32 $0x0;
	s8 =	rddreg [dreg:$0x9];
	[sflag:s18] =	ssyncadd.s32 $0xFFFFF600  }
0x88: {  	[tilespmem:s20], [sflag:$0x9] =	stream.linear.gather [hbm4b:s8+s31], $0x4A00, $0x38;
	[tilespmem:$0x17400] =	vst v63  }
0x89: {  	_ =	swait.ge [sflag:s18], $0x4A00  }
0x8a: {  	[sflag:s18] =	ssyncset.done $0x0  }
0x8b: {  	s8 =	rddreg [dreg:$0xa];
	[sflag:s18] =	ssyncadd.s32 $0xFFFFB600  }
0x8c: {  	[tilespmem:s21], [sflag:$0x9] =	stream.linear.gather [hbm4b:s8+s31], $0x4A00, $0x38;
	[tilespmem:$0x17400] =	vst v63  }
0x8d: {  	_ =	swait.ge [sflag:s18], $0x4A00  }
0x8e: {  	[sflag:s18] =	ssyncset.done $0x0  }
0x8f: {  	[sflag:s18] =	ssyncadd.s32 $0xFFFFB600  }
0x90: {  	[bflag:$0x0] =	sbarrier.arrive $0xFFFF  }
0x91: {  	[tilespmem:s23], [sflag:$0x1] =	stream.indirect.gather [spmem:s3], $0x20, s20, s22, $0xb8;
	[tilespmem:$0x17400] =	vst v63  }
0x92: {  	s8 =	simm.s32 $0xA080  }
0x93: {  	[tilespmem:s25], [sflag:$0x2] =	stream.indirect.gather [spmem:s3], $0x20, s8, s22, $0xb8;
	[tilespmem:$0x17400] =	vst v63  }
0x94: {  	_ =	swait.ge [sflag:s26], $0x1000  }
0x95: {  	[sflag:s26] =	ssyncset.done $0x0  }
0x96: {  	[sflag:s26] =	ssyncadd.s32 $0xFFFFF000  }
0x97: {  	[spmem:s2] =	stream.indirect.scatter.add.f32 [tilespmem:s23], [sflag:$0x5], $0x20, s21, s22, $0xb8;
	[tilespmem:$0x17400] =	vst v63  }
0x98: {  	s8 =	simm.s32 $0xA100  }
0x99: {  	[tilespmem:s29], [sflag:$0x3] =	stream.indirect.gather [spmem:s3], $0x20, s8, s22, $0xb8;
	[tilespmem:$0x17400] =	vst v63  }
0x9a: {  	_ =	swait.ge [sflag:s30], $0x1000  }
0x9b: {  	[sflag:s30] =	ssyncset.done $0x0  }
0x9c: {  	s8 =	simm.s32 $0xEA80;
	[sflag:s30] =	ssyncadd.s32 $0xFFFFF000  }
0x9d: {  	[spmem:s2] =	stream.indirect.scatter.add.f32 [tilespmem:s25], [sflag:$0x6], $0x20, s8, s22, $0xb8;
	[tilespmem:$0x17400] =	vst v63  }
0x9e: {  	s8 =	simm.s32 $0xA180  }
0x9f: {  	[tilespmem:s1], [sflag:$0x4] =	stream.indirect.gather [spmem:s3], $0x20, s8, s22, $0xb8;
	[tilespmem:$0x17400] =	vst v63  }
0xa0: {  	_ =	swait.ge [sflag:s7], $0x1000  }
0xa1: {  	[sflag:s7] =	ssyncset.done $0x0  }
0xa2: {  	s8 =	simm.s32 $0xEB00;
	[sflag:s7] =	ssyncadd.s32 $0xFFFFF000  }
0xa3: {  	[spmem:s2] =	stream.indirect.scatter.add.f32 [tilespmem:s29], [sflag:$0x7], $0x20, s8, s22, $0xb8;
	[tilespmem:$0x17400] =	vst v63  }
0xa4: {  	_ =	swait.ge [sflag:s10], $0x1000  }
0xa5: {  	[sflag:s10] =	ssyncset.done $0x0  }
0xa6: {  	[sflag:s10] =	ssyncadd.s32 $0xFFFFF000  }
0xa7: {  	[tilespmem:s23], [sflag:$0x1] =	stream.indirect.gather [spmem:s3], $0x20, s11, s22, $0xb8;
	[tilespmem:$0x17400] =	vst v63  }
0xa8: {  	_ =	swait.ge [sflag:s12], $0x1000  }
0xa9: {  	[sflag:s12] =	ssyncset.done $0x0  }
0xaa: {  	[sflag:s12] =	ssyncadd.s32 $0xFFFFF000  }
0xab: {  	[spmem:s2] =	stream.indirect.scatter.add.f32 [tilespmem:s1], [sflag:$0x8], $0x20, s13, s22, $0xb8;
	[tilespmem:$0x17400] =	vst v63  }
0xac: {  	_ =	swait.ge [sflag:s14], $0x1000  }
0xad: {  	[sflag:s14] =	ssyncset.done $0x0  }
0xae: {  	[sflag:s14] =	ssyncadd.s32 $0xFFFFF000  }
0xaf: {  	[tilespmem:s25], [sflag:$0x2] =	stream.indirect.gather [spmem:s3], $0x20, s15, s22, $0xb8;
	[tilespmem:$0x17400] =	vst v63  }
.LBB2_3:
0xb0: {  	_ =	swait.ge [sflag:s26], $0x1000  }
0xb1: {  	s0 =	sshra.s32 s31, $0x2;
	[sflag:s26] =	ssyncset.done $0x0  }
0xb2: {  	s8 =	sadd.s32 $0xEC00, s0;
	[sflag:s26] =	ssyncadd.s32 $0xFFFFF000  }
0xb3: {  	[spmem:s2] =	stream.indirect.scatter.add.f32 [tilespmem:s23], [sflag:$0x5], $0x20, s8, s22, $0xb8;
	[tilespmem:$0x17400] =	vst v63  }
0xb4: {  	_ =	swait.ge [sflag:s24], $0x1000  }
0xb5: {  	[sflag:s24] =	ssyncset.done $0x0  }
0xb6: {  	s8 =	sadd.s32 $0xA300, s0;
	[sflag:s24] =	ssyncadd.s32 $0xFFFFF000  }
0xb7: {  	[tilespmem:s29], [sflag:$0x3] =	stream.indirect.gather [spmem:s3], $0x20, s8, s22, $0xb8;
	[tilespmem:$0x17400] =	vst v63  }
0xb8: {  	_ =	swait.ge [sflag:s30], $0x1000  }
0xb9: {  	[sflag:s30] =	ssyncset.done $0x0  }
0xba: {  	s8 =	sadd.s32 $0xEC80, s0;
	[sflag:s30] =	ssyncadd.s32 $0xFFFFF000  }
0xbb: {  	[spmem:s2] =	stream.indirect.scatter.add.f32 [tilespmem:s25], [sflag:$0x6], $0x20, s8, s22, $0xb8;
	[tilespmem:$0x17400] =	vst v63  }
0xbc: {  	_ =	swait.ge [sflag:s28], $0x1000  }
0xbd: {  	[sflag:s28] =	ssyncset.done $0x0  }
0xbe: {  	p1 =	seq.s32 s31, $0x11800;
	s8 =	sadd.s32 $0xA380, s0;
	[sflag:s28] =	ssyncadd.s32 $0xFFFFF000  }
0xbf: {  	[tilespmem:s1], [sflag:$0x4] =	stream.indirect.gather [spmem:s3], $0x20, s8, s22, $0xb8;
	[tilespmem:$0x17400] =	vst v63  }
.Ltmp5:
0xc0: {  	_ = 	snop;
	(pc) =	sbr.rel @p1 .LBB2_9-.Ltmp5, $4  }
0xc1: {  	_ =	swait.ge [sflag:s7], $0x1000  }
0xc2: {  	[sflag:s7] =	ssyncset.done $0x0  }
0xc3: {  	s8 =	sadd.s32 $0xED00, s0;
	[sflag:s7] =	ssyncadd.s32 $0xFFFFF000  }
0xc4: {  	[spmem:s2] =	stream.indirect.scatter.add.f32 [tilespmem:s29], [sflag:$0x7], $0x20, s8, s22, $0xb8;
	[tilespmem:$0x17400] =	vst v63  }
0xc5: {  	_ =	swait.ge [sflag:s10], $0x1000  }
0xc6: {  	[sflag:s10] =	ssyncset.done $0x0  }
0xc7: {  	s8 =	sadd.s32 $0xA400, s0;
	[sflag:s10] =	ssyncadd.s32 $0xFFFFF000  }
0xc8: {  	[tilespmem:s23], [sflag:$0x1] =	stream.indirect.gather [spmem:s3], $0x20, s8, s22, $0xb8;
	[tilespmem:$0x17400] =	vst v63  }
0xc9: {  	_ =	swait.ge [sflag:s12], $0x1000  }
0xca: {  	[sflag:s12] =	ssyncset.done $0x0  }
0xcb: {  	s8 =	sadd.s32 $0xED80, s0;
	[sflag:s12] =	ssyncadd.s32 $0xFFFFF000  }
0xcc: {  	[spmem:s2] =	stream.indirect.scatter.add.f32 [tilespmem:s1], [sflag:$0x8], $0x20, s8, s22, $0xb8;
	[tilespmem:$0x17400] =	vst v63  }
.Ltmp6:
0xcd: {  	_ = 	snop;
	(pc) =	sbr.rel .LBB2_3-.Ltmp6, $4  }
0xce: {  	_ =	swait.ge [sflag:s14], $0x1000  }
0xcf: {  	[sflag:s14] =	ssyncset.done $0x0  }
0xd0: {  	s31 =	sadd.s32 $0x800, s31;
	s8 =	sadd.s32 $0xA480, s0;
	[sflag:s14] =	ssyncadd.s32 $0xFFFFF000  }
0xd1: {  	[tilespmem:s25], [sflag:$0x2] =	stream.indirect.gather [spmem:s3], $0x20, s8, s22, $0xb8;
	[tilespmem:$0x17400] =	vst v63  }
.LBB2_8:
.Ltmp7:
0xd2: {  	(pc) =	sbr.rel .LBB2_10-.Ltmp7, $2  }
0xd3: {  	_ =	sdelay $0x2  }
0xd4: {  	s31 =	sadd.s32 $0xE00, s31;
	s0 =	rddreg [dreg:$0x7]  }
.LBB2_11:
0xd5: {  	_ =	sfence.sel $0x180000  }
0xd6: {  	[bflag:$0x0] =	sbarrier.arrive $0xFFFF  }
0xd7: {  	_ =	strace $0x9000004A  }
0xd8: {  	s0 =	stileid.u32;
	[bflag:$0x2] =	sbarrier.arrive $0xFFFF  }
0xd9: {  	p0 =	sne.s32 s0, $0x0;
	s0 =	rddreg [dreg:$0x5]  }
0xda: {  	s0 =	sadd.s32 @!p0 $0x100000, s0  }
0xdb: {  	[sflag:s0] =	ssyncadd.tile.s32 @!p0 $0x1;
	_ =	shalt  }
.Lfunc_end2:
_tile_overlayer_lowered:
.L_overlay_start_2:
0xdc: {  	(tag) =	ssettag $0x2  }
0xdd: {  	s0 =	rddreg [dreg:$0x0];
	s2 =	stileid.u32  }
0xde: {  	s1 =	rddreg [dreg:$0x1];
	p0 =	sne.s32 s2, $0x0  }
0xdf: {  	s3 =	rddreg [dreg:$0x2];
	[bflag:$0x3] =	sbarrier.arrive $0xFFFF;
	s2 =	simm.s32 @!p0 $0x1C09  }
0xe0: {  	[timem:s3], [sflag:s2] =	dma.local @!p0 [hbm:s0], s1  }
0xe1: {  	s0 =	simm.s32 @!p0 $0x9  }
0xe2: {  	_ =	swait.ge @!p0 [sflag:s0], s1  }
0xe3: {  	s1 =	ssub.s32 @!p0 $0x0, s1;
	[sflag:s0] =	ssyncset.done @!p0 $0x0  }
0xe4: {  	[sflag:s0] =	ssyncadd.s32 @!p0 s1  }
0xe5: {  	[bflag:$0x3] =	sbarrier.arrive $0xFFFF  }
0xe6: {  	_ =	shalt  }

// kernel: kernel.7.cloned.1.call-start
scs
__scs_entry_jumppad:
0x0: {  	(pc) =	sbr.rel $0x88, $3  }
0x1: {  	(tag) =	ssettag $0x0;
	lr =	simm.s32 $0x1  }
0x2: {  	[smem:$0x3F85] =	sst lr;
	_ =	strace $0xD0000000  }
0x3: {  	_ = 	snop  }
0x4: {  	_ = 	snop  }
0x5: {  	_ = 	snop  }
0x6: {  	_ = 	snop  }
0x7: {  	_ = 	snop  }
__scs_overlays_trampoline_lowered:
0x8: {  	[smem:$0x3F94] =	sst s0  }
0x9: {  	[smem:$0x3F95] =	sst s1  }
0xa: {  	[smem:$0x3F96] =	sst s2  }
0xb: {  	[smem:$0x3F97] =	sst s3  }
0xc: {  	[smem:$0x3F98] =	sst s4  }
0xd: {  	[smem:$0x3F99] =	sst s5  }
0xe: {  	[smem:$0x3F9A] =	sst s6  }
0xf: {  	[smem:$0x3F9B] =	sst s7  }
0x10: {  	[smem:$0x3F9C] =	sst s8  }
0x11: {  	[smem:$0x3F9D] =	sst s9;
	s0 =	simm.s32 @!p0 $0x0  }
0x12: {  	s1 =	sld [smem:$0x3F83];
	s0 =	simm.s32 @p0 $0x1  }
0x13: {  	[smem:$0x3F9E] =	sst s0;
	s0 =	simm.s32 @!p1 $0x0  }
0x14: {  	s2 =	sld [smem:$0x3F82];
	s0 =	simm.s32 @p1 $0x1  }
0x15: {  	[smem:$0x3F9F] =	sst s0;
	s0 =	simm.s32 @!p2 $0x0  }
0x16: {  	s3 =	sld [smem:$0x3FDB];
	s0 =	simm.s32 @p2 $0x1  }
0x17: {  	s4 =	simm.s32 $0x1BF5;
	[smem:$0x3FA1] =	sst s0  }
0x18: {  	s0 =	sld [smem:$0x3F84];
	_ =	swait.ge [sflag:s4], $0x0  }
0x19: {  	s7 =	sld [smem:$0x3F85]  }
0x1a: {  	s8 =	sadd.s32 $0xFFFFE003, lr  }
0x1b: {  	s9 =	sadd.s32 $0xFFFFFEF7, lr;
	s5 =	simm.s32 $0xFFFFFFFF;
	p2 =	slt.u32 s8, $0xFFFFF086  }
0x1c: {  	p1 =	slt.u32 s9, $0xF7A;
	s5 =	simm.s32 @!p2 $0x0  }
0x1d: {  	s5 =	simm.s32 @p1 $0x1;
	p0 =	seq.s32 s7, s2  }
0x1e: {  	s7 =	smul.u32 @!p0 $0xF7A, s2;
	p2 =	seq.s32 @!p0 s5, $0x0  }
0x1f: {  	s9 =	smul.u32 $0xF7A, s1;
	s8 =	simm.s32 @!p0 $0x1BF5;
	p2 =	por !p2, p0  }
0x20: {  	[sflag:s8] =	ssyncset.s32 @!p0 $0xFFFFF086;
	s6 =	sadd.s32 @!p0 s3, s7;
	s7 =	simm.s32 @!p0 $0x108  }
0x21: {  	s3 =	sadd.s32 s3, s9;
	s6 =	sadd.s32 @!p0 $0x88, s6;
	s7 =	simm.s32 @p2 $0x1082  }
0x22: {  	[simem:s7], [sflag:s8] =	dma.local @!p0 [hbm:s6], $0xF7A  }
0x23: {  	s9 =	sor.u32 $0xD0000000, s2;
	s6 =	simm.s32 $0x108;
	_ =	swait.ge @!p0 [sflag:s8], $0x0  }
0x24: {  	s3 =	sadd.s32 $0x88, s3;
	s6 =	simm.s32 @!p1 $0x1082;
	[sflag:s4] =	ssyncset.s32 $0xFFFFF086  }
0x25: {  	[simem:s6], [sflag:s4] =	dma.local [hbm:s3], $0xF7A  }
0x26: {  	[smem:$0x3F85] =	sst s1;
	(tag) =	ssettag s2;
	_ =	strace s9  }
0x27: {  	s1 =	sld [smem:$0x3F95]  }
0x28: {  	s2 =	sld [smem:$0x3F96]  }
0x29: {  	s4 =	sld [smem:$0x3F98]  }
0x2a: {  	p0 =	seq.s32 s5, $0x0;
	s5 =	sld [smem:$0x3F99]  }
0x2b: {  	s6 =	sld [smem:$0x3F9A]  }
0x2c: {  	s7 =	sld [smem:$0x3F9B]  }
0x2d: {  	s3 =	simm.s32 $0x108;
	s8 =	sld [smem:$0x3F9C]  }
0x2e: {  	s3 =	simm.s32 @!p0 $0x1082;
	s9 =	sld [smem:$0x3F9D]  }
0x2f: {  	lr =	sadd.s32 s0, s3;
	s0 =	sld [smem:$0x3F94]  }
0x30: {  	s3 =	sld [smem:$0x3F97]  }
0x31: {  	[smem:$0x3FA0] =	sst s10  }
0x32: {  	s10 =	sld [smem:$0x3F9E];
	_ =	sdelay $0x3  }
0x33: {  	p0 =	seq.s32 s10, $0x1;
	s10 =	sld [smem:$0x3FA0];
	_ =	sdelay $0x3  }
0x34: {  	[smem:$0x3FA0] =	sst s10  }
0x35: {  	s10 =	sld [smem:$0x3F9F];
	_ =	sdelay $0x3  }
0x36: {  	p1 =	seq.s32 s10, $0x1;
	s10 =	sld [smem:$0x3FA0];
	_ =	sdelay $0x3  }
0x37: {  	[smem:$0x3FA0] =	sst s10  }
0x38: {  	s10 =	sld [smem:$0x3FA1]  }
0x39: {  	_ = 	snop;
	(pc) =	sbr.ind lr, $3  }
0x3a: {  	_ = 	snop  }
0x3b: {  	_ = 	snop  }
0x3c: {  	p2 =	seq.s32 s10, $0x1;
	s10 =	sld [smem:$0x3FA0]  }
0x3d: {  	_ =	shalt  }
0x3e: {  	_ =	shalt  }
0x3f: {  	_ =	shalt  }
0x40: {  	_ =	shalt  }
0x41: {  	_ =	shalt  }
0x42: {  	_ =	shalt  }
0x43: {  	_ =	shalt  }
0x44: {  	_ =	shalt  }
0x45: {  	_ =	shalt  }
0x46: {  	_ =	shalt  }
0x47: {  	_ =	shalt  }
0x48: {  	_ =	shalt  }
0x49: {  	_ =	shalt  }
0x4a: {  	_ =	shalt  }
0x4b: {  	_ =	shalt  }
0x4c: {  	_ =	shalt  }
0x4d: {  	_ =	shalt  }
0x4e: {  	_ =	shalt  }
0x4f: {  	_ =	shalt  }
0x50: {  	_ =	shalt  }
0x51: {  	_ =	shalt  }
0x52: {  	_ =	shalt  }
0x53: {  	_ =	shalt  }
0x54: {  	_ =	shalt  }
0x55: {  	_ =	shalt  }
0x56: {  	_ =	shalt  }
0x57: {  	_ =	shalt  }
0x58: {  	_ =	shalt  }
0x59: {  	_ =	shalt  }
0x5a: {  	_ =	shalt  }
0x5b: {  	_ =	shalt  }
0x5c: {  	_ =	shalt  }
0x5d: {  	_ =	shalt  }
0x5e: {  	_ =	shalt  }
0x5f: {  	_ =	shalt  }
0x60: {  	_ =	shalt  }
0x61: {  	_ =	shalt  }
0x62: {  	_ =	shalt  }
0x63: {  	_ =	shalt  }
0x64: {  	_ =	shalt  }
0x65: {  	_ =	shalt  }
0x66: {  	_ =	shalt  }
0x67: {  	_ =	shalt  }
0x68: {  	_ =	shalt  }
0x69: {  	_ =	shalt  }
0x6a: {  	_ =	shalt  }
0x6b: {  	_ =	shalt  }
0x6c: {  	_ =	shalt  }
0x6d: {  	_ =	shalt  }
0x6e: {  	_ =	shalt  }
0x6f: {  	_ =	shalt  }
0x70: {  	_ =	shalt  }
0x71: {  	_ =	shalt  }
0x72: {  	_ =	shalt  }
0x73: {  	_ =	shalt  }
0x74: {  	_ =	shalt  }
0x75: {  	_ =	shalt  }
0x76: {  	_ =	shalt  }
0x77: {  	_ =	shalt  }
0x78: {  	_ =	shalt  }
0x79: {  	_ =	shalt  }
0x7a: {  	_ =	shalt  }
0x7b: {  	_ =	shalt  }
0x7c: {  	_ =	shalt  }
0x7d: {  	_ =	shalt  }
0x7e: {  	_ =	shalt  }
0x7f: {  	_ =	shalt  }
0x80: {  	_ =	shalt  }
0x81: {  	_ =	shalt  }
0x82: {  	_ =	shalt  }
0x83: {  	_ =	shalt  }
0x84: {  	_ =	shalt  }
0x85: {  	_ =	shalt  }
0x86: {  	_ =	shalt  }
0x87: {  	_ =	shalt  }
.Lfunc_end0:
.L_simem_size_0:
called_computation_lowered:
.L_overlay_start_0:
0x88: {  	s2 =	sld [smem:$0x3FD9]  }
0x89: {  	s3 =	sld [smem:$0x3FFE];
	_ =	sdelay $0x1  }
0x8a: {  	s1 =	srdreg.scid  }
0x8b: {  	s0 =	sand.u32 $0x1, s1  }
0x8c: {  	s14 =	sshll.u32 s0, $0xA;
	s2 =	sadd.s32 s3, s2  }
0x8d: {  	s2 =	sadd.s32 s2, s14  }
0x8e: {  	[smem:$0x3FAC] =	sst s2  }
0x8f: {  	_ = 	snop  }
0x90: {  	s2 =	sld [smem:$0x3FD0];
	_ =	sdelay $0x2  }
0x91: {  	s15 =	simm.s32 $0xA;
	s4 =	simm.s32 $0x10  }
0x92: {  	[smem:s4], [sflag:s15] =	dma.local [hbm:s2], $0x1  }
0x93: {  	_ =	swait.eq [sflag:s15], $0x1  }
0x94: {  	[sflag:s15] =	ssyncset.done $0x0  }
0x95: {  	s16 =	sld [smem:$0x10];
	[sflag:s15] =	ssyncadd.s32 $0xFFFFFFFF  }
0x96: {  	s17 =	sld [smem:$0x11];
	(tm) =	ssettm $0x1  }
0x97: {  	s18 =	sld [smem:$0x3FFB];
	_ =	sdelay $0x3  }
0x98: {  	_ =	strace s18  }
0x99: {  	s4 =	sld [smem:$0x3FFC];
	_ =	sdelay $0x3  }
0x9a: {  	_ =	strace s4  }
0x9b: {  	s4 =	sld [smem:$0x3FFD];
	_ =	sdelay $0x3  }
0x9c: {  	_ =	strace s4  }
0x9d: {  	_ =	strace $0x8FFFFFFF  }
0x9e: {  	s19 =	sld [smem:$0x3FDB];
	_ =	sdelay $0x1  }
0x9f: {  	s5 =	simm.s32 $_scs_section_size  }
0xa0: {  	s6 =	simm.s32 $_size__tile_overlayer_lowered;
	s7 =	simm.s32 $_tile_overlayer_lowered  }
0xa1: {  	s22 =	simm.s32 $0x1BFF;
	s21 =	sshll.u32 s7, $0x1;
	s4 =	sadd.s32 s5, s19  }
0xa2: {  	s8 =	simm.s32 $0x0;
	s20 =	sshll.u32 s6, $0x1;
	s6 =	sadd.s32 s21, s4  }
0xa3: {  	[timem:s8], [sflag:s22] =	dma.local [hbm:s6], s20  }
0xa4: {  	_ =	swait.ge [sflag:s22], s20  }
0xa5: {  	s5 =	ssub.s32 $0x0, s20;
	[sflag:s22] =	ssyncset.done $0x0  }
0xa6: {  	[sflag:s22] =	ssyncadd.s32 s5;
	_ =	sdelay $0x1  }
0xa7: {  	s23 =	simm.s32 $0x1B8B  }
0xa8: {  	_ =	swait.ge [sflag:s23], $0x1  }
0xa9: {  	[sflag:s23] =	ssyncset.done $0x0  }
0xaa: {  	s25 =	simm.s32 $0x1B8E;
	s24 =	sld [smem:$0x3FFE];
	[sflag:s23] =	ssyncadd.s32 $0xFFFFFFFF  }
0xab: {  	s26 =	simm.s32 $execute0_lowered;
	[smem:$0x3FD2] =	sst s25  }
0xac: {  	s6 =	sshll.u32 s26, $0x1;
	_ =	strace $0x80000046;
	[dreg:$0x1] =	wrdreg $0xFFFFFFFF  }
0xad: {  	s28 =	simm.s32 $_size_execute0_lowered;
	s4 =	sadd.s32 s4, s6;
	[dreg:$0x0] =	wrdreg $0x0  }
0xae: {  	s6 =	sshll.u32 s28, $0x1;
	[dreg:$0x2] =	wrdreg s4  }
0xaf: {  	[dreg:$0x3] =	wrdreg s6  }
0xb0: {  	[dreg:$0x4] =	wrdreg $0xC0  }
0xb1: {  	_ =	task [dreg:s8], $0x5FFFF  }
0xb2: {  	[dreg:$0x1] =	wrdreg $0xFFFFFFFF  }
0xb3: {  	[dreg:$0x0] =	wrdreg $0x60  }
0xb4: {  	[dreg:$0x2] =	wrdreg s24  }
0xb5: {  	[dreg:$0x3] =	wrdreg s17  }
0xb6: {  	[dreg:$0x4] =	wrdreg s16  }
0xb7: {  	[dreg:$0x5] =	wrdreg $0x0  }
0xb8: {  	[dreg:$0x6] =	wrdreg $0xA0000  }
0xb9: {  	[dreg:$0x7] =	wrdreg $0x9  }
0xba: {  	_ =	task.clear_ibuf [dreg:s8], $0x8FFFF;
	_ =	strace $0x90000046  }
0xbb: {  	s29 =	simm.s32 $0x9;
	_ =	strace $0x80000048  }
0xbc: {  	_ =	swait.ge [sflag:s29], $0x1  }
0xbd: {  	[sflag:s29] =	ssyncadd.s32 $0xFFFFFFFF  }
0xbe: {  	_ =	strace $0x90000048  }
0xbf: {  	_ =	sfence  }
0xc0: {  	s30 =	sld [smem:$0x0];
	_ =	sdelay $0x2  }
0xc1: {  	s31 =	sshll.u32 s1, $0xD;
	s1 =	sshrl.u32 s1, $0x2  }
0xc2: {  	s3 =	sand.u32 $0x4000, s31;
	s1 =	sadd.s32 s1, s30  }
0xc3: {  	s0 =	sor.u32 s3, s0;
	s1 =	sshll.u32 s1, $0x11  }
0xc4: {  	s0 =	sor.u32 s1, s0  }
0xc5: {  	s0 =	sadd.s32 $0x8F2B, s0  }
0xc6: {  	[sflag:s0] =	ssyncadd.remote.s32 $0x1  }
0xc7: {  	_ =	sfence.sel $0xFFFF  }
0xc8: {  	[dreg:$0x0] =	wrdreg $0xFFFFFFFF;
	(pc) =	sbr.abs _section_cstart, $3  }
0xc9: {  	[dreg:$0x1] =	wrdreg $0xFFFFFFFF  }
0xca: {  	_ =	task.clear_ibuf [dreg:s8], $0x2FFFF;
	_ =	strace $0x9FFFFFFF  }
0xcb: {  	(tm) =	ssettm $0x7FFFFFFF  }
tec
execute0_lowered:
.L_overlay_start_1:
0x0: {  	(tag) =	ssettag $0x1  }
0x1: {  	s0 =	rddreg [dreg:$0x0]  }
0x2: {  	s1 =	rddreg [dreg:$0x1]  }
0x3: {  	s4 =	rddreg [dreg:$0x2]  }
0x4: {  	s2 =	rddreg [dreg:$0x3]  }
0x5: {  	s3 =	rddreg [dreg:$0x4]  }
0x6: {  	s5 =	simm.s32 $0x0;
	s13 =	stileid.u32;
	s17 =	srdreg.scid  }
0x7: {  	s28 =	simm.s32 $0x11200;
	s29 =	simm.s32 $0x80;
	s30 =	simm.s32 $0x15C00  }
0x8: {  	[smem:$0x7FF] =	sst s5;
	s7 =	smul.u32 $0x940, s13;
	s9 =	sadd.s32 $0x3F400, s0  }
0x9: {  	s14 =	sadd.s32 $0x40800, s0;
	_ =	strace $0x80000047;
	[dreg:$0x6] =	wrdreg s9  }
0xa: {  	s5 =	sadd.s32 $0x19200, s0;
	s15 =	sadd.s32 $0x40E00, s0;
	[dreg:$0x7] =	wrdreg s14  }
0xb: {  	s6 =	sadd.s32 $0x5800, s0;
	s16 =	sadd.s32 $0x5F000, s0;
	[dreg:$0x8] =	wrdreg s15  }
0xc: {  	s10 =	sadd.s32 $0x4B000, s0;
	s18 =	sadd.s32 $0x41000, s0;
	[dreg:$0x9] =	wrdreg s16  }
0xd: {  	s20 =	smul.u32 $0xA000, s13;
	s12 =	sshll.u32 s13, $0x6;
	[dreg:$0xa] =	wrdreg s10  }
0xe: {  	s13 =	smul.u32 $0x2800, s13;
	[dreg:$0xb] =	wrdreg s18;
	s9 =	sand.u32 $0x1, s17  }
0xf: {  	s15 =	sor.u32 $0x1C0D, s12;
	s10 =	simm.s32 $0x19C00;
	s17 =	simm.s32 $0x1BC00  }
0x10: {  	s18 =	simm.s32 $0x3;
	s14 =	simm.s32 $0xB;
	s16 =	simm.s32 $0x8  }
0x11: {  	s8 =	sadd.s32 s7, s0;
	s0 =	sadd.s32 $0x46000, s0;
	s19 =	ssub.s32 $0x2, s9  }
0x12: {  	s21 =	sadd.s32 s20, s2;
	s22 =	sadd.s32 s13, s3;
	[dreg:$0xc] =	wrdreg s0  }
0x13: {  	p0 =	seq.s32 s9, $0x1;
	s1 =	sadd.s32 s1, s7;
	[dreg:$0xd] =	wrdreg s21  }
0x14: {  	s23 =	sadd.s32 s4, s7;
	s24 =	sshrl.u32 s20, $0x3;
	[dreg:$0xe] =	wrdreg s22  }
0x15: {  	s25 =	sshrl.u32 s13, $0x3;
	s13 =	simm.s32 $0x4;
	[dreg:$0xf] =	wrdreg s1  }
0x16: {  	s7 =	simm.s32 $0x6;
	s9 =	simm.s32 $0x7;
	[dreg:$0x10] =	wrdreg s23  }
0x17: {  	s20 =	simm.s32 $0x0;
	s11 =	sshrl.u32 s19, $0x1;
	[dreg:$0x11] =	wrdreg s24  }
0x18: {  	[dreg:$0x12] =	wrdreg s25;
	s26 =	sadd.s32 $0x36000, s8;
	s31 =	sadd.s32 $0x2CC00, s8  }
.Ltmp0:
0x19: {  	s24 =	simm.s32 $0xD;
	s25 =	simm.s32 $0x1DC00;
	(pc) =	sbr.rel .LBB2_1-.Ltmp0, $4  }
0x1a: {  	s1 =	simm.s32 $0x1;
	s21 =	simm.s32 $0x5;
	s22 =	simm.s32 $0x9  }
0x1b: {  	s8 =	simm.s32 $0xA;
	s0 =	ssub.s32 s19, s11;
	[dreg:$0x13] =	wrdreg s26  }
0x1c: {  	[dreg:$0x14] =	wrdreg s31;
	s11 =	simm.s32 $0x2;
	s0 =	smax.u32 s0, $0x1  }
0x1d: {  	s19 =	simm.s32 $0xC;
	[dreg:$0x15] =	wrdreg s0;
	s0 =	simm.s32 $0x17C00  }
.LBB2_9:
0x1e: {  	s31 =	rddreg [dreg:$0x9]  }
0x1f: {  	s4 =	sadd.s32 $0xE00, s12;
	s12 =	rddreg [dreg:$0xb]  }
.LBB2_10:
0x20: {  	_ =	swait.ge [sflag:s13], $0x2000  }
0x21: {  	s4 =	sshra.s32 s4, $0x2;
	[sflag:s13] =	ssyncset.done $0x0  }
0x22: {  	s4 =	sadd.s32 $0x11200, s4;
	[sflag:s13] =	ssyncadd.s32 $0xFFFFE000  }
0x23: {  	[spmem:s2] =	stream.indirect.scatter.add.f32 [tilespmem:s17], [sflag:$0x8], $0x40, s4, s29, $0xb8;
	[tilespmem:$0x1E400] =	vst v63  }
0x24: {  	_ = 	snop  }
0x25: {  	[spmem:s3] =	stream.indirect.scatter.add.f32 [tilespmem:s25], [sflag:$0xC], $0x10, s4, s29, $0xb8;
	[tilespmem:$0x1E400] =	vst v63  }
0x26: {  	_ =	swait.ge [sflag:s21], $0x2000  }
0x27: {  	[sflag:s21] =	ssyncset.done $0x0  }
0x28: {  	[sflag:s21] =	ssyncadd.s32 $0xFFFFE000  }
0x29: {  	_ =	swait.ge [sflag:s22], $0x800  }
0x2a: {  	[sflag:s22] =	ssyncset.done $0x0  }
0x2b: {  	[sflag:s22] =	ssyncadd.s32 $0xFFFFF800  }
0x2c: {  	_ =	swait.ge [sflag:s7], $0x2000  }
0x2d: {  	[sflag:s7] =	ssyncset.done $0x0  }
0x2e: {  	[sflag:s7] =	ssyncadd.s32 $0xFFFFE000  }
0x2f: {  	_ =	swait.ge [sflag:s8], $0x800  }
0x30: {  	[sflag:s8] =	ssyncset.done $0x0  }
0x31: {  	[sflag:s8] =	ssyncadd.s32 $0xFFFFF800  }
0x32: {  	_ =	swait.ge [sflag:s9], $0x2000  }
0x33: {  	[sflag:s9] =	ssyncset.done $0x0  }
0x34: {  	[sflag:s9] =	ssyncadd.s32 $0xFFFFE000  }
0x35: {  	_ =	swait.ge [sflag:s14], $0x800  }
0x36: {  	[sflag:s14] =	ssyncset.done $0x0  }
0x37: {  	[sflag:s14] =	ssyncadd.s32 $0xFFFFF800  }
0x38: {  	_ =	swait.ge [sflag:s16], $0x2000  }
0x39: {  	[sflag:s16] =	ssyncset.done $0x0  }
0x3a: {  	[sflag:s16] =	ssyncadd.s32 $0xFFFFE000  }
0x3b: {  	_ =	swait.ge [sflag:s19], $0x800  }
0x3c: {  	[sflag:s19] =	ssyncset.done $0x0  }
0x3d: {  	s4 =	rddreg [dreg:$0x11];
	[sflag:s19] =	ssyncadd.s32 $0xFFFFF800  }
0x3e: {  	s4 =	sadd.s32 s31, s4;
	[bflag:$0x0] =	sbarrier.arrive $0xFFFF  }
0x3f: {  	[hbm:s4], [sflag:s15] =	dma.local [spmem:s26], $0x1400  }
0x40: {  	_ =	swait.ge [sflag:s24], $0x1400  }
0x41: {  	[sflag:s24] =	ssyncset.done $0x0;
	s26 =	rddreg [dreg:$0x12]  }
0x42: {  	s4 =	sadd.s32 s12, s26;
	[sflag:s24] =	ssyncadd.s32 $0xFFFFEC00  }
0x43: {  	[hbm:s4], [sflag:s15] =	dma.local [spmem:s23], $0x500  }
0x44: {  	_ =	swait.ge [sflag:s24], $0x500  }
0x45: {  	s20 =	sadd.s32 $0x1, s20;
	s31 =	rddreg [dreg:$0x15]  }
0x46: {  	p1 =	sne.s32 s20, s31  }
.Ltmp1:
0x47: {  	_ = 	snop;
	(pc) =	sbr.rel @!p1 .LBB2_11-.Ltmp1, $3  }
0x48: {  	_ =	sdelay $0x1  }
0x49: {  	[sflag:s24] =	ssyncset.done $0x0  }
0x4a: {  	[sflag:s24] =	ssyncadd.s32 $0xFFFFFB00  }
.LBB2_1:
0x4b: {  	s4 =	rddreg [dreg:$0xd]  }
0x4c: {  	s23 =	rddreg [dreg:$0x6];
	s26 =	sshrl.u32 s4, $0x3  }
0x4d: {  	[spmem:s26], [sflag:s15] =	dma.local [hbm:s23], $0x1400  }
0x4e: {  	_ =	swait.ge [sflag:s24], $0x1400  }
0x4f: {  	[sflag:s24] =	ssyncset.done $0x0;
	s31 =	rddreg [dreg:$0xe]  }
0x50: {  	s12 =	rddreg [dreg:$0x7];
	[sflag:s24] =	ssyncadd.s32 $0xFFFFEC00;
	s23 =	sshrl.u32 s31, $0x3  }
0x51: {  	[spmem:s23], [sflag:s15] =	dma.local [hbm:s12], $0x500  }
0x52: {  	_ =	swait.ge [sflag:s24], $0x500  }
0x53: {  	s31 =	simm.s32 $0x0;
	[sflag:s24] =	ssyncset.done $0x0  }
.Ltmp2:
0x54: {  	s12 =	rddreg [dreg:$0x8];
	[sflag:s24] =	ssyncadd.s32 $0xFFFFFB00;
	(pc) =	sbr.rel @!p0 .LBB2_2-.Ltmp2, $4  }
0x55: {  	[tilespmem:s25], [sflag:$0xD] =	stream.linear.gather [hbm4b:s12+s31], $0x800, $0x38;
	[tilespmem:$0x1E400] =	vst v63  }
0x56: {  	_ =	swait.ge [sflag:s24], $0x800  }
0x57: {  	[sflag:s24] =	ssyncset.done $0x0  }
0x58: {  	s12 =	simm.s32 $0x0;
	[sflag:s24] =	ssyncadd.s32 $0xFFFFF800  }
0x59: {  	s4 =	rddreg [dreg:$0x13];
	s31 =	simm.s32 $0xC800  }
0x5a: {  	[tilespmem:s31], [sflag:$0xD] =	stream.linear.gather [hbm4b:s4+s12], $0x4A00, $0x38;
	[tilespmem:$0x1E400] =	vst v63  }
0x5b: {  	_ =	swait.ge [sflag:s24], $0x4A00  }
0x5c: {  	[sflag:s24] =	ssyncset.done $0x0  }
0x5d: {  	s4 =	rddreg [dreg:$0x14];
	[sflag:s24] =	ssyncadd.s32 $0xFFFFB600  }
0x5e: {  	[tilespmem:s28], [sflag:$0xD] =	stream.linear.gather [hbm4b:s4+s12], $0x4A00, $0x38;
	[tilespmem:$0x1E400] =	vst v63  }
0x5f: {  	_ =	swait.ge [sflag:s24], $0x4A00  }
0x60: {  	[sflag:s24] =	ssyncset.done $0x0  }
0x61: {  	[sflag:s24] =	ssyncadd.s32 $0xFFFFB600  }
0x62: {  	[bflag:$0x0] =	sbarrier.arrive $0xFFFF  }
0x63: {  	[tilespmem:s30], [sflag:$0x1] =	stream.indirect.gather [hbm4b:s6+s29], $0x40, s31, s29, $0xb8;
	[tilespmem:$0x1E400] =	vst v63  }
0x64: {  	s31 =	simm.s32 $0xC880  }
0x65: {  	[tilespmem:s0], [sflag:$0x2] =	stream.indirect.gather [hbm4b:s6+s29], $0x40, s31, s29, $0xb8;
	[tilespmem:$0x1E400] =	vst v63  }
0x66: {  	_ =	swait.ge [sflag:s1], $0x2000  }
0x67: {  	[sflag:s1] =	ssyncset.done $0x0  }
0x68: {  	[sflag:s1] =	ssyncadd.s32 $0xFFFFE000  }
0x69: {  	[spmem:s2] =	stream.indirect.scatter.add.f32 [tilespmem:s30], [sflag:$0x5], $0x40, s28, s29, $0xb8;
	[tilespmem:$0x1E400] =	vst v63  }
0x6a: {  	_ = 	snop  }
0x6b: {  	[spmem:s3] =	stream.indirect.scatter.add.f32 [tilespmem:s25], [sflag:$0x9], $0x10, s28, s29, $0xb8;
	[tilespmem:$0x1E400] =	vst v63  }
0x6c: {  	s31 =	simm.s32 $0xC900  }
0x6d: {  	[tilespmem:s10], [sflag:$0x3] =	stream.indirect.gather [hbm4b:s6+s29], $0x40, s31, s29, $0xb8;
	[tilespmem:$0x1E400] =	vst v63  }
0x6e: {  	_ =	swait.ge [sflag:s11], $0x2000  }
0x6f: {  	[sflag:s11] =	ssyncset.done $0x0  }
0x70: {  	s31 =	simm.s32 $0x11280;
	[sflag:s11] =	ssyncadd.s32 $0xFFFFE000  }
0x71: {  	[spmem:s2] =	stream.indirect.scatter.add.f32 [tilespmem:s0], [sflag:$0x6], $0x40, s31, s29, $0xb8;
	[tilespmem:$0x1E400] =	vst v63  }
0x72: {  	_ = 	snop  }
0x73: {  	[spmem:s3] =	stream.indirect.scatter.add.f32 [tilespmem:s25], [sflag:$0xA], $0x10, s31, s29, $0xb8;
	[tilespmem:$0x1E400] =	vst v63  }
0x74: {  	s31 =	simm.s32 $0xC980  }
0x75: {  	[tilespmem:s17], [sflag:$0x4] =	stream.indirect.gather [hbm4b:s6+s29], $0x40, s31, s29, $0xb8;
	[tilespmem:$0x1E400] =	vst v63  }
0x76: {  	_ =	swait.ge [sflag:s18], $0x2000  }
0x77: {  	[sflag:s18] =	ssyncset.done $0x0  }
0x78: {  	s31 =	simm.s32 $0x11300;
	[sflag:s18] =	ssyncadd.s32 $0xFFFFE000  }
0x79: {  	[spmem:s2] =	stream.indirect.scatter.add.f32 [tilespmem:s10], [sflag:$0x7], $0x40, s31, s29, $0xb8;
	[tilespmem:$0x1E400] =	vst v63  }
0x7a: {  	_ = 	snop  }
0x7b: {  	[spmem:s3] =	stream.indirect.scatter.add.f32 [tilespmem:s25], [sflag:$0xB], $0x10, s31, s29, $0xb8;
	[tilespmem:$0x1E400] =	vst v63  }
0x7c: {  	_ =	swait.ge [sflag:s21], $0x2000  }
0x7d: {  	[sflag:s21] =	ssyncset.done $0x0  }
0x7e: {  	[sflag:s21] =	ssyncadd.s32 $0xFFFFE000  }
0x7f: {  	_ =	swait.ge [sflag:s22], $0x800  }
0x80: {  	[sflag:s22] =	ssyncset.done $0x0  }
0x81: {  	s31 =	simm.s32 $0xCA00;
	[sflag:s22] =	ssyncadd.s32 $0xFFFFF800  }
0x82: {  	[tilespmem:s30], [sflag:$0x1] =	stream.indirect.gather [hbm4b:s6+s29], $0x40, s31, s29, $0xb8;
	[tilespmem:$0x1E400] =	vst v63  }
0x83: {  	_ =	swait.ge [sflag:s13], $0x2000  }
0x84: {  	[sflag:s13] =	ssyncset.done $0x0  }
0x85: {  	s31 =	simm.s32 $0x11380;
	[sflag:s13] =	ssyncadd.s32 $0xFFFFE000  }
0x86: {  	[spmem:s2] =	stream.indirect.scatter.add.f32 [tilespmem:s17], [sflag:$0x8], $0x40, s31, s29, $0xb8;
	[tilespmem:$0x1E400] =	vst v63  }
0x87: {  	_ = 	snop  }
0x88: {  	[spmem:s3] =	stream.indirect.scatter.add.f32 [tilespmem:s25], [sflag:$0xC], $0x10, s31, s29, $0xb8;
	[tilespmem:$0x1E400] =	vst v63  }
0x89: {  	_ =	swait.ge [sflag:s7], $0x2000  }
0x8a: {  	[sflag:s7] =	ssyncset.done $0x0  }
0x8b: {  	[sflag:s7] =	ssyncadd.s32 $0xFFFFE000  }
0x8c: {  	_ =	swait.ge [sflag:s8], $0x800  }
0x8d: {  	[sflag:s8] =	ssyncset.done $0x0  }
0x8e: {  	s31 =	simm.s32 $0xCA80;
	[sflag:s8] =	ssyncadd.s32 $0xFFFFF800  }
0x8f: {  	[tilespmem:s0], [sflag:$0x2] =	stream.indirect.gather [hbm4b:s6+s29], $0x40, s31, s29, $0xb8;
	[tilespmem:$0x1E400] =	vst v63  }
.LBB2_6:
0x90: {  	_ =	swait.ge [sflag:s1], $0x2000  }
0x91: {  	s31 =	sshra.s32 s12, $0x2;
	[sflag:s1] =	ssyncset.done $0x0  }
0x92: {  	s4 =	sadd.s32 $0x11400, s31;
	[sflag:s1] =	ssyncadd.s32 $0xFFFFE000  }
0x93: {  	[spmem:s2] =	stream.indirect.scatter.add.f32 [tilespmem:s30], [sflag:$0x5], $0x40, s4, s29, $0xb8;
	[tilespmem:$0x1E400] =	vst v63  }
0x94: {  	_ = 	snop  }
0x95: {  	[spmem:s3] =	stream.indirect.scatter.add.f32 [tilespmem:s25], [sflag:$0x9], $0x10, s4, s29, $0xb8;
	[tilespmem:$0x1E400] =	vst v63  }
0x96: {  	_ =	swait.ge [sflag:s9], $0x2000  }
0x97: {  	[sflag:s9] =	ssyncset.done $0x0  }
0x98: {  	[sflag:s9] =	ssyncadd.s32 $0xFFFFE000  }
0x99: {  	_ =	swait.ge [sflag:s14], $0x800  }
0x9a: {  	[sflag:s14] =	ssyncset.done $0x0  }
0x9b: {  	s4 =	sadd.s32 $0xCB00, s31;
	[sflag:s14] =	ssyncadd.s32 $0xFFFFF800  }
0x9c: {  	[tilespmem:s10], [sflag:$0x3] =	stream.indirect.gather [hbm4b:s6+s29], $0x40, s4, s29, $0xb8;
	[tilespmem:$0x1E400] =	vst v63  }
0x9d: {  	_ =	swait.ge [sflag:s11], $0x2000  }
0x9e: {  	[sflag:s11] =	ssyncset.done $0x0  }
0x9f: {  	s4 =	sadd.s32 $0x11480, s31;
	[sflag:s11] =	ssyncadd.s32 $0xFFFFE000  }
0xa0: {  	[spmem:s2] =	stream.indirect.scatter.add.f32 [tilespmem:s0], [sflag:$0x6], $0x40, s4, s29, $0xb8;
	[tilespmem:$0x1E400] =	vst v63  }
0xa1: {  	_ = 	snop  }
0xa2: {  	[spmem:s3] =	stream.indirect.scatter.add.f32 [tilespmem:s25], [sflag:$0xA], $0x10, s4, s29, $0xb8;
	[tilespmem:$0x1E400] =	vst v63  }
0xa3: {  	_ =	swait.ge [sflag:s16], $0x2000  }
0xa4: {  	[sflag:s16] =	ssyncset.done $0x0  }
0xa5: {  	[sflag:s16] =	ssyncadd.s32 $0xFFFFE000  }
0xa6: {  	_ =	swait.ge [sflag:s19], $0x800  }
0xa7: {  	[sflag:s19] =	ssyncset.done $0x0  }
0xa8: {  	s4 =	sadd.s32 $0xCB80, s31;
	[sflag:s19] =	ssyncadd.s32 $0xFFFFF800  }
0xa9: {  	[tilespmem:s17], [sflag:$0x4] =	stream.indirect.gather [hbm4b:s6+s29], $0x40, s4, s29, $0xb8;
	[tilespmem:$0x1E400] =	vst v63  }
0xaa: {  	p1 =	seq.s32 s12, $0x11800;
	_ =	swait.ge [sflag:s18], $0x2000  }
.Ltmp3:
0xab: {  	[sflag:s18] =	ssyncset.done $0x0;
	(pc) =	sbr.rel @p1 .LBB2_8-.Ltmp3, $4  }
0xac: {  	s4 =	sadd.s32 $0x11500, s31;
	[sflag:s18] =	ssyncadd.s32 $0xFFFFE000  }
0xad: {  	[spmem:s2] =	stream.indirect.scatter.add.f32 [tilespmem:s10], [sflag:$0x7], $0x40, s4, s29, $0xb8;
	[tilespmem:$0x1E400] =	vst v63  }
0xae: {  	_ = 	snop  }
0xaf: {  	[spmem:s3] =	stream.indirect.scatter.add.f32 [tilespmem:s25], [sflag:$0xB], $0x10, s4, s29, $0xb8;
	[tilespmem:$0x1E400] =	vst v63  }
0xb0: {  	_ =	swait.ge [sflag:s21], $0x2000  }
0xb1: {  	[sflag:s21] =	ssyncset.done $0x0  }
0xb2: {  	[sflag:s21] =	ssyncadd.s32 $0xFFFFE000  }
0xb3: {  	_ =	swait.ge [sflag:s22], $0x800  }
0xb4: {  	[sflag:s22] =	ssyncset.done $0x0  }
0xb5: {  	s4 =	sadd.s32 $0xCC00, s31;
	[sflag:s22] =	ssyncadd.s32 $0xFFFFF800  }
0xb6: {  	[tilespmem:s30], [sflag:$0x1] =	stream.indirect.gather [hbm4b:s6+s29], $0x40, s4, s29, $0xb8;
	[tilespmem:$0x1E400] =	vst v63  }
0xb7: {  	_ =	swait.ge [sflag:s13], $0x2000  }
0xb8: {  	[sflag:s13] =	ssyncset.done $0x0  }
0xb9: {  	s4 =	sadd.s32 $0x11580, s31;
	[sflag:s13] =	ssyncadd.s32 $0xFFFFE000  }
0xba: {  	[spmem:s2] =	stream.indirect.scatter.add.f32 [tilespmem:s17], [sflag:$0x8], $0x40, s4, s29, $0xb8;
	[tilespmem:$0x1E400] =	vst v63  }
0xbb: {  	_ = 	snop  }
0xbc: {  	[spmem:s3] =	stream.indirect.scatter.add.f32 [tilespmem:s25], [sflag:$0xC], $0x10, s4, s29, $0xb8;
	[tilespmem:$0x1E400] =	vst v63  }
0xbd: {  	_ =	swait.ge [sflag:s7], $0x2000  }
0xbe: {  	[sflag:s7] =	ssyncset.done $0x0  }
.Ltmp4:
0xbf: {  	[sflag:s7] =	ssyncadd.s32 $0xFFFFE000;
	(pc) =	sbr.rel .LBB2_6-.Ltmp4, $4  }
0xc0: {  	_ =	swait.ge [sflag:s8], $0x800  }
0xc1: {  	[sflag:s8] =	ssyncset.done $0x0  }
0xc2: {  	s12 =	sadd.s32 $0x800, s12;
	s31 =	sadd.s32 $0xCC80, s31;
	[sflag:s8] =	ssyncadd.s32 $0xFFFFF800  }
0xc3: {  	[tilespmem:s0], [sflag:$0x2] =	stream.indirect.gather [hbm4b:s6+s29], $0x40, s31, s29, $0xb8;
	[tilespmem:$0x1E400] =	vst v63  }
.LBB2_2:
0xc4: {  	s4 =	rddreg [dreg:$0xf];
	s31 =	simm.s32 $0xC800  }
0xc5: {  	[tilespmem:s31], [sflag:$0xD] =	stream.linear.gather [hbm4b:s4+s12], $0x4A00, $0x38;
	[tilespmem:$0x1E400] =	vst v63  }
0xc6: {  	_ =	swait.ge [sflag:s24], $0x4A00  }
0xc7: {  	[sflag:s24] =	ssyncset.done $0x0  }
0xc8: {  	s4 =	rddreg [dreg:$0x10];
	[sflag:s24] =	ssyncadd.s32 $0xFFFFB600  }
0xc9: {  	[tilespmem:s28], [sflag:$0xD] =	stream.linear.gather [hbm4b:s4+s12], $0x4A00, $0x38;
	[tilespmem:$0x1E400] =	vst v63  }
0xca: {  	_ =	swait.ge [sflag:s24], $0x4A00  }
0xcb: {  	[sflag:s24] =	ssyncset.done $0x0  }
0xcc: {  	[sflag:s24] =	ssyncadd.s32 $0xFFFFB600  }
0xcd: {  	[bflag:$0x0] =	sbarrier.arrive $0xFFFF  }
0xce: {  	[tilespmem:s30], [sflag:$0x1] =	stream.indirect.gather [hbm4b:s5+s29], $0x40, s31, s29, $0xb8;
	[tilespmem:$0x1E400] =	vst v63  }
0xcf: {  	s31 =	simm.s32 $0xC880  }
0xd0: {  	[tilespmem:s0], [sflag:$0x2] =	stream.indirect.gather [hbm4b:s5+s29], $0x40, s31, s29, $0xb8;
	[tilespmem:$0x1E400] =	vst v63  }
0xd1: {  	_ =	swait.ge [sflag:s1], $0x2000  }
0xd2: {  	[sflag:s1] =	ssyncset.done $0x0  }
0xd3: {  	[sflag:s1] =	ssyncadd.s32 $0xFFFFE000  }
0xd4: {  	[spmem:s2] =	stream.indirect.scatter.add.f32 [tilespmem:s30], [sflag:$0x5], $0x40, s28, s29, $0xb8;
	[tilespmem:$0x1E400] =	vst v63  }
0xd5: {  	_ = 	snop  }
0xd6: {  	[spmem:s3] =	stream.indirect.scatter.add.f32 [tilespmem:s25], [sflag:$0x9], $0x10, s28, s29, $0xb8;
	[tilespmem:$0x1E400] =	vst v63  }
0xd7: {  	s31 =	simm.s32 $0xC900  }
0xd8: {  	[tilespmem:s10], [sflag:$0x3] =	stream.indirect.gather [hbm4b:s5+s29], $0x40, s31, s29, $0xb8;
	[tilespmem:$0x1E400] =	vst v63  }
0xd9: {  	_ =	swait.ge [sflag:s11], $0x2000  }
0xda: {  	[sflag:s11] =	ssyncset.done $0x0  }
0xdb: {  	s31 =	simm.s32 $0x11280;
	[sflag:s11] =	ssyncadd.s32 $0xFFFFE000  }
0xdc: {  	[spmem:s2] =	stream.indirect.scatter.add.f32 [tilespmem:s0], [sflag:$0x6], $0x40, s31, s29, $0xb8;
	[tilespmem:$0x1E400] =	vst v63  }
0xdd: {  	_ = 	snop  }
0xde: {  	[spmem:s3] =	stream.indirect.scatter.add.f32 [tilespmem:s25], [sflag:$0xA], $0x10, s31, s29, $0xb8;
	[tilespmem:$0x1E400] =	vst v63  }
0xdf: {  	s31 =	simm.s32 $0xC980  }
0xe0: {  	[tilespmem:s17], [sflag:$0x4] =	stream.indirect.gather [hbm4b:s5+s29], $0x40, s31, s29, $0xb8;
	[tilespmem:$0x1E400] =	vst v63  }
0xe1: {  	_ =	swait.ge [sflag:s18], $0x2000  }
0xe2: {  	[sflag:s18] =	ssyncset.done $0x0  }
0xe3: {  	s31 =	simm.s32 $0x11300;
	[sflag:s18] =	ssyncadd.s32 $0xFFFFE000  }
0xe4: {  	[spmem:s2] =	stream.indirect.scatter.add.f32 [tilespmem:s10], [sflag:$0x7], $0x40, s31, s29, $0xb8;
	[tilespmem:$0x1E400] =	vst v63  }
0xe5: {  	_ = 	snop  }
0xe6: {  	[spmem:s3] =	stream.indirect.scatter.add.f32 [tilespmem:s25], [sflag:$0xB], $0x10, s31, s29, $0xb8;
	[tilespmem:$0x1E400] =	vst v63  }
0xe7: {  	_ =	swait.ge [sflag:s21], $0x2000  }
0xe8: {  	[sflag:s21] =	ssyncset.done $0x0  }
0xe9: {  	[sflag:s21] =	ssyncadd.s32 $0xFFFFE000  }
0xea: {  	_ =	swait.ge [sflag:s22], $0x800  }
0xeb: {  	[sflag:s22] =	ssyncset.done $0x0  }
0xec: {  	s31 =	simm.s32 $0xCA00;
	[sflag:s22] =	ssyncadd.s32 $0xFFFFF800  }
0xed: {  	[tilespmem:s30], [sflag:$0x1] =	stream.indirect.gather [hbm4b:s5+s29], $0x40, s31, s29, $0xb8;
	[tilespmem:$0x1E400] =	vst v63  }
0xee: {  	_ =	swait.ge [sflag:s13], $0x2000  }
0xef: {  	[sflag:s13] =	ssyncset.done $0x0  }
0xf0: {  	s31 =	simm.s32 $0x11380;
	[sflag:s13] =	ssyncadd.s32 $0xFFFFE000  }
0xf1: {  	[spmem:s2] =	stream.indirect.scatter.add.f32 [tilespmem:s17], [sflag:$0x8], $0x40, s31, s29, $0xb8;
	[tilespmem:$0x1E400] =	vst v63  }
0xf2: {  	_ = 	snop  }
0xf3: {  	[spmem:s3] =	stream.indirect.scatter.add.f32 [tilespmem:s25], [sflag:$0xC], $0x10, s31, s29, $0xb8;
	[tilespmem:$0x1E400] =	vst v63  }
0xf4: {  	_ =	swait.ge [sflag:s7], $0x2000  }
0xf5: {  	[sflag:s7] =	ssyncset.done $0x0  }
0xf6: {  	[sflag:s7] =	ssyncadd.s32 $0xFFFFE000  }
0xf7: {  	_ =	swait.ge [sflag:s8], $0x800  }
0xf8: {  	[sflag:s8] =	ssyncset.done $0x0  }
0xf9: {  	s31 =	simm.s32 $0xCA80;
	[sflag:s8] =	ssyncadd.s32 $0xFFFFF800  }
0xfa: {  	[tilespmem:s0], [sflag:$0x2] =	stream.indirect.gather [hbm4b:s5+s29], $0x40, s31, s29, $0xb8;
	[tilespmem:$0x1E400] =	vst v63  }
.LBB2_3:
0xfb: {  	_ =	swait.ge [sflag:s1], $0x2000  }
0xfc: {  	s31 =	sshra.s32 s12, $0x2;
	[sflag:s1] =	ssyncset.done $0x0  }
0xfd: {  	s4 =	sadd.s32 $0x11400, s31;
	[sflag:s1] =	ssyncadd.s32 $0xFFFFE000  }
0xfe: {  	[spmem:s2] =	stream.indirect.scatter.add.f32 [tilespmem:s30], [sflag:$0x5], $0x40, s4, s29, $0xb8;
	[tilespmem:$0x1E400] =	vst v63  }
0xff: {  	_ = 	snop  }
0x100: {  	[spmem:s3] =	stream.indirect.scatter.add.f32 [tilespmem:s25], [sflag:$0x9], $0x10, s4, s29, $0xb8;
	[tilespmem:$0x1E400] =	vst v63  }
0x101: {  	_ =	swait.ge [sflag:s9], $0x2000  }
0x102: {  	[sflag:s9] =	ssyncset.done $0x0  }
0x103: {  	[sflag:s9] =	ssyncadd.s32 $0xFFFFE000  }
0x104: {  	_ =	swait.ge [sflag:s14], $0x800  }
0x105: {  	[sflag:s14] =	ssyncset.done $0x0  }
0x106: {  	s4 =	sadd.s32 $0xCB00, s31;
	[sflag:s14] =	ssyncadd.s32 $0xFFFFF800  }
0x107: {  	[tilespmem:s10], [sflag:$0x3] =	stream.indirect.gather [hbm4b:s5+s29], $0x40, s4, s29, $0xb8;
	[tilespmem:$0x1E400] =	vst v63  }
0x108: {  	_ =	swait.ge [sflag:s11], $0x2000  }
0x109: {  	[sflag:s11] =	ssyncset.done $0x0  }
0x10a: {  	s4 =	sadd.s32 $0x11480, s31;
	[sflag:s11] =	ssyncadd.s32 $0xFFFFE000  }
0x10b: {  	[spmem:s2] =	stream.indirect.scatter.add.f32 [tilespmem:s0], [sflag:$0x6], $0x40, s4, s29, $0xb8;
	[tilespmem:$0x1E400] =	vst v63  }
0x10c: {  	_ = 	snop  }
0x10d: {  	[spmem:s3] =	stream.indirect.scatter.add.f32 [tilespmem:s25], [sflag:$0xA], $0x10, s4, s29, $0xb8;
	[tilespmem:$0x1E400] =	vst v63  }
0x10e: {  	_ =	swait.ge [sflag:s16], $0x2000  }
0x10f: {  	[sflag:s16] =	ssyncset.done $0x0  }
0x110: {  	[sflag:s16] =	ssyncadd.s32 $0xFFFFE000  }
0x111: {  	_ =	swait.ge [sflag:s19], $0x800  }
0x112: {  	[sflag:s19] =	ssyncset.done $0x0  }
0x113: {  	s4 =	sadd.s32 $0xCB80, s31;
	[sflag:s19] =	ssyncadd.s32 $0xFFFFF800  }
0x114: {  	[tilespmem:s17], [sflag:$0x4] =	stream.indirect.gather [hbm4b:s5+s29], $0x40, s4, s29, $0xb8;
	[tilespmem:$0x1E400] =	vst v63  }
0x115: {  	p1 =	seq.s32 s12, $0x11800;
	_ =	swait.ge [sflag:s18], $0x2000  }
.Ltmp5:
0x116: {  	[sflag:s18] =	ssyncset.done $0x0;
	(pc) =	sbr.rel @p1 .LBB2_9-.Ltmp5, $4  }
0x117: {  	s4 =	sadd.s32 $0x11500, s31;
	[sflag:s18] =	ssyncadd.s32 $0xFFFFE000  }
0x118: {  	[spmem:s2] =	stream.indirect.scatter.add.f32 [tilespmem:s10], [sflag:$0x7], $0x40, s4, s29, $0xb8;
	[tilespmem:$0x1E400] =	vst v63  }
0x119: {  	_ = 	snop  }
0x11a: {  	[spmem:s3] =	stream.indirect.scatter.add.f32 [tilespmem:s25], [sflag:$0xB], $0x10, s4, s29, $0xb8;
	[tilespmem:$0x1E400] =	vst v63  }
0x11b: {  	_ =	swait.ge [sflag:s21], $0x2000  }
0x11c: {  	[sflag:s21] =	ssyncset.done $0x0  }
0x11d: {  	[sflag:s21] =	ssyncadd.s32 $0xFFFFE000  }
0x11e: {  	_ =	swait.ge [sflag:s22], $0x800  }
0x11f: {  	[sflag:s22] =	ssyncset.done $0x0  }
0x120: {  	s4 =	sadd.s32 $0xCC00, s31;
	[sflag:s22] =	ssyncadd.s32 $0xFFFFF800  }
0x121: {  	[tilespmem:s30], [sflag:$0x1] =	stream.indirect.gather [hbm4b:s5+s29], $0x40, s4, s29, $0xb8;
	[tilespmem:$0x1E400] =	vst v63  }
0x122: {  	_ =	swait.ge [sflag:s13], $0x2000  }
0x123: {  	[sflag:s13] =	ssyncset.done $0x0  }
0x124: {  	s4 =	sadd.s32 $0x11580, s31;
	[sflag:s13] =	ssyncadd.s32 $0xFFFFE000  }
0x125: {  	[spmem:s2] =	stream.indirect.scatter.add.f32 [tilespmem:s17], [sflag:$0x8], $0x40, s4, s29, $0xb8;
	[tilespmem:$0x1E400] =	vst v63  }
0x126: {  	_ = 	snop  }
0x127: {  	[spmem:s3] =	stream.indirect.scatter.add.f32 [tilespmem:s25], [sflag:$0xC], $0x10, s4, s29, $0xb8;
	[tilespmem:$0x1E400] =	vst v63  }
0x128: {  	_ =	swait.ge [sflag:s7], $0x2000  }
0x129: {  	[sflag:s7] =	ssyncset.done $0x0  }
.Ltmp6:
0x12a: {  	[sflag:s7] =	ssyncadd.s32 $0xFFFFE000;
	(pc) =	sbr.rel .LBB2_3-.Ltmp6, $4  }
0x12b: {  	_ =	swait.ge [sflag:s8], $0x800  }
0x12c: {  	[sflag:s8] =	ssyncset.done $0x0  }
0x12d: {  	s12 =	sadd.s32 $0x800, s12;
	s31 =	sadd.s32 $0xCC80, s31;
	[sflag:s8] =	ssyncadd.s32 $0xFFFFF800  }
0x12e: {  	[tilespmem:s0], [sflag:$0x2] =	stream.indirect.gather [hbm4b:s5+s29], $0x40, s31, s29, $0xb8;
	[tilespmem:$0x1E400] =	vst v63  }
.LBB2_8:
.Ltmp7:
0x12f: {  	(pc) =	sbr.rel .LBB2_10-.Ltmp7, $3  }
0x130: {  	_ =	sdelay $0x1  }
0x131: {  	s31 =	rddreg [dreg:$0xa]  }
0x132: {  	s4 =	sadd.s32 $0xE00, s12;
	s12 =	rddreg [dreg:$0xc]  }
.LBB2_11:
0x133: {  	_ =	sfence.sel $0x180000  }
0x134: {  	[bflag:$0x0] =	sbarrier.arrive $0xFFFF  }
0x135: {  	_ =	strace $0x90000047  }
0x136: {  	s0 =	stileid.u32;
	[bflag:$0x2] =	sbarrier.arrive $0xFFFF  }
0x137: {  	p0 =	sne.s32 s0, $0x0;
	s0 =	rddreg [dreg:$0x5]  }
0x138: {  	s0 =	sadd.s32 @!p0 $0x100000, s0  }
0x139: {  	[sflag:s0] =	ssyncadd.tile.s32 @!p0 $0x1;
	_ =	shalt  }
.Lfunc_end2:
_tile_overlayer_lowered:
.L_overlay_start_2:
0x13a: {  	(tag) =	ssettag $0x2  }
0x13b: {  	s0 =	rddreg [dreg:$0x0];
	s2 =	stileid.u32  }
0x13c: {  	s1 =	rddreg [dreg:$0x1];
	p0 =	sne.s32 s2, $0x0  }
0x13d: {  	s3 =	rddreg [dreg:$0x2];
	[bflag:$0x3] =	sbarrier.arrive $0xFFFF;
	s2 =	simm.s32 @!p0 $0x1C0D  }
0x13e: {  	[timem:s3], [sflag:s2] =	dma.local @!p0 [hbm:s0], s1  }
0x13f: {  	s0 =	simm.s32 @!p0 $0xD  }
0x140: {  	_ =	swait.ge @!p0 [sflag:s0], s1  }
0x141: {  	s1 =	ssub.s32 @!p0 $0x0, s1;
	[sflag:s0] =	ssyncset.done @!p0 $0x0  }
0x142: {  	[sflag:s0] =	ssyncadd.s32 @!p0 s1  }
0x143: {  	[bflag:$0x3] =	sbarrier.arrive $0xFFFF  }
0x144: {  	_ =	shalt  }

</sc_bundles>
